<compile_context>
chip_gen: v7x
topology: tpu7x:2x2x1
jax: 0.10.2.dev20260603
libtpu: 0.0.44.dev20260713+nightly
codegen_flags: <defaults>
</compile_context>

<pallas_src>
import functools

import jax
import jax.numpy as jnp
from jax import lax
from jax.experimental import pallas as pl
from jax.experimental.pallas import tpu as pltpu
from jax.experimental.pallas import tpu_sc as plsc

NUM_CORES = 2
NUM_SUBCORES = 16
NUM_WORKERS = NUM_CORES * NUM_SUBCORES
CHUNK = 128

_NBUF = 13
_LAG = 3



def _mm_body(x_ref, w_ref, o_ref):
    o_ref[...] = jnp.dot(x_ref[...], w_ref[...],
                         preferred_element_type=jnp.float32)


def _matmul(x, w, block_rows):
    n, d = x.shape
    h = w.shape[1]
    return pl.pallas_call(
        _mm_body,
        grid=(n // block_rows,),
        in_specs=[
            pl.BlockSpec((block_rows, d), lambda i: (i, 0)),
            pl.BlockSpec((d, h), lambda i: (0, 0)),
        ],
        out_specs=pl.BlockSpec((block_rows, h), lambda i: (i, 0)),
        out_shape=jax.ShapeDtypeStruct((n, h), jnp.float32),
    )(x, w)


def _scale_body(xw_ref, hist_ref, y_ref, dis_ref):
    n = xw_ref.shape[0]
    deg = jnp.sum(hist_ref[...], axis=0)[:n] + 1.0
    dis = lax.rsqrt(deg)[:, None]
    dis_ref[...] = jnp.broadcast_to(dis, dis_ref.shape)
    y_ref[...] = xw_ref[...] * dis


def _scale(xw, hist):
    n, h = xw.shape
    return pl.pallas_call(
        _scale_body,
        out_shape=[
            jax.ShapeDtypeStruct((n, h), jnp.float32),
            jax.ShapeDtypeStruct((n, h), jnp.float32),
        ],
    )(xw, hist)


def _final_body(p_ref, y_ref, dis_ref, b1_ref, w2_ref, b2_ref, o_ref):
    h = dis_ref[...] * (p_ref[0] + p_ref[1] + y_ref[...]) + b1_ref[...]
    h = jnp.maximum(h, 0.0)
    o_ref[...] = jnp.dot(h, w2_ref[...],
                         preferred_element_type=jnp.float32) + b2_ref[...]


def _final(parts2, y2, dis2, b1p, w2p, b2p):
    nr, _ = y2.shape
    cp = w2p.shape[1]
    return pl.pallas_call(
        _final_body,
        out_shape=jax.ShapeDtypeStruct((nr, cp), jnp.float32),
    )(parts2, y2, dis2, b1p, w2p, b2p)



def _sc_mesh():
    return plsc.VectorSubcoreMesh(
        core_axis_name="c", subcore_axis_name="s",
        num_cores=NUM_CORES, num_subcores=NUM_SUBCORES)


_SC_PARAMS = pltpu.CompilerParams(use_tc_tiling_on_sc=False)
_SC_PARAMS_NOLAYOUT = pltpu.CompilerParams(
    use_tc_tiling_on_sc=False, needs_layout_passes=False)


def _edge_split(e):
    chunks = e // CHUNK
    mc = chunks // NUM_WORKERS
    lb = chunks - mc * NUM_WORKERS
    return chunks, mc, lb


def _sc_hist(edge3, n, e):
    chunks, mc, lb = _edge_split(e)
    nh = -(-n // 128) * 128

    @functools.partial(
        pl.kernel,
        out_type=jax.ShapeDtypeStruct((NUM_WORKERS, nh), jnp.float32),
        mesh=_sc_mesh(),
        compiler_params=_SC_PARAMS_NOLAYOUT,
        scratch_types=[
            pltpu.VMEM((mc, CHUNK), jnp.int32),
            pltpu.VMEM((CHUNK,), jnp.int32),
            pltpu.VMEM((nh,), jnp.float32),
        ],
    )
    def k(edge3_hbm, out_hbm, idx_v, idxt_v, cnt_v):
        cid = lax.axis_index("c")
        sid = lax.axis_index("s")
        w = cid * NUM_SUBCORES + sid
        zeros16 = jnp.zeros((16,), jnp.float32)

        @pl.loop(0, nh // 16)
        def _(i):
            cnt_v[pl.ds(i * 16, 16)] = zeros16

        pltpu.sync_copy(edge3_hbm.at[1, pl.ds(w * mc, mc)], idx_v)
        ones16 = jnp.ones((16,), jnp.float32)

        @pl.loop(0, mc)
        def _(r):
            @pl.loop(0, CHUNK // 16)
            def _(c):
                idx16 = idx_v[r, pl.ds(c * 16, 16)]
                plsc.addupdate_scatter(cnt_v, [idx16], ones16)

        if lb:
            @pl.when(w < lb)
            def _():
                pltpu.sync_copy(edge3_hbm.at[1, mc * NUM_WORKERS + w], idxt_v)

                @pl.loop(0, CHUNK // 16)
                def _(c):
                    idx16 = idxt_v[pl.ds(c * 16, 16)]
                    plsc.addupdate_scatter(cnt_v, [idx16], ones16)

        pltpu.sync_copy(cnt_v, out_hbm.at[w])

    return k(edge3)


def _sc_scatter(edge3, y, zeros_init, n, e, h):
    chunks, mc, lb = _edge_split(e)
    rows_per_sub = n // NUM_SUBCORES
    n_groups = mc // _NBUF
    rem = mc - n_groups * _NBUF

    @functools.partial(
        pl.kernel,
        out_type=jax.ShapeDtypeStruct((NUM_CORES, n, h), jnp.float32),
        mesh=_sc_mesh(),
        compiler_params=_SC_PARAMS,
        scratch_types=[
            pltpu.VMEM((mc, CHUNK), jnp.int32),
            pltpu.VMEM((mc, CHUNK), jnp.int32),
            pltpu.VMEM((CHUNK,), jnp.int32),
            pltpu.VMEM((CHUNK,), jnp.int32),
            pltpu.VMEM((_NBUF, CHUNK, h), jnp.float32),
            pltpu.VMEM((CHUNK, h), jnp.float32),
            pltpu.VMEM_SHARED((n, h), jnp.float32),
            pltpu.SemaphoreType.DMA,
            pltpu.SemaphoreType.DMA,
        ],
    )
    def k(edge3_hbm, y_hbm, zeros_hbm, out_hbm,
          idxs_v, idxd_v, idxts_v, idxtd_v, rows_v, rowst_v, acc_sh,
          sem_g, sem_s):
        cid = lax.axis_index("c")
        sid = lax.axis_index("s")
        w = cid * NUM_SUBCORES + sid
        row0 = sid * rows_per_sub
        pltpu.sync_copy(zeros_hbm.at[pl.ds(row0, rows_per_sub)],
                        acc_sh.at[pl.ds(row0, rows_per_sub)])
        pltpu.sync_copy(edge3_hbm.at[0, pl.ds(w * mc, mc)], idxs_v)
        pltpu.sync_copy(edge3_hbm.at[1, pl.ds(w * mc, mc)], idxd_v)
        plsc.subcore_barrier()

        for b in range(_NBUF - _LAG):
            pltpu.async_copy(y_hbm.at[idxs_v.at[b]], rows_v.at[b], sem_g)

        @pl.loop(0, n_groups)
        def _(o):
            for b in range(_NBUF):
                i = o * _NBUF + b
                pltpu.make_async_copy(
                    y_hbm.at[idxs_v.at[i]], rows_v.at[b], sem_g).wait()
                pltpu.async_copy(rows_v.at[b], acc_sh.at[idxd_v.at[i]],
                                 sem_s, add=True)
                refill = i + _NBUF - _LAG
                bb = (b - _LAG) % _NBUF

                @pl.when(refill < mc)
                def _():
                    @pl.when(i >= _LAG)
                    def _():
                        pltpu.make_async_copy(
                            rows_v.at[bb], acc_sh.at[idxd_v.at[i]],
                            sem_s).wait()
                    pltpu.async_copy(y_hbm.at[idxs_v.at[refill]],
                                     rows_v.at[bb], sem_g)

        for b in range(min(_NBUF, mc)):
            pltpu.make_async_copy(rows_v.at[b], acc_sh.at[idxd_v.at[b]],
                                  sem_s).wait()

        for r in range(rem):
            i = n_groups * _NBUF + r
            pltpu.async_copy(y_hbm.at[idxs_v.at[i]], rows_v.at[0],
                             sem_g).wait()
            pltpu.sync_copy(rows_v.at[0], acc_sh.at[idxd_v.at[i]], add=True)

        if lb:
            @pl.when(w < lb)
            def _():
                blk = mc * NUM_WORKERS + w
                pltpu.sync_copy(edge3_hbm.at[0, blk], idxts_v)
                pltpu.sync_copy(edge3_hbm.at[1, blk], idxtd_v)
                pltpu.async_copy(y_hbm.at[idxts_v], rowst_v, sem_g).wait()
                pltpu.sync_copy(rowst_v, acc_sh.at[idxtd_v], add=True)

        plsc.subcore_barrier()
        pltpu.sync_copy(acc_sh.at[pl.ds(row0, rows_per_sub)],
                        out_hbm.at[cid, pl.ds(row0, rows_per_sub)])

    return k(edge3, y, zeros_init)



def kernel(x, edge_index, W1, b1, W2, b2):
    n, d = x.shape
    h = W1.shape[1]
    c = W2.shape[1]
    e = edge_index.shape[1]

    edge3 = edge_index.astype(jnp.int32).reshape(2, e // CHUNK, CHUNK)
    zeros_init = jnp.zeros((n, h), jnp.float32)

    pack = 128 // h
    block_rows = 2000 if n % 2000 == 0 else 8 * (n // 8)

    xw = _matmul(x, W1, block_rows)
    hist = _sc_hist(edge3, n, e)
    y, dis = _scale(xw, hist)
    parts = _sc_scatter(edge3, y, zeros_init, n, e, h)

    parts2 = parts.reshape(NUM_CORES, n // pack, 128)
    y2 = y.reshape(n // pack, 128)
    dis2 = dis.reshape(n // pack, 128)
    w2p = jnp.kron(jnp.eye(pack, dtype=jnp.float32), W2)
    b1p = jnp.tile(b1, pack).reshape(1, 128)
    b2p = jnp.tile(b2, pack).reshape(1, pack * c)
    out2 = _final(parts2, y2, dis2, b1p, w2p, b2p)
    return out2.reshape(n, c)

# --- scband reference (transcript-rebuilt; emitter-appended) ---
"""Pipeline reference for scband-very-simplified-gnn-61272003444816 (READ-ONLY COPY).

The authoritative reference and input builder live on the scoring server;
editing this copy changes nothing except your own understanding.
"""

import jax, jax.numpy as jnp
import numpy as np

N_NODES = 10000
N_EDGES = 320000
D_FEAT = 128
D_HID = 16
N_CLASSES = 64


def setup_inputs(seed: int = 0) -> dict:
    key = jax.random.key(seed)
    k_x, k_e, k_w1, k_b1, k_w2, k_b2 = jax.random.split(key, 6)
    x = jax.random.normal(k_x, (N_NODES, D_FEAT), dtype=jnp.float32)
    edge_index = jax.random.randint(k_e, (2, N_EDGES), 0, N_NODES, dtype=jnp.int64)
    # GCNConv weight (glorot) and zero bias, as in torch_geometric defaults
    W1 = jax.random.normal(k_w1, (D_FEAT, D_HID), dtype=jnp.float32) * (1.0 / np.sqrt(D_FEAT))
    b1 = jnp.zeros((D_HID,), dtype=jnp.float32)
    # Linear layer params
    W2 = jax.random.normal(k_w2, (D_HID, N_CLASSES), dtype=jnp.float32) * (1.0 / np.sqrt(D_HID))
    b2 = jax.random.uniform(k_b2, (N_CLASSES,), dtype=jnp.float32, minval=-1.0 / np.sqrt(D_HID), maxval=1.0 / np.sqrt(D_HID))
    return {"x": x, "edge_index": edge_index, "W1": W1, "b1": b1, "W2": W2, "b2": b2}


def _gcn_conv(x, edge_index, W, b):
    N = x.shape[0]
    src = edge_index[0]
    dst = edge_index[1]
    loop = jnp.arange(N, dtype=src.dtype)
    src = jnp.concatenate([src, loop])
    dst = jnp.concatenate([dst, loop])
    # symmetric normalization D^{-1/2} (A+I) D^{-1/2}
    deg = jnp.zeros((N,), dtype=x.dtype).at[dst].add(1.0)
    deg_inv_sqrt = jnp.where(deg > 0, jax.lax.rsqrt(deg), 0.0)
    norm = deg_inv_sqrt[src] * deg_inv_sqrt[dst]
    xw = x @ W
    msgs = xw[src] * norm[:, None]
    out = jnp.zeros((N, W.shape[1]), dtype=x.dtype).at[dst].add(msgs)
    return out + b


def reference(x, edge_index, W1, b1, W2, b2):
    h = _gcn_conv(x, edge_index, W1, b1)
    h = jax.nn.relu(h)
    out = h @ W2 + b2
    return out

if __name__ == "__main__":
    import jax
    _d = setup_inputs()
    print(jax.jit(kernel)(*tuple(_d.values())))

</pallas_src>

<mosaic_0001>
#map = affine_map<(d0, d1) -> (0, 0, 0)>
#map1 = affine_map<(d0, d1) -> (0, 0)>
module attributes {stable_mosaic.version = 14 : i64} {
  func.func @k(%arg0: i32, %arg1: i32, %arg2: memref<2x2500x128xi32, #tpu.memory_space<hbm>>, %arg3: memref<32x10112xf32, #tpu.memory_space<hbm>>, %arg4: memref<78x128xi32, #tpu.memory_space<vmem>>, %arg5: memref<128xi32, #tpu.memory_space<vmem>>, %arg6: memref<10112xf32, #tpu.memory_space<vmem>>) attributes {dimension_semantics = [#tpu.dimension_semantics<core_parallel>, #tpu.dimension_semantics<subcore_parallel>], iteration_bounds = array<i64: 2, 16>, scalar_prefetch = 0 : i64, scratch_operands = 3 : i64, tpu.core_type = #tpu.core_type<sc_vector_subcore>, window_params = [{transform_indices = #map}, {transform_indices = #map1}]} {
    %mul3A = arith.constant 16 : i32
    %mul3A_0 = arith.muli %arg0, %mul3A : i32
    %add3A = arith.addi %mul3A_0, %arg1 : i32
    %broadcast_in_dim3A = arith.constant 0.000000e+00 : f32
    %broadcast_in_dim3A_1 = vector.broadcast %broadcast_in_dim3A : f32 to vector<16xf32>
    %scan3A = arith.constant 0 : i32
    %scan3A_2 = arith.constant 632 : i32
    %scan3A_3 = arith.addi %scan3A, %scan3A_2 : i32
    %scan3A_4 = arith.constant 1 : i32
    scf.for %scan3A_17 = %scan3A to %scan3A_3 step %scan3A_4  : i32 {
      %mul3A_18 = arith.constant 1 : i32
      %mul3A_19 = arith.muli %scan3A_17, %mul3A_18 : i32
      %add3A_20 = arith.constant 0 : i32
      %add3A_21 = arith.addi %add3A_20, %mul3A_19 : i32
      %mul3A_22 = arith.constant 16 : i32
      %mul3A_23 = arith.muli %add3A_21, %mul3A_22 : i32
      %swap3A = arith.index_cast %mul3A_23 : i32 to index
      %swap3A_24 = tpu.vector_load %arg6[%swap3A] {strides = array<i32>} : memref<10112xf32, #tpu.memory_space<vmem>>, vector<16xf32>,
      tpu.vector_store %arg6[%swap3A], %broadcast_in_dim3A_1 {strides = array<i32>} : memref<10112xf32, #tpu.memory_space<vmem>>, vector<16xf32>,
    }
    %scan3A_5 = arith.constant 632 : i32
    %mul3A_6 = arith.constant 78 : i32
    %mul3A_7 = arith.muli %add3A, %mul3A_6 : i32
    %run_scoped3A = arith.constant 1 : i32
    "tpu.region"() ({
      %run_scoped3A_17 = tpu.sem_alloc : memref<!tpu.dma_semaphore, #tpu.memory_space<semaphore_mem>>
      %dma_start3A = arith.constant 0 : i32
      %dma_start3A_18 = tpu.memref_slice %arg2[%run_scoped3A, %mul3A_7, %dma_start3A] : memref<2x2500x128xi32, #tpu.memory_space<hbm>> -> memref<1x78x128xi32, #tpu.memory_space<hbm>>
      %dma_start3A_19 = tpu.memref_squeeze %dma_start3A_18 : memref<1x78x128xi32, #tpu.memory_space<hbm>> -> memref<78x128xi32, #tpu.memory_space<hbm>>
      %dma_start3A_20 = arith.constant 0 : i32
      %dma_start3A_21 = tpu.memref_slice %arg2[%run_scoped3A, %mul3A_7, %dma_start3A_20] : memref<2x2500x128xi32, #tpu.memory_space<hbm>> -> memref<1x78x128xi32, #tpu.memory_space<hbm>>
      %dma_start3A_22 = tpu.memref_squeeze %dma_start3A_21 : memref<1x78x128xi32, #tpu.memory_space<hbm>> -> memref<78x128xi32, #tpu.memory_space<hbm>>
      tpu.enqueue_dma source(%dma_start3A_22 : memref<78x128xi32, #tpu.memory_space<hbm>>) target(%arg4 : memref<78x128xi32, #tpu.memory_space<vmem>>) target_semaphore(%run_scoped3A_17 : memref<!tpu.dma_semaphore, #tpu.memory_space<semaphore_mem>>)
      %dma_wait3A = arith.constant 0 : i32
      %dma_wait3A_23 = tpu.memref_slice %arg2[%run_scoped3A, %mul3A_7, %dma_wait3A] : memref<2x2500x128xi32, #tpu.memory_space<hbm>> -> memref<1x78x128xi32, #tpu.memory_space<hbm>>
      %dma_wait3A_24 = tpu.memref_squeeze %dma_wait3A_23 : memref<1x78x128xi32, #tpu.memory_space<hbm>> -> memref<78x128xi32, #tpu.memory_space<hbm>>
      %dma_wait3A_25 = arith.constant 0 : i32
      %dma_wait3A_26 = tpu.memref_slice %arg2[%run_scoped3A, %mul3A_7, %dma_wait3A_25] : memref<2x2500x128xi32, #tpu.memory_space<hbm>> -> memref<1x78x128xi32, #tpu.memory_space<hbm>>
      %dma_wait3A_27 = tpu.memref_squeeze %dma_wait3A_26 : memref<1x78x128xi32, #tpu.memory_space<hbm>> -> memref<78x128xi32, #tpu.memory_space<hbm>>
      tpu.wait_dma2 semaphore(%run_scoped3A_17 : memref<!tpu.dma_semaphore, #tpu.memory_space<semaphore_mem>>) src(%dma_wait3A_27 : memref<78x128xi32, #tpu.memory_space<hbm>>) dst(%arg4 : memref<78x128xi32, #tpu.memory_space<vmem>>)
      tpu.yield
    }) : () -> ()
    %broadcast_in_dim3A_8 = arith.constant 1.000000e+00 : f32
    %broadcast_in_dim3A_9 = vector.broadcast %broadcast_in_dim3A_8 : f32 to vector<16xf32>
    %scan3A_10 = arith.constant 0 : i32
    %scan3A_11 = arith.constant 78 : i32
    %scan3A_12 = arith.addi %scan3A_10, %scan3A_11 : i32
    %scan3A_13 = arith.constant 1 : i32
    scf.for %scan3A_17 = %scan3A_10 to %scan3A_12 step %scan3A_13  : i32 {
      %mul3A_18 = arith.constant 1 : i32
      %mul3A_19 = arith.muli %scan3A_17, %mul3A_18 : i32
      %add3A_20 = arith.constant 0 : i32
      %add3A_21 = arith.addi %add3A_20, %mul3A_19 : i32
      %scan3A_22 = arith.constant 0 : i32
      %scan3A_23 = arith.constant 8 : i32
      %scan3A_24 = arith.addi %scan3A_22, %scan3A_23 : i32
      %scan3A_25 = arith.constant 1 : i32
      scf.for %scan3A_27 = %scan3A_22 to %scan3A_24 step %scan3A_25  : i32 {
        %mul3A_28 = arith.constant 1 : i32
        %mul3A_29 = arith.muli %scan3A_27, %mul3A_28 : i32
        %add3A_30 = arith.constant 0 : i32
        %add3A_31 = arith.addi %add3A_30, %mul3A_29 : i32
        %mul3A_32 = arith.constant 16 : i32
        %mul3A_33 = arith.muli %add3A_31, %mul3A_32 : i32
        %get3A = arith.index_cast %add3A_21 : i32 to index
        %get3A_34 = arith.index_cast %mul3A_33 : i32 to index
        %get3A_35 = tpu.vector_load %arg4[%get3A, %get3A_34] {strides = array<i32>} : memref<78x128xi32, #tpu.memory_space<vmem>>, vector<16xi32>,
        tpu.vector_store_idx %arg6[%get3A_35], %broadcast_in_dim3A_9 {add = true} : memref<10112xf32, #tpu.memory_space<vmem>>[vector<16xi32>], vector<16xf32>,
      }
      %scan3A_26 = arith.constant 8 : i32
    }
    %scan3A_14 = arith.constant 78 : i32
    %lt3A = arith.constant 4 : i32
    %lt3A_15 = arith.cmpi slt, %add3A, %lt3A : i32
    %convert_element_type3A = arith.extui %lt3A_15 : i1 to i32
    %cond3A = arith.constant 0 : i32
    %cond3A_16 = arith.cmpi ne, %convert_element_type3A, %cond3A : i32
    scf.if %cond3A_16 {
      %add3A_17 = arith.constant 2496 : i32
      %add3A_18 = arith.addi %add3A_17, %add3A : i32
      %run_scoped3A_19 = arith.constant 1 : i32
      "tpu.region"() ({
        %run_scoped3A_25 = tpu.sem_alloc : memref<!tpu.dma_semaphore, #tpu.memory_space<semaphore_mem>>
        %dma_start3A = arith.constant 0 : i32
        %dma_start3A_26 = tpu.memref_slice %arg2[%run_scoped3A_19, %add3A_18, %dma_start3A] : memref<2x2500x128xi32, #tpu.memory_space<hbm>> -> memref<1x1x128xi32, #tpu.memory_space<hbm>>
        %dma_start3A_27 = tpu.memref_squeeze %dma_start3A_26 : memref<1x1x128xi32, #tpu.memory_space<hbm>> -> memref<128xi32, #tpu.memory_space<hbm>>
        %dma_start3A_28 = arith.constant 0 : i32
        %dma_start3A_29 = tpu.memref_slice %arg2[%run_scoped3A_19, %add3A_18, %dma_start3A_28] : memref<2x2500x128xi32, #tpu.memory_space<hbm>> -> memref<1x1x128xi32, #tpu.memory_space<hbm>>
        %dma_start3A_30 = tpu.memref_squeeze %dma_start3A_29 : memref<1x1x128xi32, #tpu.memory_space<hbm>> -> memref<128xi32, #tpu.memory_space<hbm>>
        tpu.enqueue_dma source(%dma_start3A_30 : memref<128xi32, #tpu.memory_space<hbm>>) target(%arg5 : memref<128xi32, #tpu.memory_space<vmem>>) target_semaphore(%run_scoped3A_25 : memref<!tpu.dma_semaphore, #tpu.memory_space<semaphore_mem>>)
        %dma_wait3A = arith.constant 0 : i32
        %dma_wait3A_31 = tpu.memref_slice %arg2[%run_scoped3A_19, %add3A_18, %dma_wait3A] : memref<2x2500x128xi32, #tpu.memory_space<hbm>> -> memref<1x1x128xi32, #tpu.memory_space<hbm>>
        %dma_wait3A_32 = tpu.memref_squeeze %dma_wait3A_31 : memref<1x1x128xi32, #tpu.memory_space<hbm>> -> memref<128xi32, #tpu.memory_space<hbm>>
        %dma_wait3A_33 = arith.constant 0 : i32
        %dma_wait3A_34 = tpu.memref_slice %arg2[%run_scoped3A_19, %add3A_18, %dma_wait3A_33] : memref<2x2500x128xi32, #tpu.memory_space<hbm>> -> memref<1x1x128xi32, #tpu.memory_space<hbm>>
        %dma_wait3A_35 = tpu.memref_squeeze %dma_wait3A_34 : memref<1x1x128xi32, #tpu.memory_space<hbm>> -> memref<128xi32, #tpu.memory_space<hbm>>
        tpu.wait_dma2 semaphore(%run_scoped3A_25 : memref<!tpu.dma_semaphore, #tpu.memory_space<semaphore_mem>>) src(%dma_wait3A_35 : memref<128xi32, #tpu.memory_space<hbm>>) dst(%arg5 : memref<128xi32, #tpu.memory_space<vmem>>)
        tpu.yield
      }) : () -> ()
      %scan3A_20 = arith.constant 0 : i32
      %scan3A_21 = arith.constant 8 : i32
      %scan3A_22 = arith.addi %scan3A_20, %scan3A_21 : i32
      %scan3A_23 = arith.constant 1 : i32
      scf.for %scan3A_25 = %scan3A_20 to %scan3A_22 step %scan3A_23  : i32 {
        %mul3A_26 = arith.constant 1 : i32
        %mul3A_27 = arith.muli %scan3A_25, %mul3A_26 : i32
        %add3A_28 = arith.constant 0 : i32
        %add3A_29 = arith.addi %add3A_28, %mul3A_27 : i32
        %mul3A_30 = arith.constant 16 : i32
        %mul3A_31 = arith.muli %add3A_29, %mul3A_30 : i32
        %get3A = arith.index_cast %mul3A_31 : i32 to index
        %get3A_32 = tpu.vector_load %arg5[%get3A] {strides = array<i32>} : memref<128xi32, #tpu.memory_space<vmem>>, vector<16xi32>,
        tpu.vector_store_idx %arg6[%get3A_32], %broadcast_in_dim3A_9 {add = true} : memref<10112xf32, #tpu.memory_space<vmem>>[vector<16xi32>], vector<16xf32>,
      }
      %scan3A_24 = arith.constant 8 : i32
    } else {
    }
    "tpu.region"() ({
      %run_scoped3A_17 = tpu.sem_alloc : memref<!tpu.dma_semaphore, #tpu.memory_space<semaphore_mem>>
      %dma_start3A = arith.constant 0 : i32
      %dma_start3A_18 = tpu.memref_slice %arg3[%add3A, %dma_start3A] : memref<32x10112xf32, #tpu.memory_space<hbm>> -> memref<1x10112xf32, #tpu.memory_space<hbm>>
      %dma_start3A_19 = tpu.memref_squeeze %dma_start3A_18 : memref<1x10112xf32, #tpu.memory_space<hbm>> -> memref<10112xf32, #tpu.memory_space<hbm>>
      %dma_start3A_20 = arith.constant 0 : i32
      %dma_start3A_21 = tpu.memref_slice %arg3[%add3A, %dma_start3A_20] : memref<32x10112xf32, #tpu.memory_space<hbm>> -> memref<1x10112xf32, #tpu.memory_space<hbm>>
      %dma_start3A_22 = tpu.memref_squeeze %dma_start3A_21 : memref<1x10112xf32, #tpu.memory_space<hbm>> -> memref<10112xf32, #tpu.memory_space<hbm>>
      tpu.enqueue_dma source(%arg6 : memref<10112xf32, #tpu.memory_space<vmem>>) target(%dma_start3A_22 : memref<10112xf32, #tpu.memory_space<hbm>>) target_semaphore(%run_scoped3A_17 : memref<!tpu.dma_semaphore, #tpu.memory_space<semaphore_mem>>)
      %dma_wait3A = arith.constant 0 : i32
      %dma_wait3A_23 = tpu.memref_slice %arg3[%add3A, %dma_wait3A] : memref<32x10112xf32, #tpu.memory_space<hbm>> -> memref<1x10112xf32, #tpu.memory_space<hbm>>
      %dma_wait3A_24 = tpu.memref_squeeze %dma_wait3A_23 : memref<1x10112xf32, #tpu.memory_space<hbm>> -> memref<10112xf32, #tpu.memory_space<hbm>>
      %dma_wait3A_25 = arith.constant 0 : i32
      %dma_wait3A_26 = tpu.memref_slice %arg3[%add3A, %dma_wait3A_25] : memref<32x10112xf32, #tpu.memory_space<hbm>> -> memref<1x10112xf32, #tpu.memory_space<hbm>>
      %dma_wait3A_27 = tpu.memref_squeeze %dma_wait3A_26 : memref<1x10112xf32, #tpu.memory_space<hbm>> -> memref<10112xf32, #tpu.memory_space<hbm>>
      tpu.wait_dma2 semaphore(%run_scoped3A_17 : memref<!tpu.dma_semaphore, #tpu.memory_space<semaphore_mem>>) src(%arg6 : memref<10112xf32, #tpu.memory_space<vmem>>) dst(%dma_wait3A_27 : memref<10112xf32, #tpu.memory_space<hbm>>)
      tpu.yield
    }) : () -> ()
    return
  }
}

#map = affine_map<(d0, d1) -> (0, 0, 0)>
#map1 = affine_map<(d0, d1) -> (0, 0)>
module attributes {stable_mosaic.version = 14 : i64} {
  func.func @k(%arg0: i32, %arg1: i32, %arg2: memref<2x2500x128xi32, #tpu.memory_space<hbm>>, %arg3: memref<10000x16xf32, #tpu.memory_space<hbm>>, %arg4: memref<10000x16xf32, #tpu.memory_space<hbm>>, %arg5: memref<2x10000x16xf32, #tpu.memory_space<hbm>>, %arg6: memref<78x128xi32, #tpu.memory_space<vmem>>, %arg7: memref<78x128xi32, #tpu.memory_space<vmem>>, %arg8: memref<128xi32, #tpu.memory_space<vmem>>, %arg9: memref<128xi32, #tpu.memory_space<vmem>>, %arg10: memref<13x128x16xf32, #tpu.memory_space<vmem>>, %arg11: memref<128x16xf32, #tpu.memory_space<vmem>>, %arg12: memref<10000x16xf32, #tpu.memory_space<vmem_shared>>, %arg13: memref<!tpu.dma_semaphore, #tpu.memory_space<semaphore_mem>>, %arg14: memref<!tpu.dma_semaphore, #tpu.memory_space<semaphore_mem>>) attributes {dimension_semantics = [#tpu.dimension_semantics<core_parallel>, #tpu.dimension_semantics<subcore_parallel>], iteration_bounds = array<i64: 2, 16>, scalar_prefetch = 0 : i64, scratch_operands = 9 : i64, tpu.core_type = #tpu.core_type<sc_vector_subcore>, window_params = [{transform_indices = #map}, {transform_indices = #map1}, {transform_indices = #map1}, {transform_indices = #map}]} {
    %mul3A = arith.constant 16 : i32
    %mul3A_0 = arith.muli %arg0, %mul3A : i32
    %add3A = arith.addi %mul3A_0, %arg1 : i32
    %mul3A_1 = arith.constant 625 : i32
    %mul3A_2 = arith.muli %arg1, %mul3A_1 : i32
    "tpu.region"() ({
      %run_scoped3A_289 = tpu.sem_alloc : memref<!tpu.dma_semaphore, #tpu.memory_space<semaphore_mem>>
      %dma_start3A_290 = arith.constant 0 : i32
      %dma_start3A_291 = tpu.memref_slice %arg12[%mul3A_2, %dma_start3A_290] : memref<10000x16xf32, #tpu.memory_space<vmem_shared>> -> memref<625x16xf32, #tpu.memory_space<vmem_shared>>
      %dma_start3A_292 = arith.constant 0 : i32
      %dma_start3A_293 = tpu.memref_slice %arg4[%mul3A_2, %dma_start3A_292] : memref<10000x16xf32, #tpu.memory_space<hbm>> -> memref<625x16xf32, #tpu.memory_space<hbm>>
      tpu.enqueue_dma source(%dma_start3A_293 : memref<625x16xf32, #tpu.memory_space<hbm>>) target(%dma_start3A_291 : memref<625x16xf32, #tpu.memory_space<vmem_shared>>) target_semaphore(%run_scoped3A_289 : memref<!tpu.dma_semaphore, #tpu.memory_space<semaphore_mem>>)
      %dma_wait3A_294 = arith.constant 0 : i32
      %dma_wait3A_295 = tpu.memref_slice %arg12[%mul3A_2, %dma_wait3A_294] : memref<10000x16xf32, #tpu.memory_space<vmem_shared>> -> memref<625x16xf32, #tpu.memory_space<vmem_shared>>
      %dma_wait3A_296 = arith.constant 0 : i32
      %dma_wait3A_297 = tpu.memref_slice %arg4[%mul3A_2, %dma_wait3A_296] : memref<10000x16xf32, #tpu.memory_space<hbm>> -> memref<625x16xf32, #tpu.memory_space<hbm>>
      tpu.wait_dma2 semaphore(%run_scoped3A_289 : memref<!tpu.dma_semaphore, #tpu.memory_space<semaphore_mem>>) src(%dma_wait3A_297 : memref<625x16xf32, #tpu.memory_space<hbm>>) dst(%dma_wait3A_295 : memref<625x16xf32, #tpu.memory_space<vmem_shared>>)
      tpu.yield
    }) : () -> ()
    %mul3A_3 = arith.constant 78 : i32
    %mul3A_4 = arith.muli %add3A, %mul3A_3 : i32
    %run_scoped3A = arith.constant 0 : i32
    "tpu.region"() ({
      %run_scoped3A_289 = tpu.sem_alloc : memref<!tpu.dma_semaphore, #tpu.memory_space<semaphore_mem>>
      %dma_start3A_290 = arith.constant 0 : i32
      %dma_start3A_291 = tpu.memref_slice %arg2[%run_scoped3A, %mul3A_4, %dma_start3A_290] : memref<2x2500x128xi32, #tpu.memory_space<hbm>> -> memref<1x78x128xi32, #tpu.memory_space<hbm>>
      %dma_start3A_292 = tpu.memref_squeeze %dma_start3A_291 : memref<1x78x128xi32, #tpu.memory_space<hbm>> -> memref<78x128xi32, #tpu.memory_space<hbm>>
      %dma_start3A_293 = arith.constant 0 : i32
      %dma_start3A_294 = tpu.memref_slice %arg2[%run_scoped3A, %mul3A_4, %dma_start3A_293] : memref<2x2500x128xi32, #tpu.memory_space<hbm>> -> memref<1x78x128xi32, #tpu.memory_space<hbm>>
      %dma_start3A_295 = tpu.memref_squeeze %dma_start3A_294 : memref<1x78x128xi32, #tpu.memory_space<hbm>> -> memref<78x128xi32, #tpu.memory_space<hbm>>
      tpu.enqueue_dma source(%dma_start3A_295 : memref<78x128xi32, #tpu.memory_space<hbm>>) target(%arg6 : memref<78x128xi32, #tpu.memory_space<vmem>>) target_semaphore(%run_scoped3A_289 : memref<!tpu.dma_semaphore, #tpu.memory_space<semaphore_mem>>)
      %dma_wait3A_296 = arith.constant 0 : i32
      %dma_wait3A_297 = tpu.memref_slice %arg2[%run_scoped3A, %mul3A_4, %dma_wait3A_296] : memref<2x2500x128xi32, #tpu.memory_space<hbm>> -> memref<1x78x128xi32, #tpu.memory_space<hbm>>
      %dma_wait3A_298 = tpu.memref_squeeze %dma_wait3A_297 : memref<1x78x128xi32, #tpu.memory_space<hbm>> -> memref<78x128xi32, #tpu.memory_space<hbm>>
      %dma_wait3A_299 = arith.constant 0 : i32
      %dma_wait3A_300 = tpu.memref_slice %arg2[%run_scoped3A, %mul3A_4, %dma_wait3A_299] : memref<2x2500x128xi32, #tpu.memory_space<hbm>> -> memref<1x78x128xi32, #tpu.memory_space<hbm>>
      %dma_wait3A_301 = tpu.memref_squeeze %dma_wait3A_300 : memref<1x78x128xi32, #tpu.memory_space<hbm>> -> memref<78x128xi32, #tpu.memory_space<hbm>>
      tpu.wait_dma2 semaphore(%run_scoped3A_289 : memref<!tpu.dma_semaphore, #tpu.memory_space<semaphore_mem>>) src(%dma_wait3A_301 : memref<78x128xi32, #tpu.memory_space<hbm>>) dst(%arg6 : memref<78x128xi32, #tpu.memory_space<vmem>>)
      tpu.yield
    }) : () -> ()
    %mul3A_5 = arith.constant 78 : i32
    %mul3A_6 = arith.muli %add3A, %mul3A_5 : i32
    %run_scoped3A_7 = arith.constant 1 : i32
    "tpu.region"() ({
      %run_scoped3A_289 = tpu.sem_alloc : memref<!tpu.dma_semaphore, #tpu.memory_space<semaphore_mem>>
      %dma_start3A_290 = arith.constant 0 : i32
      %dma_start3A_291 = tpu.memref_slice %arg2[%run_scoped3A_7, %mul3A_6, %dma_start3A_290] : memref<2x2500x128xi32, #tpu.memory_space<hbm>> -> memref<1x78x128xi32, #tpu.memory_space<hbm>>
      %dma_start3A_292 = tpu.memref_squeeze %dma_start3A_291 : memref<1x78x128xi32, #tpu.memory_space<hbm>> -> memref<78x128xi32, #tpu.memory_space<hbm>>
      %dma_start3A_293 = arith.constant 0 : i32
      %dma_start3A_294 = tpu.memref_slice %arg2[%run_scoped3A_7, %mul3A_6, %dma_start3A_293] : memref<2x2500x128xi32, #tpu.memory_space<hbm>> -> memref<1x78x128xi32, #tpu.memory_space<hbm>>
      %dma_start3A_295 = tpu.memref_squeeze %dma_start3A_294 : memref<1x78x128xi32, #tpu.memory_space<hbm>> -> memref<78x128xi32, #tpu.memory_space<hbm>>
      tpu.enqueue_dma source(%dma_start3A_295 : memref<78x128xi32, #tpu.memory_space<hbm>>) target(%arg7 : memref<78x128xi32, #tpu.memory_space<vmem>>) target_semaphore(%run_scoped3A_289 : memref<!tpu.dma_semaphore, #tpu.memory_space<semaphore_mem>>)
      %dma_wait3A_296 = arith.constant 0 : i32
      %dma_wait3A_297 = tpu.memref_slice %arg2[%run_scoped3A_7, %mul3A_6, %dma_wait3A_296] : memref<2x2500x128xi32, #tpu.memory_space<hbm>> -> memref<1x78x128xi32, #tpu.memory_space<hbm>>
      %dma_wait3A_298 = tpu.memref_squeeze %dma_wait3A_297 : memref<1x78x128xi32, #tpu.memory_space<hbm>> -> memref<78x128xi32, #tpu.memory_space<hbm>>
      %dma_wait3A_299 = arith.constant 0 : i32
      %dma_wait3A_300 = tpu.memref_slice %arg2[%run_scoped3A_7, %mul3A_6, %dma_wait3A_299] : memref<2x2500x128xi32, #tpu.memory_space<hbm>> -> memref<1x78x128xi32, #tpu.memory_space<hbm>>
      %dma_wait3A_301 = tpu.memref_squeeze %dma_wait3A_300 : memref<1x78x128xi32, #tpu.memory_space<hbm>> -> memref<78x128xi32, #tpu.memory_space<hbm>>
      tpu.wait_dma2 semaphore(%run_scoped3A_289 : memref<!tpu.dma_semaphore, #tpu.memory_space<semaphore_mem>>) src(%dma_wait3A_301 : memref<78x128xi32, #tpu.memory_space<hbm>>) dst(%arg7 : memref<78x128xi32, #tpu.memory_space<vmem>>)
      tpu.yield
    }) : () -> ()
    %barrier3A = arith.constant 0 : index
    tpu.barrier barrier_id(%barrier3A)
    %dma_start3A = arith.constant 0 : i32
    %dma_start3A_8 = arith.constant 0 : i32
    %dma_start3A_9 = arith.constant 0 : i32
    %dma_start3A_10 = arith.constant 0 : i32
    %dma_start3A_11 = tpu.memref_slice %arg10[%dma_start3A_8, %dma_start3A_9, %dma_start3A_10] : memref<13x128x16xf32, #tpu.memory_space<vmem>> -> memref<1x128x16xf32, #tpu.memory_space<vmem>>
    %dma_start3A_12 = tpu.memref_squeeze %dma_start3A_11 : memref<1x128x16xf32, #tpu.memory_space<vmem>> -> memref<128x16xf32, #tpu.memory_space<vmem>>
    %dma_start3A_13 = arith.constant 0 : i32
    %dma_start3A_14 = tpu.memref_slice %arg6[%dma_start3A, %dma_start3A_13] : memref<78x128xi32, #tpu.memory_space<vmem>> -> memref<1x128xi32, #tpu.memory_space<vmem>>
    %dma_start3A_15 = tpu.memref_squeeze %dma_start3A_14 : memref<1x128xi32, #tpu.memory_space<vmem>> -> memref<128xi32, #tpu.memory_space<vmem>>
    %dma_start3A_16 = arith.constant 0 : i32
    %dma_start3A_17 = arith.constant 0 : i32
    %dma_start3A_18 = tpu.memref_slice %arg3[%dma_start3A_16, %dma_start3A_17] : memref<10000x16xf32, #tpu.memory_space<hbm>> -> memref<10000x16xf32, #tpu.memory_space<hbm>>
    tpu.enqueue_indirect_dma source(%dma_start3A_18 : memref<10000x16xf32, #tpu.memory_space<hbm>>) target(%dma_start3A_12 : memref<128x16xf32, #tpu.memory_space<vmem>>) offsets(%dma_start3A_15 : memref<128xi32, #tpu.memory_space<vmem>>) semaphore(%arg13 : memref<!tpu.dma_semaphore, #tpu.memory_space<semaphore_mem>>)
    %dma_start3A_19 = arith.constant 1 : i32
    %dma_start3A_20 = arith.constant 1 : i32
    %dma_start3A_21 = arith.constant 0 : i32
    %dma_start3A_22 = arith.constant 0 : i32
    %dma_start3A_23 = tpu.memref_slice %arg10[%dma_start3A_20, %dma_start3A_21, %dma_start3A_22] : memref<13x128x16xf32, #tpu.memory_space<vmem>> -> memref<1x128x16xf32, #tpu.memory_space<vmem>>
    %dma_start3A_24 = tpu.memref_squeeze %dma_start3A_23 : memref<1x128x16xf32, #tpu.memory_space<vmem>> -> memref<128x16xf32, #tpu.memory_space<vmem>>
    %dma_start3A_25 = arith.constant 0 : i32
    %dma_start3A_26 = tpu.memref_slice %arg6[%dma_start3A_19, %dma_start3A_25] : memref<78x128xi32, #tpu.memory_space<vmem>> -> memref<1x128xi32, #tpu.memory_space<vmem>>
    %dma_start3A_27 = tpu.memref_squeeze %dma_start3A_26 : memref<1x128xi32, #tpu.memory_space<vmem>> -> memref<128xi32, #tpu.memory_space<vmem>>
    %dma_start3A_28 = arith.constant 0 : i32
    %dma_start3A_29 = arith.constant 0 : i32
    %dma_start3A_30 = tpu.memref_slice %arg3[%dma_start3A_28, %dma_start3A_29] : memref<10000x16xf32, #tpu.memory_space<hbm>> -> memref<10000x16xf32, #tpu.memory_space<hbm>>
    tpu.enqueue_indirect_dma source(%dma_start3A_30 : memref<10000x16xf32, #tpu.memory_space<hbm>>) target(%dma_start3A_24 : memref<128x16xf32, #tpu.memory_space<vmem>>) offsets(%dma_start3A_27 : memref<128xi32, #tpu.memory_space<vmem>>) semaphore(%arg13 : memref<!tpu.dma_semaphore, #tpu.memory_space<semaphore_mem>>)
    %dma_start3A_31 = arith.constant 2 : i32
    %dma_start3A_32 = arith.constant 2 : i32
    %dma_start3A_33 = arith.constant 0 : i32
    %dma_start3A_34 = arith.constant 0 : i32
    %dma_start3A_35 = tpu.memref_slice %arg10[%dma_start3A_32, %dma_start3A_33, %dma_start3A_34] : memref<13x128x16xf32, #tpu.memory_space<vmem>> -> memref<1x128x16xf32, #tpu.memory_space<vmem>>
    %dma_start3A_36 = tpu.memref_squeeze %dma_start3A_35 : memref<1x128x16xf32, #tpu.memory_space<vmem>> -> memref<128x16xf32, #tpu.memory_space<vmem>>
    %dma_start3A_37 = arith.constant 0 : i32
    %dma_start3A_38 = tpu.memref_slice %arg6[%dma_start3A_31, %dma_start3A_37] : memref<78x128xi32, #tpu.memory_space<vmem>> -> memref<1x128xi32, #tpu.memory_space<vmem>>
    %dma_start3A_39 = tpu.memref_squeeze %dma_start3A_38 : memref<1x128xi32, #tpu.memory_space<vmem>> -> memref<128xi32, #tpu.memory_space<vmem>>
    %dma_start3A_40 = arith.constant 0 : i32
    %dma_start3A_41 = arith.constant 0 : i32
    %dma_start3A_42 = tpu.memref_slice %arg3[%dma_start3A_40, %dma_start3A_41] : memref<10000x16xf32, #tpu.memory_space<hbm>> -> memref<10000x16xf32, #tpu.memory_space<hbm>>
    tpu.enqueue_indirect_dma source(%dma_start3A_42 : memref<10000x16xf32, #tpu.memory_space<hbm>>) target(%dma_start3A_36 : memref<128x16xf32, #tpu.memory_space<vmem>>) offsets(%dma_start3A_39 : memref<128xi32, #tpu.memory_space<vmem>>) semaphore(%arg13 : memref<!tpu.dma_semaphore, #tpu.memory_space<semaphore_mem>>)
    %dma_start3A_43 = arith.constant 3 : i32
    %dma_start3A_44 = arith.constant 3 : i32
    %dma_start3A_45 = arith.constant 0 : i32
    %dma_start3A_46 = arith.constant 0 : i32
    %dma_start3A_47 = tpu.memref_slice %arg10[%dma_start3A_44, %dma_start3A_45, %dma_start3A_46] : memref<13x128x16xf32, #tpu.memory_space<vmem>> -> memref<1x128x16xf32, #tpu.memory_space<vmem>>
    %dma_start3A_48 = tpu.memref_squeeze %dma_start3A_47 : memref<1x128x16xf32, #tpu.memory_space<vmem>> -> memref<128x16xf32, #tpu.memory_space<vmem>>
    %dma_start3A_49 = arith.constant 0 : i32
    %dma_start3A_50 = tpu.memref_slice %arg6[%dma_start3A_43, %dma_start3A_49] : memref<78x128xi32, #tpu.memory_space<vmem>> -> memref<1x128xi32, #tpu.memory_space<vmem>>
    %dma_start3A_51 = tpu.memref_squeeze %dma_start3A_50 : memref<1x128xi32, #tpu.memory_space<vmem>> -> memref<128xi32, #tpu.memory_space<vmem>>
    %dma_start3A_52 = arith.constant 0 : i32
    %dma_start3A_53 = arith.constant 0 : i32
    %dma_start3A_54 = tpu.memref_slice %arg3[%dma_start3A_52, %dma_start3A_53] : memref<10000x16xf32, #tpu.memory_space<hbm>> -> memref<10000x16xf32, #tpu.memory_space<hbm>>
    tpu.enqueue_indirect_dma source(%dma_start3A_54 : memref<10000x16xf32, #tpu.memory_space<hbm>>) target(%dma_start3A_48 : memref<128x16xf32, #tpu.memory_space<vmem>>) offsets(%dma_start3A_51 : memref<128xi32, #tpu.memory_space<vmem>>) semaphore(%arg13 : memref<!tpu.dma_semaphore, #tpu.memory_space<semaphore_mem>>)
    %dma_start3A_55 = arith.constant 4 : i32
    %dma_start3A_56 = arith.constant 4 : i32
    %dma_start3A_57 = arith.constant 0 : i32
    %dma_start3A_58 = arith.constant 0 : i32
    %dma_start3A_59 = tpu.memref_slice %arg10[%dma_start3A_56, %dma_start3A_57, %dma_start3A_58] : memref<13x128x16xf32, #tpu.memory_space<vmem>> -> memref<1x128x16xf32, #tpu.memory_space<vmem>>
    %dma_start3A_60 = tpu.memref_squeeze %dma_start3A_59 : memref<1x128x16xf32, #tpu.memory_space<vmem>> -> memref<128x16xf32, #tpu.memory_space<vmem>>
    %dma_start3A_61 = arith.constant 0 : i32
    %dma_start3A_62 = tpu.memref_slice %arg6[%dma_start3A_55, %dma_start3A_61] : memref<78x128xi32, #tpu.memory_space<vmem>> -> memref<1x128xi32, #tpu.memory_space<vmem>>
    %dma_start3A_63 = tpu.memref_squeeze %dma_start3A_62 : memref<1x128xi32, #tpu.memory_space<vmem>> -> memref<128xi32, #tpu.memory_space<vmem>>
    %dma_start3A_64 = arith.constant 0 : i32
    %dma_start3A_65 = arith.constant 0 : i32
    %dma_start3A_66 = tpu.memref_slice %arg3[%dma_start3A_64, %dma_start3A_65] : memref<10000x16xf32, #tpu.memory_space<hbm>> -> memref<10000x16xf32, #tpu.memory_space<hbm>>
    tpu.enqueue_indirect_dma source(%dma_start3A_66 : memref<10000x16xf32, #tpu.memory_space<hbm>>) target(%dma_start3A_60 : memref<128x16xf32, #tpu.memory_space<vmem>>) offsets(%dma_start3A_63 : memref<128xi32, #tpu.memory_space<vmem>>) semaphore(%arg13 : memref<!tpu.dma_semaphore, #tpu.memory_space<semaphore_mem>>)
    %dma_start3A_67 = arith.constant 5 : i32
    %dma_start3A_68 = arith.constant 5 : i32
    %dma_start3A_69 = arith.constant 0 : i32
    %dma_start3A_70 = arith.constant 0 : i32
    %dma_start3A_71 = tpu.memref_slice %arg10[%dma_start3A_68, %dma_start3A_69, %dma_start3A_70] : memref<13x128x16xf32, #tpu.memory_space<vmem>> -> memref<1x128x16xf32, #tpu.memory_space<vmem>>
    %dma_start3A_72 = tpu.memref_squeeze %dma_start3A_71 : memref<1x128x16xf32, #tpu.memory_space<vmem>> -> memref<128x16xf32, #tpu.memory_space<vmem>>
    %dma_start3A_73 = arith.constant 0 : i32
    %dma_start3A_74 = tpu.memref_slice %arg6[%dma_start3A_67, %dma_start3A_73] : memref<78x128xi32, #tpu.memory_space<vmem>> -> memref<1x128xi32, #tpu.memory_space<vmem>>
    %dma_start3A_75 = tpu.memref_squeeze %dma_start3A_74 : memref<1x128xi32, #tpu.memory_space<vmem>> -> memref<128xi32, #tpu.memory_space<vmem>>
    %dma_start3A_76 = arith.constant 0 : i32
    %dma_start3A_77 = arith.constant 0 : i32
    %dma_start3A_78 = tpu.memref_slice %arg3[%dma_start3A_76, %dma_start3A_77] : memref<10000x16xf32, #tpu.memory_space<hbm>> -> memref<10000x16xf32, #tpu.memory_space<hbm>>
    tpu.enqueue_indirect_dma source(%dma_start3A_78 : memref<10000x16xf32, #tpu.memory_space<hbm>>) target(%dma_start3A_72 : memref<128x16xf32, #tpu.memory_space<vmem>>) offsets(%dma_start3A_75 : memref<128xi32, #tpu.memory_space<vmem>>) semaphore(%arg13 : memref<!tpu.dma_semaphore, #tpu.memory_space<semaphore_mem>>)
    %dma_start3A_79 = arith.constant 6 : i32
    %dma_start3A_80 = arith.constant 6 : i32
    %dma_start3A_81 = arith.constant 0 : i32
    %dma_start3A_82 = arith.constant 0 : i32
    %dma_start3A_83 = tpu.memref_slice %arg10[%dma_start3A_80, %dma_start3A_81, %dma_start3A_82] : memref<13x128x16xf32, #tpu.memory_space<vmem>> -> memref<1x128x16xf32, #tpu.memory_space<vmem>>
    %dma_start3A_84 = tpu.memref_squeeze %dma_start3A_83 : memref<1x128x16xf32, #tpu.memory_space<vmem>> -> memref<128x16xf32, #tpu.memory_space<vmem>>
    %dma_start3A_85 = arith.constant 0 : i32
    %dma_start3A_86 = tpu.memref_slice %arg6[%dma_start3A_79, %dma_start3A_85] : memref<78x128xi32, #tpu.memory_space<vmem>> -> memref<1x128xi32, #tpu.memory_space<vmem>>
    %dma_start3A_87 = tpu.memref_squeeze %dma_start3A_86 : memref<1x128xi32, #tpu.memory_space<vmem>> -> memref<128xi32, #tpu.memory_space<vmem>>
    %dma_start3A_88 = arith.constant 0 : i32
    %dma_start3A_89 = arith.constant 0 : i32
    %dma_start3A_90 = tpu.memref_slice %arg3[%dma_start3A_88, %dma_start3A_89] : memref<10000x16xf32, #tpu.memory_space<hbm>> -> memref<10000x16xf32, #tpu.memory_space<hbm>>
    tpu.enqueue_indirect_dma source(%dma_start3A_90 : memref<10000x16xf32, #tpu.memory_space<hbm>>) target(%dma_start3A_84 : memref<128x16xf32, #tpu.memory_space<vmem>>) offsets(%dma_start3A_87 : memref<128xi32, #tpu.memory_space<vmem>>) semaphore(%arg13 : memref<!tpu.dma_semaphore, #tpu.memory_space<semaphore_mem>>)
    %dma_start3A_91 = arith.constant 7 : i32
    %dma_start3A_92 = arith.constant 7 : i32
    %dma_start3A_93 = arith.constant 0 : i32
    %dma_start3A_94 = arith.constant 0 : i32
    %dma_start3A_95 = tpu.memref_slice %arg10[%dma_start3A_92, %dma_start3A_93, %dma_start3A_94] : memref<13x128x16xf32, #tpu.memory_space<vmem>> -> memref<1x128x16xf32, #tpu.memory_space<vmem>>
    %dma_start3A_96 = tpu.memref_squeeze %dma_start3A_95 : memref<1x128x16xf32, #tpu.memory_space<vmem>> -> memref<128x16xf32, #tpu.memory_space<vmem>>
    %dma_start3A_97 = arith.constant 0 : i32
    %dma_start3A_98 = tpu.memref_slice %arg6[%dma_start3A_91, %dma_start3A_97] : memref<78x128xi32, #tpu.memory_space<vmem>> -> memref<1x128xi32, #tpu.memory_space<vmem>>
    %dma_start3A_99 = tpu.memref_squeeze %dma_start3A_98 : memref<1x128xi32, #tpu.memory_space<vmem>> -> memref<128xi32, #tpu.memory_space<vmem>>
    %dma_start3A_100 = arith.constant 0 : i32
    %dma_start3A_101 = arith.constant 0 : i32
    %dma_start3A_102 = tpu.memref_slice %arg3[%dma_start3A_100, %dma_start3A_101] : memref<10000x16xf32, #tpu.memory_space<hbm>> -> memref<10000x16xf32, #tpu.memory_space<hbm>>
    tpu.enqueue_indirect_dma source(%dma_start3A_102 : memref<10000x16xf32, #tpu.memory_space<hbm>>) target(%dma_start3A_96 : memref<128x16xf32, #tpu.memory_space<vmem>>) offsets(%dma_start3A_99 : memref<128xi32, #tpu.memory_space<vmem>>) semaphore(%arg13 : memref<!tpu.dma_semaphore, #tpu.memory_space<semaphore_mem>>)
    %dma_start3A_103 = arith.constant 8 : i32
    %dma_start3A_104 = arith.constant 8 : i32
    %dma_start3A_105 = arith.constant 0 : i32
    %dma_start3A_106 = arith.constant 0 : i32
    %dma_start3A_107 = tpu.memref_slice %arg10[%dma_start3A_104, %dma_start3A_105, %dma_start3A_106] : memref<13x128x16xf32, #tpu.memory_space<vmem>> -> memref<1x128x16xf32, #tpu.memory_space<vmem>>
    %dma_start3A_108 = tpu.memref_squeeze %dma_start3A_107 : memref<1x128x16xf32, #tpu.memory_space<vmem>> -> memref<128x16xf32, #tpu.memory_space<vmem>>
    %dma_start3A_109 = arith.constant 0 : i32
    %dma_start3A_110 = tpu.memref_slice %arg6[%dma_start3A_103, %dma_start3A_109] : memref<78x128xi32, #tpu.memory_space<vmem>> -> memref<1x128xi32, #tpu.memory_space<vmem>>
    %dma_start3A_111 = tpu.memref_squeeze %dma_start3A_110 : memref<1x128xi32, #tpu.memory_space<vmem>> -> memref<128xi32, #tpu.memory_space<vmem>>
    %dma_start3A_112 = arith.constant 0 : i32
    %dma_start3A_113 = arith.constant 0 : i32
    %dma_start3A_114 = tpu.memref_slice %arg3[%dma_start3A_112, %dma_start3A_113] : memref<10000x16xf32, #tpu.memory_space<hbm>> -> memref<10000x16xf32, #tpu.memory_space<hbm>>
    tpu.enqueue_indirect_dma source(%dma_start3A_114 : memref<10000x16xf32, #tpu.memory_space<hbm>>) target(%dma_start3A_108 : memref<128x16xf32, #tpu.memory_space<vmem>>) offsets(%dma_start3A_111 : memref<128xi32, #tpu.memory_space<vmem>>) semaphore(%arg13 : memref<!tpu.dma_semaphore, #tpu.memory_space<semaphore_mem>>)
    %dma_start3A_115 = arith.constant 9 : i32
    %dma_start3A_116 = arith.constant 9 : i32
    %dma_start3A_117 = arith.constant 0 : i32
    %dma_start3A_118 = arith.constant 0 : i32
    %dma_start3A_119 = tpu.memref_slice %arg10[%dma_start3A_116, %dma_start3A_117, %dma_start3A_118] : memref<13x128x16xf32, #tpu.memory_space<vmem>> -> memref<1x128x16xf32, #tpu.memory_space<vmem>>
    %dma_start3A_120 = tpu.memref_squeeze %dma_start3A_119 : memref<1x128x16xf32, #tpu.memory_space<vmem>> -> memref<128x16xf32, #tpu.memory_space<vmem>>
    %dma_start3A_121 = arith.constant 0 : i32
    %dma_start3A_122 = tpu.memref_slice %arg6[%dma_start3A_115, %dma_start3A_121] : memref<78x128xi32, #tpu.memory_space<vmem>> -> memref<1x128xi32, #tpu.memory_space<vmem>>
    %dma_start3A_123 = tpu.memref_squeeze %dma_start3A_122 : memref<1x128xi32, #tpu.memory_space<vmem>> -> memref<128xi32, #tpu.memory_space<vmem>>
    %dma_start3A_124 = arith.constant 0 : i32
    %dma_start3A_125 = arith.constant 0 : i32
    %dma_start3A_126 = tpu.memref_slice %arg3[%dma_start3A_124, %dma_start3A_125] : memref<10000x16xf32, #tpu.memory_space<hbm>> -> memref<10000x16xf32, #tpu.memory_space<hbm>>
    tpu.enqueue_indirect_dma source(%dma_start3A_126 : memref<10000x16xf32, #tpu.memory_space<hbm>>) target(%dma_start3A_120 : memref<128x16xf32, #tpu.memory_space<vmem>>) offsets(%dma_start3A_123 : memref<128xi32, #tpu.memory_space<vmem>>) semaphore(%arg13 : memref<!tpu.dma_semaphore, #tpu.memory_space<semaphore_mem>>)
    %scan3A = arith.constant 0 : i32
    %scan3A_127 = arith.constant 6 : i32
    %scan3A_128 = arith.addi %scan3A, %scan3A_127 : i32
    %scan3A_129 = arith.constant 1 : i32
    scf.for %scan3A_289 = %scan3A to %scan3A_128 step %scan3A_129  : i32 {
      %mul3A_290 = arith.constant 1 : i32
      %mul3A_291 = arith.muli %scan3A_289, %mul3A_290 : i32
      %add3A_292 = arith.constant 0 : i32
      %add3A_293 = arith.addi %add3A_292, %mul3A_291 : i32
      %mul3A_294 = arith.constant 13 : i32
      %mul3A_295 = arith.muli %add3A_293, %mul3A_294 : i32
      %add3A_296 = arith.constant 0 : i32
      %add3A_297 = arith.addi %mul3A_295, %add3A_296 : i32
      %dma_wait3A_298 = arith.constant 0 : i32
      %dma_wait3A_299 = arith.constant 0 : i32
      %dma_wait3A_300 = arith.constant 0 : i32
      %dma_wait3A_301 = tpu.memref_slice %arg10[%dma_wait3A_298, %dma_wait3A_299, %dma_wait3A_300] : memref<13x128x16xf32, #tpu.memory_space<vmem>> -> memref<1x128x16xf32, #tpu.memory_space<vmem>>
      %dma_wait3A_302 = tpu.memref_squeeze %dma_wait3A_301 : memref<1x128x16xf32, #tpu.memory_space<vmem>> -> memref<128x16xf32, #tpu.memory_space<vmem>>
      %dma_wait3A_303 = arith.constant 0 : i32
      %dma_wait3A_304 = tpu.memref_slice %arg6[%add3A_297, %dma_wait3A_303] : memref<78x128xi32, #tpu.memory_space<vmem>> -> memref<1x128xi32, #tpu.memory_space<vmem>>
      %dma_wait3A_305 = tpu.memref_squeeze %dma_wait3A_304 : memref<1x128xi32, #tpu.memory_space<vmem>> -> memref<128xi32, #tpu.memory_space<vmem>>
      %dma_wait3A_306 = arith.constant 0 : i32
      %dma_wait3A_307 = arith.constant 0 : i32
      %dma_wait3A_308 = tpu.memref_slice %arg3[%dma_wait3A_306, %dma_wait3A_307] : memref<10000x16xf32, #tpu.memory_space<hbm>> -> memref<10000x16xf32, #tpu.memory_space<hbm>>
      tpu.wait_indirect_dma semaphore(%arg13 : memref<!tpu.dma_semaphore, #tpu.memory_space<semaphore_mem>>) src(%dma_wait3A_308 : memref<10000x16xf32, #tpu.memory_space<hbm>>) dst(%dma_wait3A_302 : memref<128x16xf32, #tpu.memory_space<vmem>>)
      %dma_start3A_309 = arith.constant 0 : i32
      %dma_start3A_310 = arith.constant 0 : i32
      %dma_start3A_311 = arith.constant 0 : i32
      %dma_start3A_312 = tpu.memref_slice %arg10[%dma_start3A_309, %dma_start3A_310, %dma_start3A_311] : memref<13x128x16xf32, #tpu.memory_space<vmem>> -> memref<1x128x16xf32, #tpu.memory_space<vmem>>
      %dma_start3A_313 = tpu.memref_squeeze %dma_start3A_312 : memref<1x128x16xf32, #tpu.memory_space<vmem>> -> memref<128x16xf32, #tpu.memory_space<vmem>>
      %dma_start3A_314 = arith.constant 0 : i32
      %dma_start3A_315 = tpu.memref_slice %arg7[%add3A_297, %dma_start3A_314] : memref<78x128xi32, #tpu.memory_space<vmem>> -> memref<1x128xi32, #tpu.memory_space<vmem>>
      %dma_start3A_316 = tpu.memref_squeeze %dma_start3A_315 : memref<1x128xi32, #tpu.memory_space<vmem>> -> memref<128xi32, #tpu.memory_space<vmem>>
      %dma_start3A_317 = arith.constant 0 : i32
      %dma_start3A_318 = arith.constant 0 : i32
      %dma_start3A_319 = tpu.memref_slice %arg12[%dma_start3A_317, %dma_start3A_318] : memref<10000x16xf32, #tpu.memory_space<vmem_shared>> -> memref<10000x16xf32, #tpu.memory_space<vmem_shared>>
      tpu.enqueue_indirect_dma source(%dma_start3A_313 : memref<128x16xf32, #tpu.memory_space<vmem>>) target(%dma_start3A_319 : memref<10000x16xf32, #tpu.memory_space<vmem_shared>>) offsets(%dma_start3A_316 : memref<128xi32, #tpu.memory_space<vmem>>) semaphore(%arg14 : memref<!tpu.dma_semaphore, #tpu.memory_space<semaphore_mem>>) {add = true}
      %add3A_320 = arith.constant 13 : i32
      %add3A_321 = arith.addi %add3A_297, %add3A_320 : i32
      %sub3A = arith.constant 3 : i32
      %sub3A_322 = arith.subi %add3A_321, %sub3A : i32
      %lt3A_323 = arith.constant 78 : i32
      %lt3A_324 = arith.cmpi slt, %sub3A_322, %lt3A_323 : i32
      %convert_element_type3A_325 = arith.extui %lt3A_324 : i1 to i32
      %cond3A_326 = arith.constant 0 : i32
      %cond3A_327 = arith.cmpi ne, %convert_element_type3A_325, %cond3A_326 : i32
      scf.if %cond3A_327 {
        %ge3A = arith.constant 3 : i32
        %ge3A_748 = arith.cmpi sge, %add3A_297, %ge3A : i32
        %convert_element_type3A_749 = arith.extui %ge3A_748 : i1 to i32
        %cond3A_750 = arith.constant 0 : i32
        %cond3A_751 = arith.cmpi ne, %convert_element_type3A_749, %cond3A_750 : i32
        scf.if %cond3A_751 {
          %dma_wait3A_763 = arith.constant 10 : i32
          %dma_wait3A_764 = arith.constant 0 : i32
          %dma_wait3A_765 = arith.constant 0 : i32
          %dma_wait3A_766 = tpu.memref_slice %arg10[%dma_wait3A_763, %dma_wait3A_764, %dma_wait3A_765] : memref<13x128x16xf32, #tpu.memory_space<vmem>> -> memref<1x128x16xf32, #tpu.memory_space<vmem>>
          %dma_wait3A_767 = tpu.memref_squeeze %dma_wait3A_766 : memref<1x128x16xf32, #tpu.memory_space<vmem>> -> memref<128x16xf32, #tpu.memory_space<vmem>>
          %dma_wait3A_768 = arith.constant 0 : i32
          %dma_wait3A_769 = tpu.memref_slice %arg7[%add3A_297, %dma_wait3A_768] : memref<78x128xi32, #tpu.memory_space<vmem>> -> memref<1x128xi32, #tpu.memory_space<vmem>>
          %dma_wait3A_770 = tpu.memref_squeeze %dma_wait3A_769 : memref<1x128xi32, #tpu.memory_space<vmem>> -> memref<128xi32, #tpu.memory_space<vmem>>
          %dma_wait3A_771 = arith.constant 0 : i32
          %dma_wait3A_772 = arith.constant 0 : i32
          %dma_wait3A_773 = tpu.memref_slice %arg12[%dma_wait3A_771, %dma_wait3A_772] : memref<10000x16xf32, #tpu.memory_space<vmem_shared>> -> memref<10000x16xf32, #tpu.memory_space<vmem_shared>>
          tpu.wait_indirect_dma semaphore(%arg14 : memref<!tpu.dma_semaphore, #tpu.memory_space<semaphore_mem>>) src(%dma_wait3A_767 : memref<128x16xf32, #tpu.memory_space<vmem>>) dst(%dma_wait3A_773 : memref<10000x16xf32, #tpu.memory_space<vmem_shared>>)
        } else {
        }
        %dma_start3A_752 = arith.constant 10 : i32
        %dma_start3A_753 = arith.constant 0 : i32
        %dma_start3A_754 = arith.constant 0 : i32
        %dma_start3A_755 = tpu.memref_slice %arg10[%dma_start3A_752, %dma_start3A_753, %dma_start3A_754] : memref<13x128x16xf32, #tpu.memory_space<vmem>> -> memref<1x128x16xf32, #tpu.memory_space<vmem>>
        %dma_start3A_756 = tpu.memref_squeeze %dma_start3A_755 : memref<1x128x16xf32, #tpu.memory_space<vmem>> -> memref<128x16xf32, #tpu.memory_space<vmem>>
        %dma_start3A_757 = arith.constant 0 : i32
        %dma_start3A_758 = tpu.memref_slice %arg6[%sub3A_322, %dma_start3A_757] : memref<78x128xi32, #tpu.memory_space<vmem>> -> memref<1x128xi32, #tpu.memory_space<vmem>>
        %dma_start3A_759 = tpu.memref_squeeze %dma_start3A_758 : memref<1x128xi32, #tpu.memory_space<vmem>> -> memref<128xi32, #tpu.memory_space<vmem>>
        %dma_start3A_760 = arith.constant 0 : i32
        %dma_start3A_761 = arith.constant 0 : i32
        %dma_start3A_762 = tpu.memref_slice %arg3[%dma_start3A_760, %dma_start3A_761] : memref<10000x16xf32, #tpu.memory_space<hbm>> -> memref<10000x16xf32, #tpu.memory_space<hbm>>
        tpu.enqueue_indirect_dma source(%dma_start3A_762 : memref<10000x16xf32, #tpu.memory_space<hbm>>) target(%dma_start3A_756 : memref<128x16xf32, #tpu.memory_space<vmem>>) offsets(%dma_start3A_759 : memref<128xi32, #tpu.memory_space<vmem>>) semaphore(%arg13 : memref<!tpu.dma_semaphore, #tpu.memory_space<semaphore_mem>>)
      } else {
      }
      %mul3A_328 = arith.constant 13 : i32
      %mul3A_329 = arith.muli %add3A_293, %mul3A_328 : i32
      %add3A_330 = arith.constant 1 : i32
      %add3A_331 = arith.addi %mul3A_329, %add3A_330 : i32
      %dma_wait3A_332 = arith.constant 1 : i32
      %dma_wait3A_333 = arith.constant 0 : i32
      %dma_wait3A_334 = arith.constant 0 : i32
      %dma_wait3A_335 = tpu.memref_slice %arg10[%dma_wait3A_332, %dma_wait3A_333, %dma_wait3A_334] : memref<13x128x16xf32, #tpu.memory_space<vmem>> -> memref<1x128x16xf32, #tpu.memory_space<vmem>>
      %dma_wait3A_336 = tpu.memref_squeeze %dma_wait3A_335 : memref<1x128x16xf32, #tpu.memory_space<vmem>> -> memref<128x16xf32, #tpu.memory_space<vmem>>
      %dma_wait3A_337 = arith.constant 0 : i32
      %dma_wait3A_338 = tpu.memref_slice %arg6[%add3A_331, %dma_wait3A_337] : memref<78x128xi32, #tpu.memory_space<vmem>> -> memref<1x128xi32, #tpu.memory_space<vmem>>
      %dma_wait3A_339 = tpu.memref_squeeze %dma_wait3A_338 : memref<1x128xi32, #tpu.memory_space<vmem>> -> memref<128xi32, #tpu.memory_space<vmem>>
      %dma_wait3A_340 = arith.constant 0 : i32
      %dma_wait3A_341 = arith.constant 0 : i32
      %dma_wait3A_342 = tpu.memref_slice %arg3[%dma_wait3A_340, %dma_wait3A_341] : memref<10000x16xf32, #tpu.memory_space<hbm>> -> memref<10000x16xf32, #tpu.memory_space<hbm>>
      tpu.wait_indirect_dma semaphore(%arg13 : memref<!tpu.dma_semaphore, #tpu.memory_space<semaphore_mem>>) src(%dma_wait3A_342 : memref<10000x16xf32, #tpu.memory_space<hbm>>) dst(%dma_wait3A_336 : memref<128x16xf32, #tpu.memory_space<vmem>>)
      %dma_start3A_343 = arith.constant 1 : i32
      %dma_start3A_344 = arith.constant 0 : i32
      %dma_start3A_345 = arith.constant 0 : i32
      %dma_start3A_346 = tpu.memref_slice %arg10[%dma_start3A_343, %dma_start3A_344, %dma_start3A_345] : memref<13x128x16xf32, #tpu.memory_space<vmem>> -> memref<1x128x16xf32, #tpu.memory_space<vmem>>
      %dma_start3A_347 = tpu.memref_squeeze %dma_start3A_346 : memref<1x128x16xf32, #tpu.memory_space<vmem>> -> memref<128x16xf32, #tpu.memory_space<vmem>>
      %dma_start3A_348 = arith.constant 0 : i32
      %dma_start3A_349 = tpu.memref_slice %arg7[%add3A_331, %dma_start3A_348] : memref<78x128xi32, #tpu.memory_space<vmem>> -> memref<1x128xi32, #tpu.memory_space<vmem>>
      %dma_start3A_350 = tpu.memref_squeeze %dma_start3A_349 : memref<1x128xi32, #tpu.memory_space<vmem>> -> memref<128xi32, #tpu.memory_space<vmem>>
      %dma_start3A_351 = arith.constant 0 : i32
      %dma_start3A_352 = arith.constant 0 : i32
      %dma_start3A_353 = tpu.memref_slice %arg12[%dma_start3A_351, %dma_start3A_352] : memref<10000x16xf32, #tpu.memory_space<vmem_shared>> -> memref<10000x16xf32, #tpu.memory_space<vmem_shared>>
      tpu.enqueue_indirect_dma source(%dma_start3A_347 : memref<128x16xf32, #tpu.memory_space<vmem>>) target(%dma_start3A_353 : memref<10000x16xf32, #tpu.memory_space<vmem_shared>>) offsets(%dma_start3A_350 : memref<128xi32, #tpu.memory_space<vmem>>) semaphore(%arg14 : memref<!tpu.dma_semaphore, #tpu.memory_space<semaphore_mem>>) {add = true}
      %add3A_354 = arith.constant 13 : i32
      %add3A_355 = arith.addi %add3A_331, %add3A_354 : i32
      %sub3A_356 = arith.constant 3 : i32
      %sub3A_357 = arith.subi %add3A_355, %sub3A_356 : i32
      %lt3A_358 = arith.constant 78 : i32
      %lt3A_359 = arith.cmpi slt, %sub3A_357, %lt3A_358 : i32
      %convert_element_type3A_360 = arith.extui %lt3A_359 : i1 to i32
      %cond3A_361 = arith.constant 0 : i32
      %cond3A_362 = arith.cmpi ne, %convert_element_type3A_360, %cond3A_361 : i32
      scf.if %cond3A_362 {
        %ge3A = arith.constant 3 : i32
        %ge3A_748 = arith.cmpi sge, %add3A_331, %ge3A : i32
        %convert_element_type3A_749 = arith.extui %ge3A_748 : i1 to i32
        %cond3A_750 = arith.constant 0 : i32
        %cond3A_751 = arith.cmpi ne, %convert_element_type3A_749, %cond3A_750 : i32
        scf.if %cond3A_751 {
          %dma_wait3A_763 = arith.constant 11 : i32
          %dma_wait3A_764 = arith.constant 0 : i32
          %dma_wait3A_765 = arith.constant 0 : i32
          %dma_wait3A_766 = tpu.memref_slice %arg10[%dma_wait3A_763, %dma_wait3A_764, %dma_wait3A_765] : memref<13x128x16xf32, #tpu.memory_space<vmem>> -> memref<1x128x16xf32, #tpu.memory_space<vmem>>
          %dma_wait3A_767 = tpu.memref_squeeze %dma_wait3A_766 : memref<1x128x16xf32, #tpu.memory_space<vmem>> -> memref<128x16xf32, #tpu.memory_space<vmem>>
          %dma_wait3A_768 = arith.constant 0 : i32
          %dma_wait3A_769 = tpu.memref_slice %arg7[%add3A_331, %dma_wait3A_768] : memref<78x128xi32, #tpu.memory_space<vmem>> -> memref<1x128xi32, #tpu.memory_space<vmem>>
          %dma_wait3A_770 = tpu.memref_squeeze %dma_wait3A_769 : memref<1x128xi32, #tpu.memory_space<vmem>> -> memref<128xi32, #tpu.memory_space<vmem>>
          %dma_wait3A_771 = arith.constant 0 : i32
          %dma_wait3A_772 = arith.constant 0 : i32
          %dma_wait3A_773 = tpu.memref_slice %arg12[%dma_wait3A_771, %dma_wait3A_772] : memref<10000x16xf32, #tpu.memory_space<vmem_shared>> -> memref<10000x16xf32, #tpu.memory_space<vmem_shared>>
          tpu.wait_indirect_dma semaphore(%arg14 : memref<!tpu.dma_semaphore, #tpu.memory_space<semaphore_mem>>) src(%dma_wait3A_767 : memref<128x16xf32, #tpu.memory_space<vmem>>) dst(%dma_wait3A_773 : memref<10000x16xf32, #tpu.memory_space<vmem_shared>>)
        } else {
        }
        %dma_start3A_752 = arith.constant 11 : i32
        %dma_start3A_753 = arith.constant 0 : i32
        %dma_start3A_754 = arith.constant 0 : i32
        %dma_start3A_755 = tpu.memref_slice %arg10[%dma_start3A_752, %dma_start3A_753, %dma_start3A_754] : memref<13x128x16xf32, #tpu.memory_space<vmem>> -> memref<1x128x16xf32, #tpu.memory_space<vmem>>
        %dma_start3A_756 = tpu.memref_squeeze %dma_start3A_755 : memref<1x128x16xf32, #tpu.memory_space<vmem>> -> memref<128x16xf32, #tpu.memory_space<vmem>>
        %dma_start3A_757 = arith.constant 0 : i32
        %dma_start3A_758 = tpu.memref_slice %arg6[%sub3A_357, %dma_start3A_757] : memref<78x128xi32, #tpu.memory_space<vmem>> -> memref<1x128xi32, #tpu.memory_space<vmem>>
        %dma_start3A_759 = tpu.memref_squeeze %dma_start3A_758 : memref<1x128xi32, #tpu.memory_space<vmem>> -> memref<128xi32, #tpu.memory_space<vmem>>
        %dma_start3A_760 = arith.constant 0 : i32
        %dma_start3A_761 = arith.constant 0 : i32
        %dma_start3A_762 = tpu.memref_slice %arg3[%dma_start3A_760, %dma_start3A_761] : memref<10000x16xf32, #tpu.memory_space<hbm>> -> memref<10000x16xf32, #tpu.memory_space<hbm>>
        tpu.enqueue_indirect_dma source(%dma_start3A_762 : memref<10000x16xf32, #tpu.memory_space<hbm>>) target(%dma_start3A_756 : memref<128x16xf32, #tpu.memory_space<vmem>>) offsets(%dma_start3A_759 : memref<128xi32, #tpu.memory_space<vmem>>) semaphore(%arg13 : memref<!tpu.dma_semaphore, #tpu.memory_space<semaphore_mem>>)
      } else {
      }
      %mul3A_363 = arith.constant 13 : i32
      %mul3A_364 = arith.muli %add3A_293, %mul3A_363 : i32
      %add3A_365 = arith.constant 2 : i32
      %add3A_366 = arith.addi %mul3A_364, %add3A_365 : i32
      %dma_wait3A_367 = arith.constant 2 : i32
      %dma_wait3A_368 = arith.constant 0 : i32
      %dma_wait3A_369 = arith.constant 0 : i32
      %dma_wait3A_370 = tpu.memref_slice %arg10[%dma_wait3A_367, %dma_wait3A_368, %dma_wait3A_369] : memref<13x128x16xf32, #tpu.memory_space<vmem>> -> memref<1x128x16xf32, #tpu.memory_space<vmem>>
      %dma_wait3A_371 = tpu.memref_squeeze %dma_wait3A_370 : memref<1x128x16xf32, #tpu.memory_space<vmem>> -> memref<128x16xf32, #tpu.memory_space<vmem>>
      %dma_wait3A_372 = arith.constant 0 : i32
      %dma_wait3A_373 = tpu.memref_slice %arg6[%add3A_366, %dma_wait3A_372] : memref<78x128xi32, #tpu.memory_space<vmem>> -> memref<1x128xi32, #tpu.memory_space<vmem>>
      %dma_wait3A_374 = tpu.memref_squeeze %dma_wait3A_373 : memref<1x128xi32, #tpu.memory_space<vmem>> -> memref<128xi32, #tpu.memory_space<vmem>>
      %dma_wait3A_375 = arith.constant 0 : i32
      %dma_wait3A_376 = arith.constant 0 : i32
      %dma_wait3A_377 = tpu.memref_slice %arg3[%dma_wait3A_375, %dma_wait3A_376] : memref<10000x16xf32, #tpu.memory_space<hbm>> -> memref<10000x16xf32, #tpu.memory_space<hbm>>
      tpu.wait_indirect_dma semaphore(%arg13 : memref<!tpu.dma_semaphore, #tpu.memory_space<semaphore_mem>>) src(%dma_wait3A_377 : memref<10000x16xf32, #tpu.memory_space<hbm>>) dst(%dma_wait3A_371 : memref<128x16xf32, #tpu.memory_space<vmem>>)
      %dma_start3A_378 = arith.constant 2 : i32
      %dma_start3A_379 = arith.constant 0 : i32
      %dma_start3A_380 = arith.constant 0 : i32
      %dma_start3A_381 = tpu.memref_slice %arg10[%dma_start3A_378, %dma_start3A_379, %dma_start3A_380] : memref<13x128x16xf32, #tpu.memory_space<vmem>> -> memref<1x128x16xf32, #tpu.memory_space<vmem>>
      %dma_start3A_382 = tpu.memref_squeeze %dma_start3A_381 : memref<1x128x16xf32, #tpu.memory_space<vmem>> -> memref<128x16xf32, #tpu.memory_space<vmem>>
      %dma_start3A_383 = arith.constant 0 : i32
      %dma_start3A_384 = tpu.memref_slice %arg7[%add3A_366, %dma_start3A_383] : memref<78x128xi32, #tpu.memory_space<vmem>> -> memref<1x128xi32, #tpu.memory_space<vmem>>
      %dma_start3A_385 = tpu.memref_squeeze %dma_start3A_384 : memref<1x128xi32, #tpu.memory_space<vmem>> -> memref<128xi32, #tpu.memory_space<vmem>>
      %dma_start3A_386 = arith.constant 0 : i32
      %dma_start3A_387 = arith.constant 0 : i32
      %dma_start3A_388 = tpu.memref_slice %arg12[%dma_start3A_386, %dma_start3A_387] : memref<10000x16xf32, #tpu.memory_space<vmem_shared>> -> memref<10000x16xf32, #tpu.memory_space<vmem_shared>>
      tpu.enqueue_indirect_dma source(%dma_start3A_382 : memref<128x16xf32, #tpu.memory_space<vmem>>) target(%dma_start3A_388 : memref<10000x16xf32, #tpu.memory_space<vmem_shared>>) offsets(%dma_start3A_385 : memref<128xi32, #tpu.memory_space<vmem>>) semaphore(%arg14 : memref<!tpu.dma_semaphore, #tpu.memory_space<semaphore_mem>>) {add = true}
      %add3A_389 = arith.constant 13 : i32
      %add3A_390 = arith.addi %add3A_366, %add3A_389 : i32
      %sub3A_391 = arith.constant 3 : i32
      %sub3A_392 = arith.subi %add3A_390, %sub3A_391 : i32
      %lt3A_393 = arith.constant 78 : i32
      %lt3A_394 = arith.cmpi slt, %sub3A_392, %lt3A_393 : i32
      %convert_element_type3A_395 = arith.extui %lt3A_394 : i1 to i32
      %cond3A_396 = arith.constant 0 : i32
      %cond3A_397 = arith.cmpi ne, %convert_element_type3A_395, %cond3A_396 : i32
      scf.if %cond3A_397 {
        %ge3A = arith.constant 3 : i32
        %ge3A_748 = arith.cmpi sge, %add3A_366, %ge3A : i32
        %convert_element_type3A_749 = arith.extui %ge3A_748 : i1 to i32
        %cond3A_750 = arith.constant 0 : i32
        %cond3A_751 = arith.cmpi ne, %convert_element_type3A_749, %cond3A_750 : i32
        scf.if %cond3A_751 {
          %dma_wait3A_763 = arith.constant 12 : i32
          %dma_wait3A_764 = arith.constant 0 : i32
          %dma_wait3A_765 = arith.constant 0 : i32
          %dma_wait3A_766 = tpu.memref_slice %arg10[%dma_wait3A_763, %dma_wait3A_764, %dma_wait3A_765] : memref<13x128x16xf32, #tpu.memory_space<vmem>> -> memref<1x128x16xf32, #tpu.memory_space<vmem>>
          %dma_wait3A_767 = tpu.memref_squeeze %dma_wait3A_766 : memref<1x128x16xf32, #tpu.memory_space<vmem>> -> memref<128x16xf32, #tpu.memory_space<vmem>>
          %dma_wait3A_768 = arith.constant 0 : i32
          %dma_wait3A_769 = tpu.memref_slice %arg7[%add3A_366, %dma_wait3A_768] : memref<78x128xi32, #tpu.memory_space<vmem>> -> memref<1x128xi32, #tpu.memory_space<vmem>>
          %dma_wait3A_770 = tpu.memref_squeeze %dma_wait3A_769 : memref<1x128xi32, #tpu.memory_space<vmem>> -> memref<128xi32, #tpu.memory_space<vmem>>
          %dma_wait3A_771 = arith.constant 0 : i32
          %dma_wait3A_772 = arith.constant 0 : i32
          %dma_wait3A_773 = tpu.memref_slice %arg12[%dma_wait3A_771, %dma_wait3A_772] : memref<10000x16xf32, #tpu.memory_space<vmem_shared>> -> memref<10000x16xf32, #tpu.memory_space<vmem_shared>>
          tpu.wait_indirect_dma semaphore(%arg14 : memref<!tpu.dma_semaphore, #tpu.memory_space<semaphore_mem>>) src(%dma_wait3A_767 : memref<128x16xf32, #tpu.memory_space<vmem>>) dst(%dma_wait3A_773 : memref<10000x16xf32, #tpu.memory_space<vmem_shared>>)
        } else {
        }
        %dma_start3A_752 = arith.constant 12 : i32
        %dma_start3A_753 = arith.constant 0 : i32
        %dma_start3A_754 = arith.constant 0 : i32
        %dma_start3A_755 = tpu.memref_slice %arg10[%dma_start3A_752, %dma_start3A_753, %dma_start3A_754] : memref<13x128x16xf32, #tpu.memory_space<vmem>> -> memref<1x128x16xf32, #tpu.memory_space<vmem>>
        %dma_start3A_756 = tpu.memref_squeeze %dma_start3A_755 : memref<1x128x16xf32, #tpu.memory_space<vmem>> -> memref<128x16xf32, #tpu.memory_space<vmem>>
        %dma_start3A_757 = arith.constant 0 : i32
        %dma_start3A_758 = tpu.memref_slice %arg6[%sub3A_392, %dma_start3A_757] : memref<78x128xi32, #tpu.memory_space<vmem>> -> memref<1x128xi32, #tpu.memory_space<vmem>>
        %dma_start3A_759 = tpu.memref_squeeze %dma_start3A_758 : memref<1x128xi32, #tpu.memory_space<vmem>> -> memref<128xi32, #tpu.memory_space<vmem>>
        %dma_start3A_760 = arith.constant 0 : i32
        %dma_start3A_761 = arith.constant 0 : i32
        %dma_start3A_762 = tpu.memref_slice %arg3[%dma_start3A_760, %dma_start3A_761] : memref<10000x16xf32, #tpu.memory_space<hbm>> -> memref<10000x16xf32, #tpu.memory_space<hbm>>
        tpu.enqueue_indirect_dma source(%dma_start3A_762 : memref<10000x16xf32, #tpu.memory_space<hbm>>) target(%dma_start3A_756 : memref<128x16xf32, #tpu.memory_space<vmem>>) offsets(%dma_start3A_759 : memref<128xi32, #tpu.memory_space<vmem>>) semaphore(%arg13 : memref<!tpu.dma_semaphore, #tpu.memory_space<semaphore_mem>>)
      } else {
      }
      %mul3A_398 = arith.constant 13 : i32
      %mul3A_399 = arith.muli %add3A_293, %mul3A_398 : i32
      %add3A_400 = arith.constant 3 : i32
      %add3A_401 = arith.addi %mul3A_399, %add3A_400 : i32
      %dma_wait3A_402 = arith.constant 3 : i32
      %dma_wait3A_403 = arith.constant 0 : i32
      %dma_wait3A_404 = arith.constant 0 : i32
      %dma_wait3A_405 = tpu.memref_slice %arg10[%dma_wait3A_402, %dma_wait3A_403, %dma_wait3A_404] : memref<13x128x16xf32, #tpu.memory_space<vmem>> -> memref<1x128x16xf32, #tpu.memory_space<vmem>>
      %dma_wait3A_406 = tpu.memref_squeeze %dma_wait3A_405 : memref<1x128x16xf32, #tpu.memory_space<vmem>> -> memref<128x16xf32, #tpu.memory_space<vmem>>
      %dma_wait3A_407 = arith.constant 0 : i32
      %dma_wait3A_408 = tpu.memref_slice %arg6[%add3A_401, %dma_wait3A_407] : memref<78x128xi32, #tpu.memory_space<vmem>> -> memref<1x128xi32, #tpu.memory_space<vmem>>
      %dma_wait3A_409 = tpu.memref_squeeze %dma_wait3A_408 : memref<1x128xi32, #tpu.memory_space<vmem>> -> memref<128xi32, #tpu.memory_space<vmem>>
      %dma_wait3A_410 = arith.constant 0 : i32
      %dma_wait3A_411 = arith.constant 0 : i32
      %dma_wait3A_412 = tpu.memref_slice %arg3[%dma_wait3A_410, %dma_wait3A_411] : memref<10000x16xf32, #tpu.memory_space<hbm>> -> memref<10000x16xf32, #tpu.memory_space<hbm>>
      tpu.wait_indirect_dma semaphore(%arg13 : memref<!tpu.dma_semaphore, #tpu.memory_space<semaphore_mem>>) src(%dma_wait3A_412 : memref<10000x16xf32, #tpu.memory_space<hbm>>) dst(%dma_wait3A_406 : memref<128x16xf32, #tpu.memory_space<vmem>>)
      %dma_start3A_413 = arith.constant 3 : i32
      %dma_start3A_414 = arith.constant 0 : i32
      %dma_start3A_415 = arith.constant 0 : i32
      %dma_start3A_416 = tpu.memref_slice %arg10[%dma_start3A_413, %dma_start3A_414, %dma_start3A_415] : memref<13x128x16xf32, #tpu.memory_space<vmem>> -> memref<1x128x16xf32, #tpu.memory_space<vmem>>
      %dma_start3A_417 = tpu.memref_squeeze %dma_start3A_416 : memref<1x128x16xf32, #tpu.memory_space<vmem>> -> memref<128x16xf32, #tpu.memory_space<vmem>>
      %dma_start3A_418 = arith.constant 0 : i32
      %dma_start3A_419 = tpu.memref_slice %arg7[%add3A_401, %dma_start3A_418] : memref<78x128xi32, #tpu.memory_space<vmem>> -> memref<1x128xi32, #tpu.memory_space<vmem>>
      %dma_start3A_420 = tpu.memref_squeeze %dma_start3A_419 : memref<1x128xi32, #tpu.memory_space<vmem>> -> memref<128xi32, #tpu.memory_space<vmem>>
      %dma_start3A_421 = arith.constant 0 : i32
      %dma_start3A_422 = arith.constant 0 : i32
      %dma_start3A_423 = tpu.memref_slice %arg12[%dma_start3A_421, %dma_start3A_422] : memref<10000x16xf32, #tpu.memory_space<vmem_shared>> -> memref<10000x16xf32, #tpu.memory_space<vmem_shared>>
      tpu.enqueue_indirect_dma source(%dma_start3A_417 : memref<128x16xf32, #tpu.memory_space<vmem>>) target(%dma_start3A_423 : memref<10000x16xf32, #tpu.memory_space<vmem_shared>>) offsets(%dma_start3A_420 : memref<128xi32, #tpu.memory_space<vmem>>) semaphore(%arg14 : memref<!tpu.dma_semaphore, #tpu.memory_space<semaphore_mem>>) {add = true}
      %add3A_424 = arith.constant 13 : i32
      %add3A_425 = arith.addi %add3A_401, %add3A_424 : i32
      %sub3A_426 = arith.constant 3 : i32
      %sub3A_427 = arith.subi %add3A_425, %sub3A_426 : i32
      %lt3A_428 = arith.constant 78 : i32
      %lt3A_429 = arith.cmpi slt, %sub3A_427, %lt3A_428 : i32
      %convert_element_type3A_430 = arith.extui %lt3A_429 : i1 to i32
      %cond3A_431 = arith.constant 0 : i32
      %cond3A_432 = arith.cmpi ne, %convert_element_type3A_430, %cond3A_431 : i32
      scf.if %cond3A_432 {
        %ge3A = arith.constant 3 : i32
        %ge3A_748 = arith.cmpi sge, %add3A_401, %ge3A : i32
        %convert_element_type3A_749 = arith.extui %ge3A_748 : i1 to i32
        %cond3A_750 = arith.constant 0 : i32
        %cond3A_751 = arith.cmpi ne, %convert_element_type3A_749, %cond3A_750 : i32
        scf.if %cond3A_751 {
          %dma_wait3A_763 = arith.constant 0 : i32
          %dma_wait3A_764 = arith.constant 0 : i32
          %dma_wait3A_765 = arith.constant 0 : i32
          %dma_wait3A_766 = tpu.memref_slice %arg10[%dma_wait3A_763, %dma_wait3A_764, %dma_wait3A_765] : memref<13x128x16xf32, #tpu.memory_space<vmem>> -> memref<1x128x16xf32, #tpu.memory_space<vmem>>
          %dma_wait3A_767 = tpu.memref_squeeze %dma_wait3A_766 : memref<1x128x16xf32, #tpu.memory_space<vmem>> -> memref<128x16xf32, #tpu.memory_space<vmem>>
          %dma_wait3A_768 = arith.constant 0 : i32
          %dma_wait3A_769 = tpu.memref_slice %arg7[%add3A_401, %dma_wait3A_768] : memref<78x128xi32, #tpu.memory_space<vmem>> -> memref<1x128xi32, #tpu.memory_space<vmem>>
          %dma_wait3A_770 = tpu.memref_squeeze %dma_wait3A_769 : memref<1x128xi32, #tpu.memory_space<vmem>> -> memref<128xi32, #tpu.memory_space<vmem>>
          %dma_wait3A_771 = arith.constant 0 : i32
          %dma_wait3A_772 = arith.constant 0 : i32
          %dma_wait3A_773 = tpu.memref_slice %arg12[%dma_wait3A_771, %dma_wait3A_772] : memref<10000x16xf32, #tpu.memory_space<vmem_shared>> -> memref<10000x16xf32, #tpu.memory_space<vmem_shared>>
          tpu.wait_indirect_dma semaphore(%arg14 : memref<!tpu.dma_semaphore, #tpu.memory_space<semaphore_mem>>) src(%dma_wait3A_767 : memref<128x16xf32, #tpu.memory_space<vmem>>) dst(%dma_wait3A_773 : memref<10000x16xf32, #tpu.memory_space<vmem_shared>>)
        } else {
        }
        %dma_start3A_752 = arith.constant 0 : i32
        %dma_start3A_753 = arith.constant 0 : i32
        %dma_start3A_754 = arith.constant 0 : i32
        %dma_start3A_755 = tpu.memref_slice %arg10[%dma_start3A_752, %dma_start3A_753, %dma_start3A_754] : memref<13x128x16xf32, #tpu.memory_space<vmem>> -> memref<1x128x16xf32, #tpu.memory_space<vmem>>
        %dma_start3A_756 = tpu.memref_squeeze %dma_start3A_755 : memref<1x128x16xf32, #tpu.memory_space<vmem>> -> memref<128x16xf32, #tpu.memory_space<vmem>>
        %dma_start3A_757 = arith.constant 0 : i32
        %dma_start3A_758 = tpu.memref_slice %arg6[%sub3A_427, %dma_start3A_757] : memref<78x128xi32, #tpu.memory_space<vmem>> -> memref<1x128xi32, #tpu.memory_space<vmem>>
        %dma_start3A_759 = tpu.memref_squeeze %dma_start3A_758 : memref<1x128xi32, #tpu.memory_space<vmem>> -> memref<128xi32, #tpu.memory_space<vmem>>
        %dma_start3A_760 = arith.constant 0 : i32
        %dma_start3A_761 = arith.constant 0 : i32
        %dma_start3A_762 = tpu.memref_slice %arg3[%dma_start3A_760, %dma_start3A_761] : memref<10000x16xf32, #tpu.memory_space<hbm>> -> memref<10000x16xf32, #tpu.memory_space<hbm>>
        tpu.enqueue_indirect_dma source(%dma_start3A_762 : memref<10000x16xf32, #tpu.memory_space<hbm>>) target(%dma_start3A_756 : memref<128x16xf32, #tpu.memory_space<vmem>>) offsets(%dma_start3A_759 : memref<128xi32, #tpu.memory_space<vmem>>) semaphore(%arg13 : memref<!tpu.dma_semaphore, #tpu.memory_space<semaphore_mem>>)
      } else {
      }
      %mul3A_433 = arith.constant 13 : i32
      %mul3A_434 = arith.muli %add3A_293, %mul3A_433 : i32
      %add3A_435 = arith.constant 4 : i32
      %add3A_436 = arith.addi %mul3A_434, %add3A_435 : i32
      %dma_wait3A_437 = arith.constant 4 : i32
      %dma_wait3A_438 = arith.constant 0 : i32
      %dma_wait3A_439 = arith.constant 0 : i32
      %dma_wait3A_440 = tpu.memref_slice %arg10[%dma_wait3A_437, %dma_wait3A_438, %dma_wait3A_439] : memref<13x128x16xf32, #tpu.memory_space<vmem>> -> memref<1x128x16xf32, #tpu.memory_space<vmem>>
      %dma_wait3A_441 = tpu.memref_squeeze %dma_wait3A_440 : memref<1x128x16xf32, #tpu.memory_space<vmem>> -> memref<128x16xf32, #tpu.memory_space<vmem>>
      %dma_wait3A_442 = arith.constant 0 : i32
      %dma_wait3A_443 = tpu.memref_slice %arg6[%add3A_436, %dma_wait3A_442] : memref<78x128xi32, #tpu.memory_space<vmem>> -> memref<1x128xi32, #tpu.memory_space<vmem>>
      %dma_wait3A_444 = tpu.memref_squeeze %dma_wait3A_443 : memref<1x128xi32, #tpu.memory_space<vmem>> -> memref<128xi32, #tpu.memory_space<vmem>>
      %dma_wait3A_445 = arith.constant 0 : i32
      %dma_wait3A_446 = arith.constant 0 : i32
      %dma_wait3A_447 = tpu.memref_slice %arg3[%dma_wait3A_445, %dma_wait3A_446] : memref<10000x16xf32, #tpu.memory_space<hbm>> -> memref<10000x16xf32, #tpu.memory_space<hbm>>
      tpu.wait_indirect_dma semaphore(%arg13 : memref<!tpu.dma_semaphore, #tpu.memory_space<semaphore_mem>>) src(%dma_wait3A_447 : memref<10000x16xf32, #tpu.memory_space<hbm>>) dst(%dma_wait3A_441 : memref<128x16xf32, #tpu.memory_space<vmem>>)
      %dma_start3A_448 = arith.constant 4 : i32
      %dma_start3A_449 = arith.constant 0 : i32
      %dma_start3A_450 = arith.constant 0 : i32
      %dma_start3A_451 = tpu.memref_slice %arg10[%dma_start3A_448, %dma_start3A_449, %dma_start3A_450] : memref<13x128x16xf32, #tpu.memory_space<vmem>> -> memref<1x128x16xf32, #tpu.memory_space<vmem>>
      %dma_start3A_452 = tpu.memref_squeeze %dma_start3A_451 : memref<1x128x16xf32, #tpu.memory_space<vmem>> -> memref<128x16xf32, #tpu.memory_space<vmem>>
      %dma_start3A_453 = arith.constant 0 : i32
      %dma_start3A_454 = tpu.memref_slice %arg7[%add3A_436, %dma_start3A_453] : memref<78x128xi32, #tpu.memory_space<vmem>> -> memref<1x128xi32, #tpu.memory_space<vmem>>
      %dma_start3A_455 = tpu.memref_squeeze %dma_start3A_454 : memref<1x128xi32, #tpu.memory_space<vmem>> -> memref<128xi32, #tpu.memory_space<vmem>>
      %dma_start3A_456 = arith.constant 0 : i32
      %dma_start3A_457 = arith.constant 0 : i32
      %dma_start3A_458 = tpu.memref_slice %arg12[%dma_start3A_456, %dma_start3A_457] : memref<10000x16xf32, #tpu.memory_space<vmem_shared>> -> memref<10000x16xf32, #tpu.memory_space<vmem_shared>>
      tpu.enqueue_indirect_dma source(%dma_start3A_452 : memref<128x16xf32, #tpu.memory_space<vmem>>) target(%dma_start3A_458 : memref<10000x16xf32, #tpu.memory_space<vmem_shared>>) offsets(%dma_start3A_455 : memref<128xi32, #tpu.memory_space<vmem>>) semaphore(%arg14 : memref<!tpu.dma_semaphore, #tpu.memory_space<semaphore_mem>>) {add = true}
      %add3A_459 = arith.constant 13 : i32
      %add3A_460 = arith.addi %add3A_436, %add3A_459 : i32
      %sub3A_461 = arith.constant 3 : i32
      %sub3A_462 = arith.subi %add3A_460, %sub3A_461 : i32
      %lt3A_463 = arith.constant 78 : i32
      %lt3A_464 = arith.cmpi slt, %sub3A_462, %lt3A_463 : i32
      %convert_element_type3A_465 = arith.extui %lt3A_464 : i1 to i32
      %cond3A_466 = arith.constant 0 : i32
      %cond3A_467 = arith.cmpi ne, %convert_element_type3A_465, %cond3A_466 : i32
      scf.if %cond3A_467 {
        %ge3A = arith.constant 3 : i32
        %ge3A_748 = arith.cmpi sge, %add3A_436, %ge3A : i32
        %convert_element_type3A_749 = arith.extui %ge3A_748 : i1 to i32
        %cond3A_750 = arith.constant 0 : i32
        %cond3A_751 = arith.cmpi ne, %convert_element_type3A_749, %cond3A_750 : i32
        scf.if %cond3A_751 {
          %dma_wait3A_763 = arith.constant 1 : i32
          %dma_wait3A_764 = arith.constant 0 : i32
          %dma_wait3A_765 = arith.constant 0 : i32
          %dma_wait3A_766 = tpu.memref_slice %arg10[%dma_wait3A_763, %dma_wait3A_764, %dma_wait3A_765] : memref<13x128x16xf32, #tpu.memory_space<vmem>> -> memref<1x128x16xf32, #tpu.memory_space<vmem>>
          %dma_wait3A_767 = tpu.memref_squeeze %dma_wait3A_766 : memref<1x128x16xf32, #tpu.memory_space<vmem>> -> memref<128x16xf32, #tpu.memory_space<vmem>>
          %dma_wait3A_768 = arith.constant 0 : i32
          %dma_wait3A_769 = tpu.memref_slice %arg7[%add3A_436, %dma_wait3A_768] : memref<78x128xi32, #tpu.memory_space<vmem>> -> memref<1x128xi32, #tpu.memory_space<vmem>>
          %dma_wait3A_770 = tpu.memref_squeeze %dma_wait3A_769 : memref<1x128xi32, #tpu.memory_space<vmem>> -> memref<128xi32, #tpu.memory_space<vmem>>
          %dma_wait3A_771 = arith.constant 0 : i32
          %dma_wait3A_772 = arith.constant 0 : i32
          %dma_wait3A_773 = tpu.memref_slice %arg12[%dma_wait3A_771, %dma_wait3A_772] : memref<10000x16xf32, #tpu.memory_space<vmem_shared>> -> memref<10000x16xf32, #tpu.memory_space<vmem_shared>>
          tpu.wait_indirect_dma semaphore(%arg14 : memref<!tpu.dma_semaphore, #tpu.memory_space<semaphore_mem>>) src(%dma_wait3A_767 : memref<128x16xf32, #tpu.memory_space<vmem>>) dst(%dma_wait3A_773 : memref<10000x16xf32, #tpu.memory_space<vmem_shared>>)
        } else {
        }
        %dma_start3A_752 = arith.constant 1 : i32
        %dma_start3A_753 = arith.constant 0 : i32
        %dma_start3A_754 = arith.constant 0 : i32
        %dma_start3A_755 = tpu.memref_slice %arg10[%dma_start3A_752, %dma_start3A_753, %dma_start3A_754] : memref<13x128x16xf32, #tpu.memory_space<vmem>> -> memref<1x128x16xf32, #tpu.memory_space<vmem>>
        %dma_start3A_756 = tpu.memref_squeeze %dma_start3A_755 : memref<1x128x16xf32, #tpu.memory_space<vmem>> -> memref<128x16xf32, #tpu.memory_space<vmem>>
        %dma_start3A_757 = arith.constant 0 : i32
        %dma_start3A_758 = tpu.memref_slice %arg6[%sub3A_462, %dma_start3A_757] : memref<78x128xi32, #tpu.memory_space<vmem>> -> memref<1x128xi32, #tpu.memory_space<vmem>>
        %dma_start3A_759 = tpu.memref_squeeze %dma_start3A_758 : memref<1x128xi32, #tpu.memory_space<vmem>> -> memref<128xi32, #tpu.memory_space<vmem>>
        %dma_start3A_760 = arith.constant 0 : i32
        %dma_start3A_761 = arith.constant 0 : i32
        %dma_start3A_762 = tpu.memref_slice %arg3[%dma_start3A_760, %dma_start3A_761] : memref<10000x16xf32, #tpu.memory_space<hbm>> -> memref<10000x16xf32, #tpu.memory_space<hbm>>
        tpu.enqueue_indirect_dma source(%dma_start3A_762 : memref<10000x16xf32, #tpu.memory_space<hbm>>) target(%dma_start3A_756 : memref<128x16xf32, #tpu.memory_space<vmem>>) offsets(%dma_start3A_759 : memref<128xi32, #tpu.memory_space<vmem>>) semaphore(%arg13 : memref<!tpu.dma_semaphore, #tpu.memory_space<semaphore_mem>>)
      } else {
      }
      %mul3A_468 = arith.constant 13 : i32
      %mul3A_469 = arith.muli %add3A_293, %mul3A_468 : i32
      %add3A_470 = arith.constant 5 : i32
      %add3A_471 = arith.addi %mul3A_469, %add3A_470 : i32
      %dma_wait3A_472 = arith.constant 5 : i32
      %dma_wait3A_473 = arith.constant 0 : i32
      %dma_wait3A_474 = arith.constant 0 : i32
      %dma_wait3A_475 = tpu.memref_slice %arg10[%dma_wait3A_472, %dma_wait3A_473, %dma_wait3A_474] : memref<13x128x16xf32, #tpu.memory_space<vmem>> -> memref<1x128x16xf32, #tpu.memory_space<vmem>>
      %dma_wait3A_476 = tpu.memref_squeeze %dma_wait3A_475 : memref<1x128x16xf32, #tpu.memory_space<vmem>> -> memref<128x16xf32, #tpu.memory_space<vmem>>
      %dma_wait3A_477 = arith.constant 0 : i32
      %dma_wait3A_478 = tpu.memref_slice %arg6[%add3A_471, %dma_wait3A_477] : memref<78x128xi32, #tpu.memory_space<vmem>> -> memref<1x128xi32, #tpu.memory_space<vmem>>
      %dma_wait3A_479 = tpu.memref_squeeze %dma_wait3A_478 : memref<1x128xi32, #tpu.memory_space<vmem>> -> memref<128xi32, #tpu.memory_space<vmem>>
      %dma_wait3A_480 = arith.constant 0 : i32
      %dma_wait3A_481 = arith.constant 0 : i32
      %dma_wait3A_482 = tpu.memref_slice %arg3[%dma_wait3A_480, %dma_wait3A_481] : memref<10000x16xf32, #tpu.memory_space<hbm>> -> memref<10000x16xf32, #tpu.memory_space<hbm>>
      tpu.wait_indirect_dma semaphore(%arg13 : memref<!tpu.dma_semaphore, #tpu.memory_space<semaphore_mem>>) src(%dma_wait3A_482 : memref<10000x16xf32, #tpu.memory_space<hbm>>) dst(%dma_wait3A_476 : memref<128x16xf32, #tpu.memory_space<vmem>>)
      %dma_start3A_483 = arith.constant 5 : i32
      %dma_start3A_484 = arith.constant 0 : i32
      %dma_start3A_485 = arith.constant 0 : i32
      %dma_start3A_486 = tpu.memref_slice %arg10[%dma_start3A_483, %dma_start3A_484, %dma_start3A_485] : memref<13x128x16xf32, #tpu.memory_space<vmem>> -> memref<1x128x16xf32, #tpu.memory_space<vmem>>
      %dma_start3A_487 = tpu.memref_squeeze %dma_start3A_486 : memref<1x128x16xf32, #tpu.memory_space<vmem>> -> memref<128x16xf32, #tpu.memory_space<vmem>>
      %dma_start3A_488 = arith.constant 0 : i32
      %dma_start3A_489 = tpu.memref_slice %arg7[%add3A_471, %dma_start3A_488] : memref<78x128xi32, #tpu.memory_space<vmem>> -> memref<1x128xi32, #tpu.memory_space<vmem>>
      %dma_start3A_490 = tpu.memref_squeeze %dma_start3A_489 : memref<1x128xi32, #tpu.memory_space<vmem>> -> memref<128xi32, #tpu.memory_space<vmem>>
      %dma_start3A_491 = arith.constant 0 : i32
      %dma_start3A_492 = arith.constant 0 : i32
      %dma_start3A_493 = tpu.memref_slice %arg12[%dma_start3A_491, %dma_start3A_492] : memref<10000x16xf32, #tpu.memory_space<vmem_shared>> -> memref<10000x16xf32, #tpu.memory_space<vmem_shared>>
      tpu.enqueue_indirect_dma source(%dma_start3A_487 : memref<128x16xf32, #tpu.memory_space<vmem>>) target(%dma_start3A_493 : memref<10000x16xf32, #tpu.memory_space<vmem_shared>>) offsets(%dma_start3A_490 : memref<128xi32, #tpu.memory_space<vmem>>) semaphore(%arg14 : memref<!tpu.dma_semaphore, #tpu.memory_space<semaphore_mem>>) {add = true}
      %add3A_494 = arith.constant 13 : i32
      %add3A_495 = arith.addi %add3A_471, %add3A_494 : i32
      %sub3A_496 = arith.constant 3 : i32
      %sub3A_497 = arith.subi %add3A_495, %sub3A_496 : i32
      %lt3A_498 = arith.constant 78 : i32
      %lt3A_499 = arith.cmpi slt, %sub3A_497, %lt3A_498 : i32
      %convert_element_type3A_500 = arith.extui %lt3A_499 : i1 to i32
      %cond3A_501 = arith.constant 0 : i32
      %cond3A_502 = arith.cmpi ne, %convert_element_type3A_500, %cond3A_501 : i32
      scf.if %cond3A_502 {
        %ge3A = arith.constant 3 : i32
        %ge3A_748 = arith.cmpi sge, %add3A_471, %ge3A : i32
        %convert_element_type3A_749 = arith.extui %ge3A_748 : i1 to i32
        %cond3A_750 = arith.constant 0 : i32
        %cond3A_751 = arith.cmpi ne, %convert_element_type3A_749, %cond3A_750 : i32
        scf.if %cond3A_751 {
          %dma_wait3A_763 = arith.constant 2 : i32
          %dma_wait3A_764 = arith.constant 0 : i32
          %dma_wait3A_765 = arith.constant 0 : i32
          %dma_wait3A_766 = tpu.memref_slice %arg10[%dma_wait3A_763, %dma_wait3A_764, %dma_wait3A_765] : memref<13x128x16xf32, #tpu.memory_space<vmem>> -> memref<1x128x16xf32, #tpu.memory_space<vmem>>
          %dma_wait3A_767 = tpu.memref_squeeze %dma_wait3A_766 : memref<1x128x16xf32, #tpu.memory_space<vmem>> -> memref<128x16xf32, #tpu.memory_space<vmem>>
          %dma_wait3A_768 = arith.constant 0 : i32
          %dma_wait3A_769 = tpu.memref_slice %arg7[%add3A_471, %dma_wait3A_768] : memref<78x128xi32, #tpu.memory_space<vmem>> -> memref<1x128xi32, #tpu.memory_space<vmem>>
          %dma_wait3A_770 = tpu.memref_squeeze %dma_wait3A_769 : memref<1x128xi32, #tpu.memory_space<vmem>> -> memref<128xi32, #tpu.memory_space<vmem>>
          %dma_wait3A_771 = arith.constant 0 : i32
          %dma_wait3A_772 = arith.constant 0 : i32
          %dma_wait3A_773 = tpu.memref_slice %arg12[%dma_wait3A_771, %dma_wait3A_772] : memref<10000x16xf32, #tpu.memory_space<vmem_shared>> -> memref<10000x16xf32, #tpu.memory_space<vmem_shared>>
          tpu.wait_indirect_dma semaphore(%arg14 : memref<!tpu.dma_semaphore, #tpu.memory_space<semaphore_mem>>) src(%dma_wait3A_767 : memref<128x16xf32, #tpu.memory_space<vmem>>) dst(%dma_wait3A_773 : memref<10000x16xf32, #tpu.memory_space<vmem_shared>>)
        } else {
        }
        %dma_start3A_752 = arith.constant 2 : i32
        %dma_start3A_753 = arith.constant 0 : i32
        %dma_start3A_754 = arith.constant 0 : i32
        %dma_start3A_755 = tpu.memref_slice %arg10[%dma_start3A_752, %dma_start3A_753, %dma_start3A_754] : memref<13x128x16xf32, #tpu.memory_space<vmem>> -> memref<1x128x16xf32, #tpu.memory_space<vmem>>
        %dma_start3A_756 = tpu.memref_squeeze %dma_start3A_755 : memref<1x128x16xf32, #tpu.memory_space<vmem>> -> memref<128x16xf32, #tpu.memory_space<vmem>>
        %dma_start3A_757 = arith.constant 0 : i32
        %dma_start3A_758 = tpu.memref_slice %arg6[%sub3A_497, %dma_start3A_757] : memref<78x128xi32, #tpu.memory_space<vmem>> -> memref<1x128xi32, #tpu.memory_space<vmem>>
        %dma_start3A_759 = tpu.memref_squeeze %dma_start3A_758 : memref<1x128xi32, #tpu.memory_space<vmem>> -> memref<128xi32, #tpu.memory_space<vmem>>
        %dma_start3A_760 = arith.constant 0 : i32
        %dma_start3A_761 = arith.constant 0 : i32
        %dma_start3A_762 = tpu.memref_slice %arg3[%dma_start3A_760, %dma_start3A_761] : memref<10000x16xf32, #tpu.memory_space<hbm>> -> memref<10000x16xf32, #tpu.memory_space<hbm>>
        tpu.enqueue_indirect_dma source(%dma_start3A_762 : memref<10000x16xf32, #tpu.memory_space<hbm>>) target(%dma_start3A_756 : memref<128x16xf32, #tpu.memory_space<vmem>>) offsets(%dma_start3A_759 : memref<128xi32, #tpu.memory_space<vmem>>) semaphore(%arg13 : memref<!tpu.dma_semaphore, #tpu.memory_space<semaphore_mem>>)
      } else {
      }
      %mul3A_503 = arith.constant 13 : i32
      %mul3A_504 = arith.muli %add3A_293, %mul3A_503 : i32
      %add3A_505 = arith.constant 6 : i32
      %add3A_506 = arith.addi %mul3A_504, %add3A_505 : i32
      %dma_wait3A_507 = arith.constant 6 : i32
      %dma_wait3A_508 = arith.constant 0 : i32
      %dma_wait3A_509 = arith.constant 0 : i32
      %dma_wait3A_510 = tpu.memref_slice %arg10[%dma_wait3A_507, %dma_wait3A_508, %dma_wait3A_509] : memref<13x128x16xf32, #tpu.memory_space<vmem>> -> memref<1x128x16xf32, #tpu.memory_space<vmem>>
      %dma_wait3A_511 = tpu.memref_squeeze %dma_wait3A_510 : memref<1x128x16xf32, #tpu.memory_space<vmem>> -> memref<128x16xf32, #tpu.memory_space<vmem>>
      %dma_wait3A_512 = arith.constant 0 : i32
      %dma_wait3A_513 = tpu.memref_slice %arg6[%add3A_506, %dma_wait3A_512] : memref<78x128xi32, #tpu.memory_space<vmem>> -> memref<1x128xi32, #tpu.memory_space<vmem>>
      %dma_wait3A_514 = tpu.memref_squeeze %dma_wait3A_513 : memref<1x128xi32, #tpu.memory_space<vmem>> -> memref<128xi32, #tpu.memory_space<vmem>>
      %dma_wait3A_515 = arith.constant 0 : i32
      %dma_wait3A_516 = arith.constant 0 : i32
      %dma_wait3A_517 = tpu.memref_slice %arg3[%dma_wait3A_515, %dma_wait3A_516] : memref<10000x16xf32, #tpu.memory_space<hbm>> -> memref<10000x16xf32, #tpu.memory_space<hbm>>
      tpu.wait_indirect_dma semaphore(%arg13 : memref<!tpu.dma_semaphore, #tpu.memory_space<semaphore_mem>>) src(%dma_wait3A_517 : memref<10000x16xf32, #tpu.memory_space<hbm>>) dst(%dma_wait3A_511 : memref<128x16xf32, #tpu.memory_space<vmem>>)
      %dma_start3A_518 = arith.constant 6 : i32
      %dma_start3A_519 = arith.constant 0 : i32
      %dma_start3A_520 = arith.constant 0 : i32
      %dma_start3A_521 = tpu.memref_slice %arg10[%dma_start3A_518, %dma_start3A_519, %dma_start3A_520] : memref<13x128x16xf32, #tpu.memory_space<vmem>> -> memref<1x128x16xf32, #tpu.memory_space<vmem>>
      %dma_start3A_522 = tpu.memref_squeeze %dma_start3A_521 : memref<1x128x16xf32, #tpu.memory_space<vmem>> -> memref<128x16xf32, #tpu.memory_space<vmem>>
      %dma_start3A_523 = arith.constant 0 : i32
      %dma_start3A_524 = tpu.memref_slice %arg7[%add3A_506, %dma_start3A_523] : memref<78x128xi32, #tpu.memory_space<vmem>> -> memref<1x128xi32, #tpu.memory_space<vmem>>
      %dma_start3A_525 = tpu.memref_squeeze %dma_start3A_524 : memref<1x128xi32, #tpu.memory_space<vmem>> -> memref<128xi32, #tpu.memory_space<vmem>>
      %dma_start3A_526 = arith.constant 0 : i32
      %dma_start3A_527 = arith.constant 0 : i32
      %dma_start3A_528 = tpu.memref_slice %arg12[%dma_start3A_526, %dma_start3A_527] : memref<10000x16xf32, #tpu.memory_space<vmem_shared>> -> memref<10000x16xf32, #tpu.memory_space<vmem_shared>>
      tpu.enqueue_indirect_dma source(%dma_start3A_522 : memref<128x16xf32, #tpu.memory_space<vmem>>) target(%dma_start3A_528 : memref<10000x16xf32, #tpu.memory_space<vmem_shared>>) offsets(%dma_start3A_525 : memref<128xi32, #tpu.memory_space<vmem>>) semaphore(%arg14 : memref<!tpu.dma_semaphore, #tpu.memory_space<semaphore_mem>>) {add = true}
      %add3A_529 = arith.constant 13 : i32
      %add3A_530 = arith.addi %add3A_506, %add3A_529 : i32
      %sub3A_531 = arith.constant 3 : i32
      %sub3A_532 = arith.subi %add3A_530, %sub3A_531 : i32
      %lt3A_533 = arith.constant 78 : i32
      %lt3A_534 = arith.cmpi slt, %sub3A_532, %lt3A_533 : i32
      %convert_element_type3A_535 = arith.extui %lt3A_534 : i1 to i32
      %cond3A_536 = arith.constant 0 : i32
      %cond3A_537 = arith.cmpi ne, %convert_element_type3A_535, %cond3A_536 : i32
      scf.if %cond3A_537 {
        %ge3A = arith.constant 3 : i32
        %ge3A_748 = arith.cmpi sge, %add3A_506, %ge3A : i32
        %convert_element_type3A_749 = arith.extui %ge3A_748 : i1 to i32
        %cond3A_750 = arith.constant 0 : i32
        %cond3A_751 = arith.cmpi ne, %convert_element_type3A_749, %cond3A_750 : i32
        scf.if %cond3A_751 {
          %dma_wait3A_763 = arith.constant 3 : i32
          %dma_wait3A_764 = arith.constant 0 : i32
          %dma_wait3A_765 = arith.constant 0 : i32
          %dma_wait3A_766 = tpu.memref_slice %arg10[%dma_wait3A_763, %dma_wait3A_764, %dma_wait3A_765] : memref<13x128x16xf32, #tpu.memory_space<vmem>> -> memref<1x128x16xf32, #tpu.memory_space<vmem>>
          %dma_wait3A_767 = tpu.memref_squeeze %dma_wait3A_766 : memref<1x128x16xf32, #tpu.memory_space<vmem>> -> memref<128x16xf32, #tpu.memory_space<vmem>>
          %dma_wait3A_768 = arith.constant 0 : i32
          %dma_wait3A_769 = tpu.memref_slice %arg7[%add3A_506, %dma_wait3A_768] : memref<78x128xi32, #tpu.memory_space<vmem>> -> memref<1x128xi32, #tpu.memory_space<vmem>>
          %dma_wait3A_770 = tpu.memref_squeeze %dma_wait3A_769 : memref<1x128xi32, #tpu.memory_space<vmem>> -> memref<128xi32, #tpu.memory_space<vmem>>
          %dma_wait3A_771 = arith.constant 0 : i32
          %dma_wait3A_772 = arith.constant 0 : i32
          %dma_wait3A_773 = tpu.memref_slice %arg12[%dma_wait3A_771, %dma_wait3A_772] : memref<10000x16xf32, #tpu.memory_space<vmem_shared>> -> memref<10000x16xf32, #tpu.memory_space<vmem_shared>>
          tpu.wait_indirect_dma semaphore(%arg14 : memref<!tpu.dma_semaphore, #tpu.memory_space<semaphore_mem>>) src(%dma_wait3A_767 : memref<128x16xf32, #tpu.memory_space<vmem>>) dst(%dma_wait3A_773 : memref<10000x16xf32, #tpu.memory_space<vmem_shared>>)
        } else {
        }
        %dma_start3A_752 = arith.constant 3 : i32
        %dma_start3A_753 = arith.constant 0 : i32
        %dma_start3A_754 = arith.constant 0 : i32
        %dma_start3A_755 = tpu.memref_slice %arg10[%dma_start3A_752, %dma_start3A_753, %dma_start3A_754] : memref<13x128x16xf32, #tpu.memory_space<vmem>> -> memref<1x128x16xf32, #tpu.memory_space<vmem>>
        %dma_start3A_756 = tpu.memref_squeeze %dma_start3A_755 : memref<1x128x16xf32, #tpu.memory_space<vmem>> -> memref<128x16xf32, #tpu.memory_space<vmem>>
        %dma_start3A_757 = arith.constant 0 : i32
        %dma_start3A_758 = tpu.memref_slice %arg6[%sub3A_532, %dma_start3A_757] : memref<78x128xi32, #tpu.memory_space<vmem>> -> memref<1x128xi32, #tpu.memory_space<vmem>>
        %dma_start3A_759 = tpu.memref_squeeze %dma_start3A_758 : memref<1x128xi32, #tpu.memory_space<vmem>> -> memref<128xi32, #tpu.memory_space<vmem>>
        %dma_start3A_760 = arith.constant 0 : i32
        %dma_start3A_761 = arith.constant 0 : i32
        %dma_start3A_762 = tpu.memref_slice %arg3[%dma_start3A_760, %dma_start3A_761] : memref<10000x16xf32, #tpu.memory_space<hbm>> -> memref<10000x16xf32, #tpu.memory_space<hbm>>
        tpu.enqueue_indirect_dma source(%dma_start3A_762 : memref<10000x16xf32, #tpu.memory_space<hbm>>) target(%dma_start3A_756 : memref<128x16xf32, #tpu.memory_space<vmem>>) offsets(%dma_start3A_759 : memref<128xi32, #tpu.memory_space<vmem>>) semaphore(%arg13 : memref<!tpu.dma_semaphore, #tpu.memory_space<semaphore_mem>>)
      } else {
      }
      %mul3A_538 = arith.constant 13 : i32
      %mul3A_539 = arith.muli %add3A_293, %mul3A_538 : i32
      %add3A_540 = arith.constant 7 : i32
      %add3A_541 = arith.addi %mul3A_539, %add3A_540 : i32
      %dma_wait3A_542 = arith.constant 7 : i32
      %dma_wait3A_543 = arith.constant 0 : i32
      %dma_wait3A_544 = arith.constant 0 : i32
      %dma_wait3A_545 = tpu.memref_slice %arg10[%dma_wait3A_542, %dma_wait3A_543, %dma_wait3A_544] : memref<13x128x16xf32, #tpu.memory_space<vmem>> -> memref<1x128x16xf32, #tpu.memory_space<vmem>>
      %dma_wait3A_546 = tpu.memref_squeeze %dma_wait3A_545 : memref<1x128x16xf32, #tpu.memory_space<vmem>> -> memref<128x16xf32, #tpu.memory_space<vmem>>
      %dma_wait3A_547 = arith.constant 0 : i32
      %dma_wait3A_548 = tpu.memref_slice %arg6[%add3A_541, %dma_wait3A_547] : memref<78x128xi32, #tpu.memory_space<vmem>> -> memref<1x128xi32, #tpu.memory_space<vmem>>
      %dma_wait3A_549 = tpu.memref_squeeze %dma_wait3A_548 : memref<1x128xi32, #tpu.memory_space<vmem>> -> memref<128xi32, #tpu.memory_space<vmem>>
      %dma_wait3A_550 = arith.constant 0 : i32
      %dma_wait3A_551 = arith.constant 0 : i32
      %dma_wait3A_552 = tpu.memref_slice %arg3[%dma_wait3A_550, %dma_wait3A_551] : memref<10000x16xf32, #tpu.memory_space<hbm>> -> memref<10000x16xf32, #tpu.memory_space<hbm>>
      tpu.wait_indirect_dma semaphore(%arg13 : memref<!tpu.dma_semaphore, #tpu.memory_space<semaphore_mem>>) src(%dma_wait3A_552 : memref<10000x16xf32, #tpu.memory_space<hbm>>) dst(%dma_wait3A_546 : memref<128x16xf32, #tpu.memory_space<vmem>>)
      %dma_start3A_553 = arith.constant 7 : i32
      %dma_start3A_554 = arith.constant 0 : i32
      %dma_start3A_555 = arith.constant 0 : i32
      %dma_start3A_556 = tpu.memref_slice %arg10[%dma_start3A_553, %dma_start3A_554, %dma_start3A_555] : memref<13x128x16xf32, #tpu.memory_space<vmem>> -> memref<1x128x16xf32, #tpu.memory_space<vmem>>
      %dma_start3A_557 = tpu.memref_squeeze %dma_start3A_556 : memref<1x128x16xf32, #tpu.memory_space<vmem>> -> memref<128x16xf32, #tpu.memory_space<vmem>>
      %dma_start3A_558 = arith.constant 0 : i32
      %dma_start3A_559 = tpu.memref_slice %arg7[%add3A_541, %dma_start3A_558] : memref<78x128xi32, #tpu.memory_space<vmem>> -> memref<1x128xi32, #tpu.memory_space<vmem>>
      %dma_start3A_560 = tpu.memref_squeeze %dma_start3A_559 : memref<1x128xi32, #tpu.memory_space<vmem>> -> memref<128xi32, #tpu.memory_space<vmem>>
      %dma_start3A_561 = arith.constant 0 : i32
      %dma_start3A_562 = arith.constant 0 : i32
      %dma_start3A_563 = tpu.memref_slice %arg12[%dma_start3A_561, %dma_start3A_562] : memref<10000x16xf32, #tpu.memory_space<vmem_shared>> -> memref<10000x16xf32, #tpu.memory_space<vmem_shared>>
      tpu.enqueue_indirect_dma source(%dma_start3A_557 : memref<128x16xf32, #tpu.memory_space<vmem>>) target(%dma_start3A_563 : memref<10000x16xf32, #tpu.memory_space<vmem_shared>>) offsets(%dma_start3A_560 : memref<128xi32, #tpu.memory_space<vmem>>) semaphore(%arg14 : memref<!tpu.dma_semaphore, #tpu.memory_space<semaphore_mem>>) {add = true}
      %add3A_564 = arith.constant 13 : i32
      %add3A_565 = arith.addi %add3A_541, %add3A_564 : i32
      %sub3A_566 = arith.constant 3 : i32
      %sub3A_567 = arith.subi %add3A_565, %sub3A_566 : i32
      %lt3A_568 = arith.constant 78 : i32
      %lt3A_569 = arith.cmpi slt, %sub3A_567, %lt3A_568 : i32
      %convert_element_type3A_570 = arith.extui %lt3A_569 : i1 to i32
      %cond3A_571 = arith.constant 0 : i32
      %cond3A_572 = arith.cmpi ne, %convert_element_type3A_570, %cond3A_571 : i32
      scf.if %cond3A_572 {
        %ge3A = arith.constant 3 : i32
        %ge3A_748 = arith.cmpi sge, %add3A_541, %ge3A : i32
        %convert_element_type3A_749 = arith.extui %ge3A_748 : i1 to i32
        %cond3A_750 = arith.constant 0 : i32
        %cond3A_751 = arith.cmpi ne, %convert_element_type3A_749, %cond3A_750 : i32
        scf.if %cond3A_751 {
          %dma_wait3A_763 = arith.constant 4 : i32
          %dma_wait3A_764 = arith.constant 0 : i32
          %dma_wait3A_765 = arith.constant 0 : i32
          %dma_wait3A_766 = tpu.memref_slice %arg10[%dma_wait3A_763, %dma_wait3A_764, %dma_wait3A_765] : memref<13x128x16xf32, #tpu.memory_space<vmem>> -> memref<1x128x16xf32, #tpu.memory_space<vmem>>
          %dma_wait3A_767 = tpu.memref_squeeze %dma_wait3A_766 : memref<1x128x16xf32, #tpu.memory_space<vmem>> -> memref<128x16xf32, #tpu.memory_space<vmem>>
          %dma_wait3A_768 = arith.constant 0 : i32
          %dma_wait3A_769 = tpu.memref_slice %arg7[%add3A_541, %dma_wait3A_768] : memref<78x128xi32, #tpu.memory_space<vmem>> -> memref<1x128xi32, #tpu.memory_space<vmem>>
          %dma_wait3A_770 = tpu.memref_squeeze %dma_wait3A_769 : memref<1x128xi32, #tpu.memory_space<vmem>> -> memref<128xi32, #tpu.memory_space<vmem>>
          %dma_wait3A_771 = arith.constant 0 : i32
          %dma_wait3A_772 = arith.constant 0 : i32
          %dma_wait3A_773 = tpu.memref_slice %arg12[%dma_wait3A_771, %dma_wait3A_772] : memref<10000x16xf32, #tpu.memory_space<vmem_shared>> -> memref<10000x16xf32, #tpu.memory_space<vmem_shared>>
          tpu.wait_indirect_dma semaphore(%arg14 : memref<!tpu.dma_semaphore, #tpu.memory_space<semaphore_mem>>) src(%dma_wait3A_767 : memref<128x16xf32, #tpu.memory_space<vmem>>) dst(%dma_wait3A_773 : memref<10000x16xf32, #tpu.memory_space<vmem_shared>>)
        } else {
        }
        %dma_start3A_752 = arith.constant 4 : i32
        %dma_start3A_753 = arith.constant 0 : i32
        %dma_start3A_754 = arith.constant 0 : i32
        %dma_start3A_755 = tpu.memref_slice %arg10[%dma_start3A_752, %dma_start3A_753, %dma_start3A_754] : memref<13x128x16xf32, #tpu.memory_space<vmem>> -> memref<1x128x16xf32, #tpu.memory_space<vmem>>
        %dma_start3A_756 = tpu.memref_squeeze %dma_start3A_755 : memref<1x128x16xf32, #tpu.memory_space<vmem>> -> memref<128x16xf32, #tpu.memory_space<vmem>>
        %dma_start3A_757 = arith.constant 0 : i32
        %dma_start3A_758 = tpu.memref_slice %arg6[%sub3A_567, %dma_start3A_757] : memref<78x128xi32, #tpu.memory_space<vmem>> -> memref<1x128xi32, #tpu.memory_space<vmem>>
        %dma_start3A_759 = tpu.memref_squeeze %dma_start3A_758 : memref<1x128xi32, #tpu.memory_space<vmem>> -> memref<128xi32, #tpu.memory_space<vmem>>
        %dma_start3A_760 = arith.constant 0 : i32
        %dma_start3A_761 = arith.constant 0 : i32
        %dma_start3A_762 = tpu.memref_slice %arg3[%dma_start3A_760, %dma_start3A_761] : memref<10000x16xf32, #tpu.memory_space<hbm>> -> memref<10000x16xf32, #tpu.memory_space<hbm>>
        tpu.enqueue_indirect_dma source(%dma_start3A_762 : memref<10000x16xf32, #tpu.memory_space<hbm>>) target(%dma_start3A_756 : memref<128x16xf32, #tpu.memory_space<vmem>>) offsets(%dma_start3A_759 : memref<128xi32, #tpu.memory_space<vmem>>) semaphore(%arg13 : memref<!tpu.dma_semaphore, #tpu.memory_space<semaphore_mem>>)
      } else {
      }
      %mul3A_573 = arith.constant 13 : i32
      %mul3A_574 = arith.muli %add3A_293, %mul3A_573 : i32
      %add3A_575 = arith.constant 8 : i32
      %add3A_576 = arith.addi %mul3A_574, %add3A_575 : i32
      %dma_wait3A_577 = arith.constant 8 : i32
      %dma_wait3A_578 = arith.constant 0 : i32
      %dma_wait3A_579 = arith.constant 0 : i32
      %dma_wait3A_580 = tpu.memref_slice %arg10[%dma_wait3A_577, %dma_wait3A_578, %dma_wait3A_579] : memref<13x128x16xf32, #tpu.memory_space<vmem>> -> memref<1x128x16xf32, #tpu.memory_space<vmem>>
      %dma_wait3A_581 = tpu.memref_squeeze %dma_wait3A_580 : memref<1x128x16xf32, #tpu.memory_space<vmem>> -> memref<128x16xf32, #tpu.memory_space<vmem>>
      %dma_wait3A_582 = arith.constant 0 : i32
      %dma_wait3A_583 = tpu.memref_slice %arg6[%add3A_576, %dma_wait3A_582] : memref<78x128xi32, #tpu.memory_space<vmem>> -> memref<1x128xi32, #tpu.memory_space<vmem>>
      %dma_wait3A_584 = tpu.memref_squeeze %dma_wait3A_583 : memref<1x128xi32, #tpu.memory_space<vmem>> -> memref<128xi32, #tpu.memory_space<vmem>>
      %dma_wait3A_585 = arith.constant 0 : i32
      %dma_wait3A_586 = arith.constant 0 : i32
      %dma_wait3A_587 = tpu.memref_slice %arg3[%dma_wait3A_585, %dma_wait3A_586] : memref<10000x16xf32, #tpu.memory_space<hbm>> -> memref<10000x16xf32, #tpu.memory_space<hbm>>
      tpu.wait_indirect_dma semaphore(%arg13 : memref<!tpu.dma_semaphore, #tpu.memory_space<semaphore_mem>>) src(%dma_wait3A_587 : memref<10000x16xf32, #tpu.memory_space<hbm>>) dst(%dma_wait3A_581 : memref<128x16xf32, #tpu.memory_space<vmem>>)
      %dma_start3A_588 = arith.constant 8 : i32
      %dma_start3A_589 = arith.constant 0 : i32
      %dma_start3A_590 = arith.constant 0 : i32
      %dma_start3A_591 = tpu.memref_slice %arg10[%dma_start3A_588, %dma_start3A_589, %dma_start3A_590] : memref<13x128x16xf32, #tpu.memory_space<vmem>> -> memref<1x128x16xf32, #tpu.memory_space<vmem>>
      %dma_start3A_592 = tpu.memref_squeeze %dma_start3A_591 : memref<1x128x16xf32, #tpu.memory_space<vmem>> -> memref<128x16xf32, #tpu.memory_space<vmem>>
      %dma_start3A_593 = arith.constant 0 : i32
      %dma_start3A_594 = tpu.memref_slice %arg7[%add3A_576, %dma_start3A_593] : memref<78x128xi32, #tpu.memory_space<vmem>> -> memref<1x128xi32, #tpu.memory_space<vmem>>
      %dma_start3A_595 = tpu.memref_squeeze %dma_start3A_594 : memref<1x128xi32, #tpu.memory_space<vmem>> -> memref<128xi32, #tpu.memory_space<vmem>>
      %dma_start3A_596 = arith.constant 0 : i32
      %dma_start3A_597 = arith.constant 0 : i32
      %dma_start3A_598 = tpu.memref_slice %arg12[%dma_start3A_596, %dma_start3A_597] : memref<10000x16xf32, #tpu.memory_space<vmem_shared>> -> memref<10000x16xf32, #tpu.memory_space<vmem_shared>>
      tpu.enqueue_indirect_dma source(%dma_start3A_592 : memref<128x16xf32, #tpu.memory_space<vmem>>) target(%dma_start3A_598 : memref<10000x16xf32, #tpu.memory_space<vmem_shared>>) offsets(%dma_start3A_595 : memref<128xi32, #tpu.memory_space<vmem>>) semaphore(%arg14 : memref<!tpu.dma_semaphore, #tpu.memory_space<semaphore_mem>>) {add = true}
      %add3A_599 = arith.constant 13 : i32
      %add3A_600 = arith.addi %add3A_576, %add3A_599 : i32
      %sub3A_601 = arith.constant 3 : i32
      %sub3A_602 = arith.subi %add3A_600, %sub3A_601 : i32
      %lt3A_603 = arith.constant 78 : i32
      %lt3A_604 = arith.cmpi slt, %sub3A_602, %lt3A_603 : i32
      %convert_element_type3A_605 = arith.extui %lt3A_604 : i1 to i32
      %cond3A_606 = arith.constant 0 : i32
      %cond3A_607 = arith.cmpi ne, %convert_element_type3A_605, %cond3A_606 : i32
      scf.if %cond3A_607 {
        %ge3A = arith.constant 3 : i32
        %ge3A_748 = arith.cmpi sge, %add3A_576, %ge3A : i32
        %convert_element_type3A_749 = arith.extui %ge3A_748 : i1 to i32
        %cond3A_750 = arith.constant 0 : i32
        %cond3A_751 = arith.cmpi ne, %convert_element_type3A_749, %cond3A_750 : i32
        scf.if %cond3A_751 {
          %dma_wait3A_763 = arith.constant 5 : i32
          %dma_wait3A_764 = arith.constant 0 : i32
          %dma_wait3A_765 = arith.constant 0 : i32
          %dma_wait3A_766 = tpu.memref_slice %arg10[%dma_wait3A_763, %dma_wait3A_764, %dma_wait3A_765] : memref<13x128x16xf32, #tpu.memory_space<vmem>> -> memref<1x128x16xf32, #tpu.memory_space<vmem>>
          %dma_wait3A_767 = tpu.memref_squeeze %dma_wait3A_766 : memref<1x128x16xf32, #tpu.memory_space<vmem>> -> memref<128x16xf32, #tpu.memory_space<vmem>>
          %dma_wait3A_768 = arith.constant 0 : i32
          %dma_wait3A_769 = tpu.memref_slice %arg7[%add3A_576, %dma_wait3A_768] : memref<78x128xi32, #tpu.memory_space<vmem>> -> memref<1x128xi32, #tpu.memory_space<vmem>>
          %dma_wait3A_770 = tpu.memref_squeeze %dma_wait3A_769 : memref<1x128xi32, #tpu.memory_space<vmem>> -> memref<128xi32, #tpu.memory_space<vmem>>
          %dma_wait3A_771 = arith.constant 0 : i32
          %dma_wait3A_772 = arith.constant 0 : i32
          %dma_wait3A_773 = tpu.memref_slice %arg12[%dma_wait3A_771, %dma_wait3A_772] : memref<10000x16xf32, #tpu.memory_space<vmem_shared>> -> memref<10000x16xf32, #tpu.memory_space<vmem_shared>>
          tpu.wait_indirect_dma semaphore(%arg14 : memref<!tpu.dma_semaphore, #tpu.memory_space<semaphore_mem>>) src(%dma_wait3A_767 : memref<128x16xf32, #tpu.memory_space<vmem>>) dst(%dma_wait3A_773 : memref<10000x16xf32, #tpu.memory_space<vmem_shared>>)
        } else {
        }
        %dma_start3A_752 = arith.constant 5 : i32
        %dma_start3A_753 = arith.constant 0 : i32
        %dma_start3A_754 = arith.constant 0 : i32
        %dma_start3A_755 = tpu.memref_slice %arg10[%dma_start3A_752, %dma_start3A_753, %dma_start3A_754] : memref<13x128x16xf32, #tpu.memory_space<vmem>> -> memref<1x128x16xf32, #tpu.memory_space<vmem>>
        %dma_start3A_756 = tpu.memref_squeeze %dma_start3A_755 : memref<1x128x16xf32, #tpu.memory_space<vmem>> -> memref<128x16xf32, #tpu.memory_space<vmem>>
        %dma_start3A_757 = arith.constant 0 : i32
        %dma_start3A_758 = tpu.memref_slice %arg6[%sub3A_602, %dma_start3A_757] : memref<78x128xi32, #tpu.memory_space<vmem>> -> memref<1x128xi32, #tpu.memory_space<vmem>>
        %dma_start3A_759 = tpu.memref_squeeze %dma_start3A_758 : memref<1x128xi32, #tpu.memory_space<vmem>> -> memref<128xi32, #tpu.memory_space<vmem>>
        %dma_start3A_760 = arith.constant 0 : i32
        %dma_start3A_761 = arith.constant 0 : i32
        %dma_start3A_762 = tpu.memref_slice %arg3[%dma_start3A_760, %dma_start3A_761] : memref<10000x16xf32, #tpu.memory_space<hbm>> -> memref<10000x16xf32, #tpu.memory_space<hbm>>
        tpu.enqueue_indirect_dma source(%dma_start3A_762 : memref<10000x16xf32, #tpu.memory_space<hbm>>) target(%dma_start3A_756 : memref<128x16xf32, #tpu.memory_space<vmem>>) offsets(%dma_start3A_759 : memref<128xi32, #tpu.memory_space<vmem>>) semaphore(%arg13 : memref<!tpu.dma_semaphore, #tpu.memory_space<semaphore_mem>>)
      } else {
      }
      %mul3A_608 = arith.constant 13 : i32
      %mul3A_609 = arith.muli %add3A_293, %mul3A_608 : i32
      %add3A_610 = arith.constant 9 : i32
      %add3A_611 = arith.addi %mul3A_609, %add3A_610 : i32
      %dma_wait3A_612 = arith.constant 9 : i32
      %dma_wait3A_613 = arith.constant 0 : i32
      %dma_wait3A_614 = arith.constant 0 : i32
      %dma_wait3A_615 = tpu.memref_slice %arg10[%dma_wait3A_612, %dma_wait3A_613, %dma_wait3A_614] : memref<13x128x16xf32, #tpu.memory_space<vmem>> -> memref<1x128x16xf32, #tpu.memory_space<vmem>>
      %dma_wait3A_616 = tpu.memref_squeeze %dma_wait3A_615 : memref<1x128x16xf32, #tpu.memory_space<vmem>> -> memref<128x16xf32, #tpu.memory_space<vmem>>
      %dma_wait3A_617 = arith.constant 0 : i32
      %dma_wait3A_618 = tpu.memref_slice %arg6[%add3A_611, %dma_wait3A_617] : memref<78x128xi32, #tpu.memory_space<vmem>> -> memref<1x128xi32, #tpu.memory_space<vmem>>
      %dma_wait3A_619 = tpu.memref_squeeze %dma_wait3A_618 : memref<1x128xi32, #tpu.memory_space<vmem>> -> memref<128xi32, #tpu.memory_space<vmem>>
      %dma_wait3A_620 = arith.constant 0 : i32
      %dma_wait3A_621 = arith.constant 0 : i32
      %dma_wait3A_622 = tpu.memref_slice %arg3[%dma_wait3A_620, %dma_wait3A_621] : memref<10000x16xf32, #tpu.memory_space<hbm>> -> memref<10000x16xf32, #tpu.memory_space<hbm>>
      tpu.wait_indirect_dma semaphore(%arg13 : memref<!tpu.dma_semaphore, #tpu.memory_space<semaphore_mem>>) src(%dma_wait3A_622 : memref<10000x16xf32, #tpu.memory_space<hbm>>) dst(%dma_wait3A_616 : memref<128x16xf32, #tpu.memory_space<vmem>>)
      %dma_start3A_623 = arith.constant 9 : i32
      %dma_start3A_624 = arith.constant 0 : i32
      %dma_start3A_625 = arith.constant 0 : i32
      %dma_start3A_626 = tpu.memref_slice %arg10[%dma_start3A_623, %dma_start3A_624, %dma_start3A_625] : memref<13x128x16xf32, #tpu.memory_space<vmem>> -> memref<1x128x16xf32, #tpu.memory_space<vmem>>
      %dma_start3A_627 = tpu.memref_squeeze %dma_start3A_626 : memref<1x128x16xf32, #tpu.memory_space<vmem>> -> memref<128x16xf32, #tpu.memory_space<vmem>>
      %dma_start3A_628 = arith.constant 0 : i32
      %dma_start3A_629 = tpu.memref_slice %arg7[%add3A_611, %dma_start3A_628] : memref<78x128xi32, #tpu.memory_space<vmem>> -> memref<1x128xi32, #tpu.memory_space<vmem>>
      %dma_start3A_630 = tpu.memref_squeeze %dma_start3A_629 : memref<1x128xi32, #tpu.memory_space<vmem>> -> memref<128xi32, #tpu.memory_space<vmem>>
      %dma_start3A_631 = arith.constant 0 : i32
      %dma_start3A_632 = arith.constant 0 : i32
      %dma_start3A_633 = tpu.memref_slice %arg12[%dma_start3A_631, %dma_start3A_632] : memref<10000x16xf32, #tpu.memory_space<vmem_shared>> -> memref<10000x16xf32, #tpu.memory_space<vmem_shared>>
      tpu.enqueue_indirect_dma source(%dma_start3A_627 : memref<128x16xf32, #tpu.memory_space<vmem>>) target(%dma_start3A_633 : memref<10000x16xf32, #tpu.memory_space<vmem_shared>>) offsets(%dma_start3A_630 : memref<128xi32, #tpu.memory_space<vmem>>) semaphore(%arg14 : memref<!tpu.dma_semaphore, #tpu.memory_space<semaphore_mem>>) {add = true}
      %add3A_634 = arith.constant 13 : i32
      %add3A_635 = arith.addi %add3A_611, %add3A_634 : i32
      %sub3A_636 = arith.constant 3 : i32
      %sub3A_637 = arith.subi %add3A_635, %sub3A_636 : i32
      %lt3A_638 = arith.constant 78 : i32
      %lt3A_639 = arith.cmpi slt, %sub3A_637, %lt3A_638 : i32
      %convert_element_type3A_640 = arith.extui %lt3A_639 : i1 to i32
      %cond3A_641 = arith.constant 0 : i32
      %cond3A_642 = arith.cmpi ne, %convert_element_type3A_640, %cond3A_641 : i32
      scf.if %cond3A_642 {
        %ge3A = arith.constant 3 : i32
        %ge3A_748 = arith.cmpi sge, %add3A_611, %ge3A : i32
        %convert_element_type3A_749 = arith.extui %ge3A_748 : i1 to i32
        %cond3A_750 = arith.constant 0 : i32
        %cond3A_751 = arith.cmpi ne, %convert_element_type3A_749, %cond3A_750 : i32
        scf.if %cond3A_751 {
          %dma_wait3A_763 = arith.constant 6 : i32
          %dma_wait3A_764 = arith.constant 0 : i32
          %dma_wait3A_765 = arith.constant 0 : i32
          %dma_wait3A_766 = tpu.memref_slice %arg10[%dma_wait3A_763, %dma_wait3A_764, %dma_wait3A_765] : memref<13x128x16xf32, #tpu.memory_space<vmem>> -> memref<1x128x16xf32, #tpu.memory_space<vmem>>
          %dma_wait3A_767 = tpu.memref_squeeze %dma_wait3A_766 : memref<1x128x16xf32, #tpu.memory_space<vmem>> -> memref<128x16xf32, #tpu.memory_space<vmem>>
          %dma_wait3A_768 = arith.constant 0 : i32
          %dma_wait3A_769 = tpu.memref_slice %arg7[%add3A_611, %dma_wait3A_768] : memref<78x128xi32, #tpu.memory_space<vmem>> -> memref<1x128xi32, #tpu.memory_space<vmem>>
          %dma_wait3A_770 = tpu.memref_squeeze %dma_wait3A_769 : memref<1x128xi32, #tpu.memory_space<vmem>> -> memref<128xi32, #tpu.memory_space<vmem>>
          %dma_wait3A_771 = arith.constant 0 : i32
          %dma_wait3A_772 = arith.constant 0 : i32
          %dma_wait3A_773 = tpu.memref_slice %arg12[%dma_wait3A_771, %dma_wait3A_772] : memref<10000x16xf32, #tpu.memory_space<vmem_shared>> -> memref<10000x16xf32, #tpu.memory_space<vmem_shared>>
          tpu.wait_indirect_dma semaphore(%arg14 : memref<!tpu.dma_semaphore, #tpu.memory_space<semaphore_mem>>) src(%dma_wait3A_767 : memref<128x16xf32, #tpu.memory_space<vmem>>) dst(%dma_wait3A_773 : memref<10000x16xf32, #tpu.memory_space<vmem_shared>>)
        } else {
        }
        %dma_start3A_752 = arith.constant 6 : i32
        %dma_start3A_753 = arith.constant 0 : i32
        %dma_start3A_754 = arith.constant 0 : i32
        %dma_start3A_755 = tpu.memref_slice %arg10[%dma_start3A_752, %dma_start3A_753, %dma_start3A_754] : memref<13x128x16xf32, #tpu.memory_space<vmem>> -> memref<1x128x16xf32, #tpu.memory_space<vmem>>
        %dma_start3A_756 = tpu.memref_squeeze %dma_start3A_755 : memref<1x128x16xf32, #tpu.memory_space<vmem>> -> memref<128x16xf32, #tpu.memory_space<vmem>>
        %dma_start3A_757 = arith.constant 0 : i32
        %dma_start3A_758 = tpu.memref_slice %arg6[%sub3A_637, %dma_start3A_757] : memref<78x128xi32, #tpu.memory_space<vmem>> -> memref<1x128xi32, #tpu.memory_space<vmem>>
        %dma_start3A_759 = tpu.memref_squeeze %dma_start3A_758 : memref<1x128xi32, #tpu.memory_space<vmem>> -> memref<128xi32, #tpu.memory_space<vmem>>
        %dma_start3A_760 = arith.constant 0 : i32
        %dma_start3A_761 = arith.constant 0 : i32
        %dma_start3A_762 = tpu.memref_slice %arg3[%dma_start3A_760, %dma_start3A_761] : memref<10000x16xf32, #tpu.memory_space<hbm>> -> memref<10000x16xf32, #tpu.memory_space<hbm>>
        tpu.enqueue_indirect_dma source(%dma_start3A_762 : memref<10000x16xf32, #tpu.memory_space<hbm>>) target(%dma_start3A_756 : memref<128x16xf32, #tpu.memory_space<vmem>>) offsets(%dma_start3A_759 : memref<128xi32, #tpu.memory_space<vmem>>) semaphore(%arg13 : memref<!tpu.dma_semaphore, #tpu.memory_space<semaphore_mem>>)
      } else {
      }
      %mul3A_643 = arith.constant 13 : i32
      %mul3A_644 = arith.muli %add3A_293, %mul3A_643 : i32
      %add3A_645 = arith.constant 10 : i32
      %add3A_646 = arith.addi %mul3A_644, %add3A_645 : i32
      %dma_wait3A_647 = arith.constant 10 : i32
      %dma_wait3A_648 = arith.constant 0 : i32
      %dma_wait3A_649 = arith.constant 0 : i32
      %dma_wait3A_650 = tpu.memref_slice %arg10[%dma_wait3A_647, %dma_wait3A_648, %dma_wait3A_649] : memref<13x128x16xf32, #tpu.memory_space<vmem>> -> memref<1x128x16xf32, #tpu.memory_space<vmem>>
      %dma_wait3A_651 = tpu.memref_squeeze %dma_wait3A_650 : memref<1x128x16xf32, #tpu.memory_space<vmem>> -> memref<128x16xf32, #tpu.memory_space<vmem>>
      %dma_wait3A_652 = arith.constant 0 : i32
      %dma_wait3A_653 = tpu.memref_slice %arg6[%add3A_646, %dma_wait3A_652] : memref<78x128xi32, #tpu.memory_space<vmem>> -> memref<1x128xi32, #tpu.memory_space<vmem>>
      %dma_wait3A_654 = tpu.memref_squeeze %dma_wait3A_653 : memref<1x128xi32, #tpu.memory_space<vmem>> -> memref<128xi32, #tpu.memory_space<vmem>>
      %dma_wait3A_655 = arith.constant 0 : i32
      %dma_wait3A_656 = arith.constant 0 : i32
      %dma_wait3A_657 = tpu.memref_slice %arg3[%dma_wait3A_655, %dma_wait3A_656] : memref<10000x16xf32, #tpu.memory_space<hbm>> -> memref<10000x16xf32, #tpu.memory_space<hbm>>
      tpu.wait_indirect_dma semaphore(%arg13 : memref<!tpu.dma_semaphore, #tpu.memory_space<semaphore_mem>>) src(%dma_wait3A_657 : memref<10000x16xf32, #tpu.memory_space<hbm>>) dst(%dma_wait3A_651 : memref<128x16xf32, #tpu.memory_space<vmem>>)
      %dma_start3A_658 = arith.constant 10 : i32
      %dma_start3A_659 = arith.constant 0 : i32
      %dma_start3A_660 = arith.constant 0 : i32
      %dma_start3A_661 = tpu.memref_slice %arg10[%dma_start3A_658, %dma_start3A_659, %dma_start3A_660] : memref<13x128x16xf32, #tpu.memory_space<vmem>> -> memref<1x128x16xf32, #tpu.memory_space<vmem>>
      %dma_start3A_662 = tpu.memref_squeeze %dma_start3A_661 : memref<1x128x16xf32, #tpu.memory_space<vmem>> -> memref<128x16xf32, #tpu.memory_space<vmem>>
      %dma_start3A_663 = arith.constant 0 : i32
      %dma_start3A_664 = tpu.memref_slice %arg7[%add3A_646, %dma_start3A_663] : memref<78x128xi32, #tpu.memory_space<vmem>> -> memref<1x128xi32, #tpu.memory_space<vmem>>
      %dma_start3A_665 = tpu.memref_squeeze %dma_start3A_664 : memref<1x128xi32, #tpu.memory_space<vmem>> -> memref<128xi32, #tpu.memory_space<vmem>>
      %dma_start3A_666 = arith.constant 0 : i32
      %dma_start3A_667 = arith.constant 0 : i32
      %dma_start3A_668 = tpu.memref_slice %arg12[%dma_start3A_666, %dma_start3A_667] : memref<10000x16xf32, #tpu.memory_space<vmem_shared>> -> memref<10000x16xf32, #tpu.memory_space<vmem_shared>>
      tpu.enqueue_indirect_dma source(%dma_start3A_662 : memref<128x16xf32, #tpu.memory_space<vmem>>) target(%dma_start3A_668 : memref<10000x16xf32, #tpu.memory_space<vmem_shared>>) offsets(%dma_start3A_665 : memref<128xi32, #tpu.memory_space<vmem>>) semaphore(%arg14 : memref<!tpu.dma_semaphore, #tpu.memory_space<semaphore_mem>>) {add = true}
      %add3A_669 = arith.constant 13 : i32
      %add3A_670 = arith.addi %add3A_646, %add3A_669 : i32
      %sub3A_671 = arith.constant 3 : i32
      %sub3A_672 = arith.subi %add3A_670, %sub3A_671 : i32
      %lt3A_673 = arith.constant 78 : i32
      %lt3A_674 = arith.cmpi slt, %sub3A_672, %lt3A_673 : i32
      %convert_element_type3A_675 = arith.extui %lt3A_674 : i1 to i32
      %cond3A_676 = arith.constant 0 : i32
      %cond3A_677 = arith.cmpi ne, %convert_element_type3A_675, %cond3A_676 : i32
      scf.if %cond3A_677 {
        %ge3A = arith.constant 3 : i32
        %ge3A_748 = arith.cmpi sge, %add3A_646, %ge3A : i32
        %convert_element_type3A_749 = arith.extui %ge3A_748 : i1 to i32
        %cond3A_750 = arith.constant 0 : i32
        %cond3A_751 = arith.cmpi ne, %convert_element_type3A_749, %cond3A_750 : i32
        scf.if %cond3A_751 {
          %dma_wait3A_763 = arith.constant 7 : i32
          %dma_wait3A_764 = arith.constant 0 : i32
          %dma_wait3A_765 = arith.constant 0 : i32
          %dma_wait3A_766 = tpu.memref_slice %arg10[%dma_wait3A_763, %dma_wait3A_764, %dma_wait3A_765] : memref<13x128x16xf32, #tpu.memory_space<vmem>> -> memref<1x128x16xf32, #tpu.memory_space<vmem>>
          %dma_wait3A_767 = tpu.memref_squeeze %dma_wait3A_766 : memref<1x128x16xf32, #tpu.memory_space<vmem>> -> memref<128x16xf32, #tpu.memory_space<vmem>>
          %dma_wait3A_768 = arith.constant 0 : i32
          %dma_wait3A_769 = tpu.memref_slice %arg7[%add3A_646, %dma_wait3A_768] : memref<78x128xi32, #tpu.memory_space<vmem>> -> memref<1x128xi32, #tpu.memory_space<vmem>>
          %dma_wait3A_770 = tpu.memref_squeeze %dma_wait3A_769 : memref<1x128xi32, #tpu.memory_space<vmem>> -> memref<128xi32, #tpu.memory_space<vmem>>
          %dma_wait3A_771 = arith.constant 0 : i32
          %dma_wait3A_772 = arith.constant 0 : i32
          %dma_wait3A_773 = tpu.memref_slice %arg12[%dma_wait3A_771, %dma_wait3A_772] : memref<10000x16xf32, #tpu.memory_space<vmem_shared>> -> memref<10000x16xf32, #tpu.memory_space<vmem_shared>>
          tpu.wait_indirect_dma semaphore(%arg14 : memref<!tpu.dma_semaphore, #tpu.memory_space<semaphore_mem>>) src(%dma_wait3A_767 : memref<128x16xf32, #tpu.memory_space<vmem>>) dst(%dma_wait3A_773 : memref<10000x16xf32, #tpu.memory_space<vmem_shared>>)
        } else {
        }
        %dma_start3A_752 = arith.constant 7 : i32
        %dma_start3A_753 = arith.constant 0 : i32
        %dma_start3A_754 = arith.constant 0 : i32
        %dma_start3A_755 = tpu.memref_slice %arg10[%dma_start3A_752, %dma_start3A_753, %dma_start3A_754] : memref<13x128x16xf32, #tpu.memory_space<vmem>> -> memref<1x128x16xf32, #tpu.memory_space<vmem>>
        %dma_start3A_756 = tpu.memref_squeeze %dma_start3A_755 : memref<1x128x16xf32, #tpu.memory_space<vmem>> -> memref<128x16xf32, #tpu.memory_space<vmem>>
        %dma_start3A_757 = arith.constant 0 : i32
        %dma_start3A_758 = tpu.memref_slice %arg6[%sub3A_672, %dma_start3A_757] : memref<78x128xi32, #tpu.memory_space<vmem>> -> memref<1x128xi32, #tpu.memory_space<vmem>>
        %dma_start3A_759 = tpu.memref_squeeze %dma_start3A_758 : memref<1x128xi32, #tpu.memory_space<vmem>> -> memref<128xi32, #tpu.memory_space<vmem>>
        %dma_start3A_760 = arith.constant 0 : i32
        %dma_start3A_761 = arith.constant 0 : i32
        %dma_start3A_762 = tpu.memref_slice %arg3[%dma_start3A_760, %dma_start3A_761] : memref<10000x16xf32, #tpu.memory_space<hbm>> -> memref<10000x16xf32, #tpu.memory_space<hbm>>
        tpu.enqueue_indirect_dma source(%dma_start3A_762 : memref<10000x16xf32, #tpu.memory_space<hbm>>) target(%dma_start3A_756 : memref<128x16xf32, #tpu.memory_space<vmem>>) offsets(%dma_start3A_759 : memref<128xi32, #tpu.memory_space<vmem>>) semaphore(%arg13 : memref<!tpu.dma_semaphore, #tpu.memory_space<semaphore_mem>>)
      } else {
      }
      %mul3A_678 = arith.constant 13 : i32
      %mul3A_679 = arith.muli %add3A_293, %mul3A_678 : i32
      %add3A_680 = arith.constant 11 : i32
      %add3A_681 = arith.addi %mul3A_679, %add3A_680 : i32
      %dma_wait3A_682 = arith.constant 11 : i32
      %dma_wait3A_683 = arith.constant 0 : i32
      %dma_wait3A_684 = arith.constant 0 : i32
      %dma_wait3A_685 = tpu.memref_slice %arg10[%dma_wait3A_682, %dma_wait3A_683, %dma_wait3A_684] : memref<13x128x16xf32, #tpu.memory_space<vmem>> -> memref<1x128x16xf32, #tpu.memory_space<vmem>>
      %dma_wait3A_686 = tpu.memref_squeeze %dma_wait3A_685 : memref<1x128x16xf32, #tpu.memory_space<vmem>> -> memref<128x16xf32, #tpu.memory_space<vmem>>
      %dma_wait3A_687 = arith.constant 0 : i32
      %dma_wait3A_688 = tpu.memref_slice %arg6[%add3A_681, %dma_wait3A_687] : memref<78x128xi32, #tpu.memory_space<vmem>> -> memref<1x128xi32, #tpu.memory_space<vmem>>
      %dma_wait3A_689 = tpu.memref_squeeze %dma_wait3A_688 : memref<1x128xi32, #tpu.memory_space<vmem>> -> memref<128xi32, #tpu.memory_space<vmem>>
      %dma_wait3A_690 = arith.constant 0 : i32
      %dma_wait3A_691 = arith.constant 0 : i32
      %dma_wait3A_692 = tpu.memref_slice %arg3[%dma_wait3A_690, %dma_wait3A_691] : memref<10000x16xf32, #tpu.memory_space<hbm>> -> memref<10000x16xf32, #tpu.memory_space<hbm>>
      tpu.wait_indirect_dma semaphore(%arg13 : memref<!tpu.dma_semaphore, #tpu.memory_space<semaphore_mem>>) src(%dma_wait3A_692 : memref<10000x16xf32, #tpu.memory_space<hbm>>) dst(%dma_wait3A_686 : memref<128x16xf32, #tpu.memory_space<vmem>>)
      %dma_start3A_693 = arith.constant 11 : i32
      %dma_start3A_694 = arith.constant 0 : i32
      %dma_start3A_695 = arith.constant 0 : i32
      %dma_start3A_696 = tpu.memref_slice %arg10[%dma_start3A_693, %dma_start3A_694, %dma_start3A_695] : memref<13x128x16xf32, #tpu.memory_space<vmem>> -> memref<1x128x16xf32, #tpu.memory_space<vmem>>
      %dma_start3A_697 = tpu.memref_squeeze %dma_start3A_696 : memref<1x128x16xf32, #tpu.memory_space<vmem>> -> memref<128x16xf32, #tpu.memory_space<vmem>>
      %dma_start3A_698 = arith.constant 0 : i32
      %dma_start3A_699 = tpu.memref_slice %arg7[%add3A_681, %dma_start3A_698] : memref<78x128xi32, #tpu.memory_space<vmem>> -> memref<1x128xi32, #tpu.memory_space<vmem>>
      %dma_start3A_700 = tpu.memref_squeeze %dma_start3A_699 : memref<1x128xi32, #tpu.memory_space<vmem>> -> memref<128xi32, #tpu.memory_space<vmem>>
      %dma_start3A_701 = arith.constant 0 : i32
      %dma_start3A_702 = arith.constant 0 : i32
      %dma_start3A_703 = tpu.memref_slice %arg12[%dma_start3A_701, %dma_start3A_702] : memref<10000x16xf32, #tpu.memory_space<vmem_shared>> -> memref<10000x16xf32, #tpu.memory_space<vmem_shared>>
      tpu.enqueue_indirect_dma source(%dma_start3A_697 : memref<128x16xf32, #tpu.memory_space<vmem>>) target(%dma_start3A_703 : memref<10000x16xf32, #tpu.memory_space<vmem_shared>>) offsets(%dma_start3A_700 : memref<128xi32, #tpu.memory_space<vmem>>) semaphore(%arg14 : memref<!tpu.dma_semaphore, #tpu.memory_space<semaphore_mem>>) {add = true}
      %add3A_704 = arith.constant 13 : i32
      %add3A_705 = arith.addi %add3A_681, %add3A_704 : i32
      %sub3A_706 = arith.constant 3 : i32
      %sub3A_707 = arith.subi %add3A_705, %sub3A_706 : i32
      %lt3A_708 = arith.constant 78 : i32
      %lt3A_709 = arith.cmpi slt, %sub3A_707, %lt3A_708 : i32
      %convert_element_type3A_710 = arith.extui %lt3A_709 : i1 to i32
      %cond3A_711 = arith.constant 0 : i32
      %cond3A_712 = arith.cmpi ne, %convert_element_type3A_710, %cond3A_711 : i32
      scf.if %cond3A_712 {
        %ge3A = arith.constant 3 : i32
        %ge3A_748 = arith.cmpi sge, %add3A_681, %ge3A : i32
        %convert_element_type3A_749 = arith.extui %ge3A_748 : i1 to i32
        %cond3A_750 = arith.constant 0 : i32
        %cond3A_751 = arith.cmpi ne, %convert_element_type3A_749, %cond3A_750 : i32
        scf.if %cond3A_751 {
          %dma_wait3A_763 = arith.constant 8 : i32
          %dma_wait3A_764 = arith.constant 0 : i32
          %dma_wait3A_765 = arith.constant 0 : i32
          %dma_wait3A_766 = tpu.memref_slice %arg10[%dma_wait3A_763, %dma_wait3A_764, %dma_wait3A_765] : memref<13x128x16xf32, #tpu.memory_space<vmem>> -> memref<1x128x16xf32, #tpu.memory_space<vmem>>
          %dma_wait3A_767 = tpu.memref_squeeze %dma_wait3A_766 : memref<1x128x16xf32, #tpu.memory_space<vmem>> -> memref<128x16xf32, #tpu.memory_space<vmem>>
          %dma_wait3A_768 = arith.constant 0 : i32
          %dma_wait3A_769 = tpu.memref_slice %arg7[%add3A_681, %dma_wait3A_768] : memref<78x128xi32, #tpu.memory_space<vmem>> -> memref<1x128xi32, #tpu.memory_space<vmem>>
          %dma_wait3A_770 = tpu.memref_squeeze %dma_wait3A_769 : memref<1x128xi32, #tpu.memory_space<vmem>> -> memref<128xi32, #tpu.memory_space<vmem>>
          %dma_wait3A_771 = arith.constant 0 : i32
          %dma_wait3A_772 = arith.constant 0 : i32
          %dma_wait3A_773 = tpu.memref_slice %arg12[%dma_wait3A_771, %dma_wait3A_772] : memref<10000x16xf32, #tpu.memory_space<vmem_shared>> -> memref<10000x16xf32, #tpu.memory_space<vmem_shared>>
          tpu.wait_indirect_dma semaphore(%arg14 : memref<!tpu.dma_semaphore, #tpu.memory_space<semaphore_mem>>) src(%dma_wait3A_767 : memref<128x16xf32, #tpu.memory_space<vmem>>) dst(%dma_wait3A_773 : memref<10000x16xf32, #tpu.memory_space<vmem_shared>>)
        } else {
        }
        %dma_start3A_752 = arith.constant 8 : i32
        %dma_start3A_753 = arith.constant 0 : i32
        %dma_start3A_754 = arith.constant 0 : i32
        %dma_start3A_755 = tpu.memref_slice %arg10[%dma_start3A_752, %dma_start3A_753, %dma_start3A_754] : memref<13x128x16xf32, #tpu.memory_space<vmem>> -> memref<1x128x16xf32, #tpu.memory_space<vmem>>
        %dma_start3A_756 = tpu.memref_squeeze %dma_start3A_755 : memref<1x128x16xf32, #tpu.memory_space<vmem>> -> memref<128x16xf32, #tpu.memory_space<vmem>>
        %dma_start3A_757 = arith.constant 0 : i32
        %dma_start3A_758 = tpu.memref_slice %arg6[%sub3A_707, %dma_start3A_757] : memref<78x128xi32, #tpu.memory_space<vmem>> -> memref<1x128xi32, #tpu.memory_space<vmem>>
        %dma_start3A_759 = tpu.memref_squeeze %dma_start3A_758 : memref<1x128xi32, #tpu.memory_space<vmem>> -> memref<128xi32, #tpu.memory_space<vmem>>
        %dma_start3A_760 = arith.constant 0 : i32
        %dma_start3A_761 = arith.constant 0 : i32
        %dma_start3A_762 = tpu.memref_slice %arg3[%dma_start3A_760, %dma_start3A_761] : memref<10000x16xf32, #tpu.memory_space<hbm>> -> memref<10000x16xf32, #tpu.memory_space<hbm>>
        tpu.enqueue_indirect_dma source(%dma_start3A_762 : memref<10000x16xf32, #tpu.memory_space<hbm>>) target(%dma_start3A_756 : memref<128x16xf32, #tpu.memory_space<vmem>>) offsets(%dma_start3A_759 : memref<128xi32, #tpu.memory_space<vmem>>) semaphore(%arg13 : memref<!tpu.dma_semaphore, #tpu.memory_space<semaphore_mem>>)
      } else {
      }
      %mul3A_713 = arith.constant 13 : i32
      %mul3A_714 = arith.muli %add3A_293, %mul3A_713 : i32
      %add3A_715 = arith.constant 12 : i32
      %add3A_716 = arith.addi %mul3A_714, %add3A_715 : i32
      %dma_wait3A_717 = arith.constant 12 : i32
      %dma_wait3A_718 = arith.constant 0 : i32
      %dma_wait3A_719 = arith.constant 0 : i32
      %dma_wait3A_720 = tpu.memref_slice %arg10[%dma_wait3A_717, %dma_wait3A_718, %dma_wait3A_719] : memref<13x128x16xf32, #tpu.memory_space<vmem>> -> memref<1x128x16xf32, #tpu.memory_space<vmem>>
      %dma_wait3A_721 = tpu.memref_squeeze %dma_wait3A_720 : memref<1x128x16xf32, #tpu.memory_space<vmem>> -> memref<128x16xf32, #tpu.memory_space<vmem>>
      %dma_wait3A_722 = arith.constant 0 : i32
      %dma_wait3A_723 = tpu.memref_slice %arg6[%add3A_716, %dma_wait3A_722] : memref<78x128xi32, #tpu.memory_space<vmem>> -> memref<1x128xi32, #tpu.memory_space<vmem>>
      %dma_wait3A_724 = tpu.memref_squeeze %dma_wait3A_723 : memref<1x128xi32, #tpu.memory_space<vmem>> -> memref<128xi32, #tpu.memory_space<vmem>>
      %dma_wait3A_725 = arith.constant 0 : i32
      %dma_wait3A_726 = arith.constant 0 : i32
      %dma_wait3A_727 = tpu.memref_slice %arg3[%dma_wait3A_725, %dma_wait3A_726] : memref<10000x16xf32, #tpu.memory_space<hbm>> -> memref<10000x16xf32, #tpu.memory_space<hbm>>
      tpu.wait_indirect_dma semaphore(%arg13 : memref<!tpu.dma_semaphore, #tpu.memory_space<semaphore_mem>>) src(%dma_wait3A_727 : memref<10000x16xf32, #tpu.memory_space<hbm>>) dst(%dma_wait3A_721 : memref<128x16xf32, #tpu.memory_space<vmem>>)
      %dma_start3A_728 = arith.constant 12 : i32
      %dma_start3A_729 = arith.constant 0 : i32
      %dma_start3A_730 = arith.constant 0 : i32
      %dma_start3A_731 = tpu.memref_slice %arg10[%dma_start3A_728, %dma_start3A_729, %dma_start3A_730] : memref<13x128x16xf32, #tpu.memory_space<vmem>> -> memref<1x128x16xf32, #tpu.memory_space<vmem>>
      %dma_start3A_732 = tpu.memref_squeeze %dma_start3A_731 : memref<1x128x16xf32, #tpu.memory_space<vmem>> -> memref<128x16xf32, #tpu.memory_space<vmem>>
      %dma_start3A_733 = arith.constant 0 : i32
      %dma_start3A_734 = tpu.memref_slice %arg7[%add3A_716, %dma_start3A_733] : memref<78x128xi32, #tpu.memory_space<vmem>> -> memref<1x128xi32, #tpu.memory_space<vmem>>
      %dma_start3A_735 = tpu.memref_squeeze %dma_start3A_734 : memref<1x128xi32, #tpu.memory_space<vmem>> -> memref<128xi32, #tpu.memory_space<vmem>>
      %dma_start3A_736 = arith.constant 0 : i32
      %dma_start3A_737 = arith.constant 0 : i32
      %dma_start3A_738 = tpu.memref_slice %arg12[%dma_start3A_736, %dma_start3A_737] : memref<10000x16xf32, #tpu.memory_space<vmem_shared>> -> memref<10000x16xf32, #tpu.memory_space<vmem_shared>>
      tpu.enqueue_indirect_dma source(%dma_start3A_732 : memref<128x16xf32, #tpu.memory_space<vmem>>) target(%dma_start3A_738 : memref<10000x16xf32, #tpu.memory_space<vmem_shared>>) offsets(%dma_start3A_735 : memref<128xi32, #tpu.memory_space<vmem>>) semaphore(%arg14 : memref<!tpu.dma_semaphore, #tpu.memory_space<semaphore_mem>>) {add = true}
      %add3A_739 = arith.constant 13 : i32
      %add3A_740 = arith.addi %add3A_716, %add3A_739 : i32
      %sub3A_741 = arith.constant 3 : i32
      %sub3A_742 = arith.subi %add3A_740, %sub3A_741 : i32
      %lt3A_743 = arith.constant 78 : i32
      %lt3A_744 = arith.cmpi slt, %sub3A_742, %lt3A_743 : i32
      %convert_element_type3A_745 = arith.extui %lt3A_744 : i1 to i32
      %cond3A_746 = arith.constant 0 : i32
      %cond3A_747 = arith.cmpi ne, %convert_element_type3A_745, %cond3A_746 : i32
      scf.if %cond3A_747 {
        %ge3A = arith.constant 3 : i32
        %ge3A_748 = arith.cmpi sge, %add3A_716, %ge3A : i32
        %convert_element_type3A_749 = arith.extui %ge3A_748 : i1 to i32
        %cond3A_750 = arith.constant 0 : i32
        %cond3A_751 = arith.cmpi ne, %convert_element_type3A_749, %cond3A_750 : i32
        scf.if %cond3A_751 {
          %dma_wait3A_763 = arith.constant 9 : i32
          %dma_wait3A_764 = arith.constant 0 : i32
          %dma_wait3A_765 = arith.constant 0 : i32
          %dma_wait3A_766 = tpu.memref_slice %arg10[%dma_wait3A_763, %dma_wait3A_764, %dma_wait3A_765] : memref<13x128x16xf32, #tpu.memory_space<vmem>> -> memref<1x128x16xf32, #tpu.memory_space<vmem>>
          %dma_wait3A_767 = tpu.memref_squeeze %dma_wait3A_766 : memref<1x128x16xf32, #tpu.memory_space<vmem>> -> memref<128x16xf32, #tpu.memory_space<vmem>>
          %dma_wait3A_768 = arith.constant 0 : i32
          %dma_wait3A_769 = tpu.memref_slice %arg7[%add3A_716, %dma_wait3A_768] : memref<78x128xi32, #tpu.memory_space<vmem>> -> memref<1x128xi32, #tpu.memory_space<vmem>>
          %dma_wait3A_770 = tpu.memref_squeeze %dma_wait3A_769 : memref<1x128xi32, #tpu.memory_space<vmem>> -> memref<128xi32, #tpu.memory_space<vmem>>
          %dma_wait3A_771 = arith.constant 0 : i32
          %dma_wait3A_772 = arith.constant 0 : i32
          %dma_wait3A_773 = tpu.memref_slice %arg12[%dma_wait3A_771, %dma_wait3A_772] : memref<10000x16xf32, #tpu.memory_space<vmem_shared>> -> memref<10000x16xf32, #tpu.memory_space<vmem_shared>>
          tpu.wait_indirect_dma semaphore(%arg14 : memref<!tpu.dma_semaphore, #tpu.memory_space<semaphore_mem>>) src(%dma_wait3A_767 : memref<128x16xf32, #tpu.memory_space<vmem>>) dst(%dma_wait3A_773 : memref<10000x16xf32, #tpu.memory_space<vmem_shared>>)
        } else {
        }
        %dma_start3A_752 = arith.constant 9 : i32
        %dma_start3A_753 = arith.constant 0 : i32
        %dma_start3A_754 = arith.constant 0 : i32
        %dma_start3A_755 = tpu.memref_slice %arg10[%dma_start3A_752, %dma_start3A_753, %dma_start3A_754] : memref<13x128x16xf32, #tpu.memory_space<vmem>> -> memref<1x128x16xf32, #tpu.memory_space<vmem>>
        %dma_start3A_756 = tpu.memref_squeeze %dma_start3A_755 : memref<1x128x16xf32, #tpu.memory_space<vmem>> -> memref<128x16xf32, #tpu.memory_space<vmem>>
        %dma_start3A_757 = arith.constant 0 : i32
        %dma_start3A_758 = tpu.memref_slice %arg6[%sub3A_742, %dma_start3A_757] : memref<78x128xi32, #tpu.memory_space<vmem>> -> memref<1x128xi32, #tpu.memory_space<vmem>>
        %dma_start3A_759 = tpu.memref_squeeze %dma_start3A_758 : memref<1x128xi32, #tpu.memory_space<vmem>> -> memref<128xi32, #tpu.memory_space<vmem>>
        %dma_start3A_760 = arith.constant 0 : i32
        %dma_start3A_761 = arith.constant 0 : i32
        %dma_start3A_762 = tpu.memref_slice %arg3[%dma_start3A_760, %dma_start3A_761] : memref<10000x16xf32, #tpu.memory_space<hbm>> -> memref<10000x16xf32, #tpu.memory_space<hbm>>
        tpu.enqueue_indirect_dma source(%dma_start3A_762 : memref<10000x16xf32, #tpu.memory_space<hbm>>) target(%dma_start3A_756 : memref<128x16xf32, #tpu.memory_space<vmem>>) offsets(%dma_start3A_759 : memref<128xi32, #tpu.memory_space<vmem>>) semaphore(%arg13 : memref<!tpu.dma_semaphore, #tpu.memory_space<semaphore_mem>>)
      } else {
      }
    }
    %scan3A_130 = arith.constant 6 : i32
    %dma_wait3A = arith.constant 0 : i32
    %dma_wait3A_131 = arith.constant 0 : i32
    %dma_wait3A_132 = arith.constant 0 : i32
    %dma_wait3A_133 = arith.constant 0 : i32
    %dma_wait3A_134 = tpu.memref_slice %arg10[%dma_wait3A, %dma_wait3A_132, %dma_wait3A_133] : memref<13x128x16xf32, #tpu.memory_space<vmem>> -> memref<1x128x16xf32, #tpu.memory_space<vmem>>
    %dma_wait3A_135 = tpu.memref_squeeze %dma_wait3A_134 : memref<1x128x16xf32, #tpu.memory_space<vmem>> -> memref<128x16xf32, #tpu.memory_space<vmem>>
    %dma_wait3A_136 = arith.constant 0 : i32
    %dma_wait3A_137 = tpu.memref_slice %arg7[%dma_wait3A_131, %dma_wait3A_136] : memref<78x128xi32, #tpu.memory_space<vmem>> -> memref<1x128xi32, #tpu.memory_space<vmem>>
    %dma_wait3A_138 = tpu.memref_squeeze %dma_wait3A_137 : memref<1x128xi32, #tpu.memory_space<vmem>> -> memref<128xi32, #tpu.memory_space<vmem>>
    %dma_wait3A_139 = arith.constant 0 : i32
    %dma_wait3A_140 = arith.constant 0 : i32
    %dma_wait3A_141 = tpu.memref_slice %arg12[%dma_wait3A_139, %dma_wait3A_140] : memref<10000x16xf32, #tpu.memory_space<vmem_shared>> -> memref<10000x16xf32, #tpu.memory_space<vmem_shared>>
    tpu.wait_indirect_dma semaphore(%arg14 : memref<!tpu.dma_semaphore, #tpu.memory_space<semaphore_mem>>) src(%dma_wait3A_135 : memref<128x16xf32, #tpu.memory_space<vmem>>) dst(%dma_wait3A_141 : memref<10000x16xf32, #tpu.memory_space<vmem_shared>>)
    %dma_wait3A_142 = arith.constant 1 : i32
    %dma_wait3A_143 = arith.constant 1 : i32
    %dma_wait3A_144 = arith.constant 0 : i32
    %dma_wait3A_145 = arith.constant 0 : i32
    %dma_wait3A_146 = tpu.memref_slice %arg10[%dma_wait3A_142, %dma_wait3A_144, %dma_wait3A_145] : memref<13x128x16xf32, #tpu.memory_space<vmem>> -> memref<1x128x16xf32, #tpu.memory_space<vmem>>
    %dma_wait3A_147 = tpu.memref_squeeze %dma_wait3A_146 : memref<1x128x16xf32, #tpu.memory_space<vmem>> -> memref<128x16xf32, #tpu.memory_space<vmem>>
    %dma_wait3A_148 = arith.constant 0 : i32
    %dma_wait3A_149 = tpu.memref_slice %arg7[%dma_wait3A_143, %dma_wait3A_148] : memref<78x128xi32, #tpu.memory_space<vmem>> -> memref<1x128xi32, #tpu.memory_space<vmem>>
    %dma_wait3A_150 = tpu.memref_squeeze %dma_wait3A_149 : memref<1x128xi32, #tpu.memory_space<vmem>> -> memref<128xi32, #tpu.memory_space<vmem>>
    %dma_wait3A_151 = arith.constant 0 : i32
    %dma_wait3A_152 = arith.constant 0 : i32
    %dma_wait3A_153 = tpu.memref_slice %arg12[%dma_wait3A_151, %dma_wait3A_152] : memref<10000x16xf32, #tpu.memory_space<vmem_shared>> -> memref<10000x16xf32, #tpu.memory_space<vmem_shared>>
    tpu.wait_indirect_dma semaphore(%arg14 : memref<!tpu.dma_semaphore, #tpu.memory_space<semaphore_mem>>) src(%dma_wait3A_147 : memref<128x16xf32, #tpu.memory_space<vmem>>) dst(%dma_wait3A_153 : memref<10000x16xf32, #tpu.memory_space<vmem_shared>>)
    %dma_wait3A_154 = arith.constant 2 : i32
    %dma_wait3A_155 = arith.constant 2 : i32
    %dma_wait3A_156 = arith.constant 0 : i32
    %dma_wait3A_157 = arith.constant 0 : i32
    %dma_wait3A_158 = tpu.memref_slice %arg10[%dma_wait3A_154, %dma_wait3A_156, %dma_wait3A_157] : memref<13x128x16xf32, #tpu.memory_space<vmem>> -> memref<1x128x16xf32, #tpu.memory_space<vmem>>
    %dma_wait3A_159 = tpu.memref_squeeze %dma_wait3A_158 : memref<1x128x16xf32, #tpu.memory_space<vmem>> -> memref<128x16xf32, #tpu.memory_space<vmem>>
    %dma_wait3A_160 = arith.constant 0 : i32
    %dma_wait3A_161 = tpu.memref_slice %arg7[%dma_wait3A_155, %dma_wait3A_160] : memref<78x128xi32, #tpu.memory_space<vmem>> -> memref<1x128xi32, #tpu.memory_space<vmem>>
    %dma_wait3A_162 = tpu.memref_squeeze %dma_wait3A_161 : memref<1x128xi32, #tpu.memory_space<vmem>> -> memref<128xi32, #tpu.memory_space<vmem>>
    %dma_wait3A_163 = arith.constant 0 : i32
    %dma_wait3A_164 = arith.constant 0 : i32
    %dma_wait3A_165 = tpu.memref_slice %arg12[%dma_wait3A_163, %dma_wait3A_164] : memref<10000x16xf32, #tpu.memory_space<vmem_shared>> -> memref<10000x16xf32, #tpu.memory_space<vmem_shared>>
    tpu.wait_indirect_dma semaphore(%arg14 : memref<!tpu.dma_semaphore, #tpu.memory_space<semaphore_mem>>) src(%dma_wait3A_159 : memref<128x16xf32, #tpu.memory_space<vmem>>) dst(%dma_wait3A_165 : memref<10000x16xf32, #tpu.memory_space<vmem_shared>>)
    %dma_wait3A_166 = arith.constant 3 : i32
    %dma_wait3A_167 = arith.constant 3 : i32
    %dma_wait3A_168 = arith.constant 0 : i32
    %dma_wait3A_169 = arith.constant 0 : i32
    %dma_wait3A_170 = tpu.memref_slice %arg10[%dma_wait3A_166, %dma_wait3A_168, %dma_wait3A_169] : memref<13x128x16xf32, #tpu.memory_space<vmem>> -> memref<1x128x16xf32, #tpu.memory_space<vmem>>
    %dma_wait3A_171 = tpu.memref_squeeze %dma_wait3A_170 : memref<1x128x16xf32, #tpu.memory_space<vmem>> -> memref<128x16xf32, #tpu.memory_space<vmem>>
    %dma_wait3A_172 = arith.constant 0 : i32
    %dma_wait3A_173 = tpu.memref_slice %arg7[%dma_wait3A_167, %dma_wait3A_172] : memref<78x128xi32, #tpu.memory_space<vmem>> -> memref<1x128xi32, #tpu.memory_space<vmem>>
    %dma_wait3A_174 = tpu.memref_squeeze %dma_wait3A_173 : memref<1x128xi32, #tpu.memory_space<vmem>> -> memref<128xi32, #tpu.memory_space<vmem>>
    %dma_wait3A_175 = arith.constant 0 : i32
    %dma_wait3A_176 = arith.constant 0 : i32
    %dma_wait3A_177 = tpu.memref_slice %arg12[%dma_wait3A_175, %dma_wait3A_176] : memref<10000x16xf32, #tpu.memory_space<vmem_shared>> -> memref<10000x16xf32, #tpu.memory_space<vmem_shared>>
    tpu.wait_indirect_dma semaphore(%arg14 : memref<!tpu.dma_semaphore, #tpu.memory_space<semaphore_mem>>) src(%dma_wait3A_171 : memref<128x16xf32, #tpu.memory_space<vmem>>) dst(%dma_wait3A_177 : memref<10000x16xf32, #tpu.memory_space<vmem_shared>>)
    %dma_wait3A_178 = arith.constant 4 : i32
    %dma_wait3A_179 = arith.constant 4 : i32
    %dma_wait3A_180 = arith.constant 0 : i32
    %dma_wait3A_181 = arith.constant 0 : i32
    %dma_wait3A_182 = tpu.memref_slice %arg10[%dma_wait3A_178, %dma_wait3A_180, %dma_wait3A_181] : memref<13x128x16xf32, #tpu.memory_space<vmem>> -> memref<1x128x16xf32, #tpu.memory_space<vmem>>
    %dma_wait3A_183 = tpu.memref_squeeze %dma_wait3A_182 : memref<1x128x16xf32, #tpu.memory_space<vmem>> -> memref<128x16xf32, #tpu.memory_space<vmem>>
    %dma_wait3A_184 = arith.constant 0 : i32
    %dma_wait3A_185 = tpu.memref_slice %arg7[%dma_wait3A_179, %dma_wait3A_184] : memref<78x128xi32, #tpu.memory_space<vmem>> -> memref<1x128xi32, #tpu.memory_space<vmem>>
    %dma_wait3A_186 = tpu.memref_squeeze %dma_wait3A_185 : memref<1x128xi32, #tpu.memory_space<vmem>> -> memref<128xi32, #tpu.memory_space<vmem>>
    %dma_wait3A_187 = arith.constant 0 : i32
    %dma_wait3A_188 = arith.constant 0 : i32
    %dma_wait3A_189 = tpu.memref_slice %arg12[%dma_wait3A_187, %dma_wait3A_188] : memref<10000x16xf32, #tpu.memory_space<vmem_shared>> -> memref<10000x16xf32, #tpu.memory_space<vmem_shared>>
    tpu.wait_indirect_dma semaphore(%arg14 : memref<!tpu.dma_semaphore, #tpu.memory_space<semaphore_mem>>) src(%dma_wait3A_183 : memref<128x16xf32, #tpu.memory_space<vmem>>) dst(%dma_wait3A_189 : memref<10000x16xf32, #tpu.memory_space<vmem_shared>>)
    %dma_wait3A_190 = arith.constant 5 : i32
    %dma_wait3A_191 = arith.constant 5 : i32
    %dma_wait3A_192 = arith.constant 0 : i32
    %dma_wait3A_193 = arith.constant 0 : i32
    %dma_wait3A_194 = tpu.memref_slice %arg10[%dma_wait3A_190, %dma_wait3A_192, %dma_wait3A_193] : memref<13x128x16xf32, #tpu.memory_space<vmem>> -> memref<1x128x16xf32, #tpu.memory_space<vmem>>
    %dma_wait3A_195 = tpu.memref_squeeze %dma_wait3A_194 : memref<1x128x16xf32, #tpu.memory_space<vmem>> -> memref<128x16xf32, #tpu.memory_space<vmem>>
    %dma_wait3A_196 = arith.constant 0 : i32
    %dma_wait3A_197 = tpu.memref_slice %arg7[%dma_wait3A_191, %dma_wait3A_196] : memref<78x128xi32, #tpu.memory_space<vmem>> -> memref<1x128xi32, #tpu.memory_space<vmem>>
    %dma_wait3A_198 = tpu.memref_squeeze %dma_wait3A_197 : memref<1x128xi32, #tpu.memory_space<vmem>> -> memref<128xi32, #tpu.memory_space<vmem>>
    %dma_wait3A_199 = arith.constant 0 : i32
    %dma_wait3A_200 = arith.constant 0 : i32
    %dma_wait3A_201 = tpu.memref_slice %arg12[%dma_wait3A_199, %dma_wait3A_200] : memref<10000x16xf32, #tpu.memory_space<vmem_shared>> -> memref<10000x16xf32, #tpu.memory_space<vmem_shared>>
    tpu.wait_indirect_dma semaphore(%arg14 : memref<!tpu.dma_semaphore, #tpu.memory_space<semaphore_mem>>) src(%dma_wait3A_195 : memref<128x16xf32, #tpu.memory_space<vmem>>) dst(%dma_wait3A_201 : memref<10000x16xf32, #tpu.memory_space<vmem_shared>>)
    %dma_wait3A_202 = arith.constant 6 : i32
    %dma_wait3A_203 = arith.constant 6 : i32
    %dma_wait3A_204 = arith.constant 0 : i32
    %dma_wait3A_205 = arith.constant 0 : i32
    %dma_wait3A_206 = tpu.memref_slice %arg10[%dma_wait3A_202, %dma_wait3A_204, %dma_wait3A_205] : memref<13x128x16xf32, #tpu.memory_space<vmem>> -> memref<1x128x16xf32, #tpu.memory_space<vmem>>
    %dma_wait3A_207 = tpu.memref_squeeze %dma_wait3A_206 : memref<1x128x16xf32, #tpu.memory_space<vmem>> -> memref<128x16xf32, #tpu.memory_space<vmem>>
    %dma_wait3A_208 = arith.constant 0 : i32
    %dma_wait3A_209 = tpu.memref_slice %arg7[%dma_wait3A_203, %dma_wait3A_208] : memref<78x128xi32, #tpu.memory_space<vmem>> -> memref<1x128xi32, #tpu.memory_space<vmem>>
    %dma_wait3A_210 = tpu.memref_squeeze %dma_wait3A_209 : memref<1x128xi32, #tpu.memory_space<vmem>> -> memref<128xi32, #tpu.memory_space<vmem>>
    %dma_wait3A_211 = arith.constant 0 : i32
    %dma_wait3A_212 = arith.constant 0 : i32
    %dma_wait3A_213 = tpu.memref_slice %arg12[%dma_wait3A_211, %dma_wait3A_212] : memref<10000x16xf32, #tpu.memory_space<vmem_shared>> -> memref<10000x16xf32, #tpu.memory_space<vmem_shared>>
    tpu.wait_indirect_dma semaphore(%arg14 : memref<!tpu.dma_semaphore, #tpu.memory_space<semaphore_mem>>) src(%dma_wait3A_207 : memref<128x16xf32, #tpu.memory_space<vmem>>) dst(%dma_wait3A_213 : memref<10000x16xf32, #tpu.memory_space<vmem_shared>>)
    %dma_wait3A_214 = arith.constant 7 : i32
    %dma_wait3A_215 = arith.constant 7 : i32
    %dma_wait3A_216 = arith.constant 0 : i32
    %dma_wait3A_217 = arith.constant 0 : i32
    %dma_wait3A_218 = tpu.memref_slice %arg10[%dma_wait3A_214, %dma_wait3A_216, %dma_wait3A_217] : memref<13x128x16xf32, #tpu.memory_space<vmem>> -> memref<1x128x16xf32, #tpu.memory_space<vmem>>
    %dma_wait3A_219 = tpu.memref_squeeze %dma_wait3A_218 : memref<1x128x16xf32, #tpu.memory_space<vmem>> -> memref<128x16xf32, #tpu.memory_space<vmem>>
    %dma_wait3A_220 = arith.constant 0 : i32
    %dma_wait3A_221 = tpu.memref_slice %arg7[%dma_wait3A_215, %dma_wait3A_220] : memref<78x128xi32, #tpu.memory_space<vmem>> -> memref<1x128xi32, #tpu.memory_space<vmem>>
    %dma_wait3A_222 = tpu.memref_squeeze %dma_wait3A_221 : memref<1x128xi32, #tpu.memory_space<vmem>> -> memref<128xi32, #tpu.memory_space<vmem>>
    %dma_wait3A_223 = arith.constant 0 : i32
    %dma_wait3A_224 = arith.constant 0 : i32
    %dma_wait3A_225 = tpu.memref_slice %arg12[%dma_wait3A_223, %dma_wait3A_224] : memref<10000x16xf32, #tpu.memory_space<vmem_shared>> -> memref<10000x16xf32, #tpu.memory_space<vmem_shared>>
    tpu.wait_indirect_dma semaphore(%arg14 : memref<!tpu.dma_semaphore, #tpu.memory_space<semaphore_mem>>) src(%dma_wait3A_219 : memref<128x16xf32, #tpu.memory_space<vmem>>) dst(%dma_wait3A_225 : memref<10000x16xf32, #tpu.memory_space<vmem_shared>>)
    %dma_wait3A_226 = arith.constant 8 : i32
    %dma_wait3A_227 = arith.constant 8 : i32
    %dma_wait3A_228 = arith.constant 0 : i32
    %dma_wait3A_229 = arith.constant 0 : i32
    %dma_wait3A_230 = tpu.memref_slice %arg10[%dma_wait3A_226, %dma_wait3A_228, %dma_wait3A_229] : memref<13x128x16xf32, #tpu.memory_space<vmem>> -> memref<1x128x16xf32, #tpu.memory_space<vmem>>
    %dma_wait3A_231 = tpu.memref_squeeze %dma_wait3A_230 : memref<1x128x16xf32, #tpu.memory_space<vmem>> -> memref<128x16xf32, #tpu.memory_space<vmem>>
    %dma_wait3A_232 = arith.constant 0 : i32
    %dma_wait3A_233 = tpu.memref_slice %arg7[%dma_wait3A_227, %dma_wait3A_232] : memref<78x128xi32, #tpu.memory_space<vmem>> -> memref<1x128xi32, #tpu.memory_space<vmem>>
    %dma_wait3A_234 = tpu.memref_squeeze %dma_wait3A_233 : memref<1x128xi32, #tpu.memory_space<vmem>> -> memref<128xi32, #tpu.memory_space<vmem>>
    %dma_wait3A_235 = arith.constant 0 : i32
    %dma_wait3A_236 = arith.constant 0 : i32
    %dma_wait3A_237 = tpu.memref_slice %arg12[%dma_wait3A_235, %dma_wait3A_236] : memref<10000x16xf32, #tpu.memory_space<vmem_shared>> -> memref<10000x16xf32, #tpu.memory_space<vmem_shared>>
    tpu.wait_indirect_dma semaphore(%arg14 : memref<!tpu.dma_semaphore, #tpu.memory_space<semaphore_mem>>) src(%dma_wait3A_231 : memref<128x16xf32, #tpu.memory_space<vmem>>) dst(%dma_wait3A_237 : memref<10000x16xf32, #tpu.memory_space<vmem_shared>>)
    %dma_wait3A_238 = arith.constant 9 : i32
    %dma_wait3A_239 = arith.constant 9 : i32
    %dma_wait3A_240 = arith.constant 0 : i32
    %dma_wait3A_241 = arith.constant 0 : i32
    %dma_wait3A_242 = tpu.memref_slice %arg10[%dma_wait3A_238, %dma_wait3A_240, %dma_wait3A_241] : memref<13x128x16xf32, #tpu.memory_space<vmem>> -> memref<1x128x16xf32, #tpu.memory_space<vmem>>
    %dma_wait3A_243 = tpu.memref_squeeze %dma_wait3A_242 : memref<1x128x16xf32, #tpu.memory_space<vmem>> -> memref<128x16xf32, #tpu.memory_space<vmem>>
    %dma_wait3A_244 = arith.constant 0 : i32
    %dma_wait3A_245 = tpu.memref_slice %arg7[%dma_wait3A_239, %dma_wait3A_244] : memref<78x128xi32, #tpu.memory_space<vmem>> -> memref<1x128xi32, #tpu.memory_space<vmem>>
    %dma_wait3A_246 = tpu.memref_squeeze %dma_wait3A_245 : memref<1x128xi32, #tpu.memory_space<vmem>> -> memref<128xi32, #tpu.memory_space<vmem>>
    %dma_wait3A_247 = arith.constant 0 : i32
    %dma_wait3A_248 = arith.constant 0 : i32
    %dma_wait3A_249 = tpu.memref_slice %arg12[%dma_wait3A_247, %dma_wait3A_248] : memref<10000x16xf32, #tpu.memory_space<vmem_shared>> -> memref<10000x16xf32, #tpu.memory_space<vmem_shared>>
    tpu.wait_indirect_dma semaphore(%arg14 : memref<!tpu.dma_semaphore, #tpu.memory_space<semaphore_mem>>) src(%dma_wait3A_243 : memref<128x16xf32, #tpu.memory_space<vmem>>) dst(%dma_wait3A_249 : memref<10000x16xf32, #tpu.memory_space<vmem_shared>>)
    %dma_wait3A_250 = arith.constant 10 : i32
    %dma_wait3A_251 = arith.constant 10 : i32
    %dma_wait3A_252 = arith.constant 0 : i32
    %dma_wait3A_253 = arith.constant 0 : i32
    %dma_wait3A_254 = tpu.memref_slice %arg10[%dma_wait3A_250, %dma_wait3A_252, %dma_wait3A_253] : memref<13x128x16xf32, #tpu.memory_space<vmem>> -> memref<1x128x16xf32, #tpu.memory_space<vmem>>
    %dma_wait3A_255 = tpu.memref_squeeze %dma_wait3A_254 : memref<1x128x16xf32, #tpu.memory_space<vmem>> -> memref<128x16xf32, #tpu.memory_space<vmem>>
    %dma_wait3A_256 = arith.constant 0 : i32
    %dma_wait3A_257 = tpu.memref_slice %arg7[%dma_wait3A_251, %dma_wait3A_256] : memref<78x128xi32, #tpu.memory_space<vmem>> -> memref<1x128xi32, #tpu.memory_space<vmem>>
    %dma_wait3A_258 = tpu.memref_squeeze %dma_wait3A_257 : memref<1x128xi32, #tpu.memory_space<vmem>> -> memref<128xi32, #tpu.memory_space<vmem>>
    %dma_wait3A_259 = arith.constant 0 : i32
    %dma_wait3A_260 = arith.constant 0 : i32
    %dma_wait3A_261 = tpu.memref_slice %arg12[%dma_wait3A_259, %dma_wait3A_260] : memref<10000x16xf32, #tpu.memory_space<vmem_shared>> -> memref<10000x16xf32, #tpu.memory_space<vmem_shared>>
    tpu.wait_indirect_dma semaphore(%arg14 : memref<!tpu.dma_semaphore, #tpu.memory_space<semaphore_mem>>) src(%dma_wait3A_255 : memref<128x16xf32, #tpu.memory_space<vmem>>) dst(%dma_wait3A_261 : memref<10000x16xf32, #tpu.memory_space<vmem_shared>>)
    %dma_wait3A_262 = arith.constant 11 : i32
    %dma_wait3A_263 = arith.constant 11 : i32
    %dma_wait3A_264 = arith.constant 0 : i32
    %dma_wait3A_265 = arith.constant 0 : i32
    %dma_wait3A_266 = tpu.memref_slice %arg10[%dma_wait3A_262, %dma_wait3A_264, %dma_wait3A_265] : memref<13x128x16xf32, #tpu.memory_space<vmem>> -> memref<1x128x16xf32, #tpu.memory_space<vmem>>
    %dma_wait3A_267 = tpu.memref_squeeze %dma_wait3A_266 : memref<1x128x16xf32, #tpu.memory_space<vmem>> -> memref<128x16xf32, #tpu.memory_space<vmem>>
    %dma_wait3A_268 = arith.constant 0 : i32
    %dma_wait3A_269 = tpu.memref_slice %arg7[%dma_wait3A_263, %dma_wait3A_268] : memref<78x128xi32, #tpu.memory_space<vmem>> -> memref<1x128xi32, #tpu.memory_space<vmem>>
    %dma_wait3A_270 = tpu.memref_squeeze %dma_wait3A_269 : memref<1x128xi32, #tpu.memory_space<vmem>> -> memref<128xi32, #tpu.memory_space<vmem>>
    %dma_wait3A_271 = arith.constant 0 : i32
    %dma_wait3A_272 = arith.constant 0 : i32
    %dma_wait3A_273 = tpu.memref_slice %arg12[%dma_wait3A_271, %dma_wait3A_272] : memref<10000x16xf32, #tpu.memory_space<vmem_shared>> -> memref<10000x16xf32, #tpu.memory_space<vmem_shared>>
    tpu.wait_indirect_dma semaphore(%arg14 : memref<!tpu.dma_semaphore, #tpu.memory_space<semaphore_mem>>) src(%dma_wait3A_267 : memref<128x16xf32, #tpu.memory_space<vmem>>) dst(%dma_wait3A_273 : memref<10000x16xf32, #tpu.memory_space<vmem_shared>>)
    %dma_wait3A_274 = arith.constant 12 : i32
    %dma_wait3A_275 = arith.constant 12 : i32
    %dma_wait3A_276 = arith.constant 0 : i32
    %dma_wait3A_277 = arith.constant 0 : i32
    %dma_wait3A_278 = tpu.memref_slice %arg10[%dma_wait3A_274, %dma_wait3A_276, %dma_wait3A_277] : memref<13x128x16xf32, #tpu.memory_space<vmem>> -> memref<1x128x16xf32, #tpu.memory_space<vmem>>
    %dma_wait3A_279 = tpu.memref_squeeze %dma_wait3A_278 : memref<1x128x16xf32, #tpu.memory_space<vmem>> -> memref<128x16xf32, #tpu.memory_space<vmem>>
    %dma_wait3A_280 = arith.constant 0 : i32
    %dma_wait3A_281 = tpu.memref_slice %arg7[%dma_wait3A_275, %dma_wait3A_280] : memref<78x128xi32, #tpu.memory_space<vmem>> -> memref<1x128xi32, #tpu.memory_space<vmem>>
    %dma_wait3A_282 = tpu.memref_squeeze %dma_wait3A_281 : memref<1x128xi32, #tpu.memory_space<vmem>> -> memref<128xi32, #tpu.memory_space<vmem>>
    %dma_wait3A_283 = arith.constant 0 : i32
    %dma_wait3A_284 = arith.constant 0 : i32
    %dma_wait3A_285 = tpu.memref_slice %arg12[%dma_wait3A_283, %dma_wait3A_284] : memref<10000x16xf32, #tpu.memory_space<vmem_shared>> -> memref<10000x16xf32, #tpu.memory_space<vmem_shared>>
    tpu.wait_indirect_dma semaphore(%arg14 : memref<!tpu.dma_semaphore, #tpu.memory_space<semaphore_mem>>) src(%dma_wait3A_279 : memref<128x16xf32, #tpu.memory_space<vmem>>) dst(%dma_wait3A_285 : memref<10000x16xf32, #tpu.memory_space<vmem_shared>>)
    %lt3A = arith.constant 4 : i32
    %lt3A_286 = arith.cmpi slt, %add3A, %lt3A : i32
    %convert_element_type3A = arith.extui %lt3A_286 : i1 to i32
    %cond3A = arith.constant 0 : i32
    %cond3A_287 = arith.cmpi ne, %convert_element_type3A, %cond3A : i32
    scf.if %cond3A_287 {
      %add3A_289 = arith.constant 2496 : i32
      %add3A_290 = arith.addi %add3A_289, %add3A : i32
      %run_scoped3A_291 = arith.constant 0 : i32
      "tpu.region"() ({
        %run_scoped3A_299 = tpu.sem_alloc : memref<!tpu.dma_semaphore, #tpu.memory_space<semaphore_mem>>
        %dma_start3A_300 = arith.constant 0 : i32
        %dma_start3A_301 = tpu.memref_slice %arg2[%run_scoped3A_291, %add3A_290, %dma_start3A_300] : memref<2x2500x128xi32, #tpu.memory_space<hbm>> -> memref<1x1x128xi32, #tpu.memory_space<hbm>>
        %dma_start3A_302 = tpu.memref_squeeze %dma_start3A_301 : memref<1x1x128xi32, #tpu.memory_space<hbm>> -> memref<128xi32, #tpu.memory_space<hbm>>
        %dma_start3A_303 = arith.constant 0 : i32
        %dma_start3A_304 = tpu.memref_slice %arg2[%run_scoped3A_291, %add3A_290, %dma_start3A_303] : memref<2x2500x128xi32, #tpu.memory_space<hbm>> -> memref<1x1x128xi32, #tpu.memory_space<hbm>>
        %dma_start3A_305 = tpu.memref_squeeze %dma_start3A_304 : memref<1x1x128xi32, #tpu.memory_space<hbm>> -> memref<128xi32, #tpu.memory_space<hbm>>
        tpu.enqueue_dma source(%dma_start3A_305 : memref<128xi32, #tpu.memory_space<hbm>>) target(%arg8 : memref<128xi32, #tpu.memory_space<vmem>>) target_semaphore(%run_scoped3A_299 : memref<!tpu.dma_semaphore, #tpu.memory_space<semaphore_mem>>)
        %dma_wait3A_306 = arith.constant 0 : i32
        %dma_wait3A_307 = tpu.memref_slice %arg2[%run_scoped3A_291, %add3A_290, %dma_wait3A_306] : memref<2x2500x128xi32, #tpu.memory_space<hbm>> -> memref<1x1x128xi32, #tpu.memory_space<hbm>>
        %dma_wait3A_308 = tpu.memref_squeeze %dma_wait3A_307 : memref<1x1x128xi32, #tpu.memory_space<hbm>> -> memref<128xi32, #tpu.memory_space<hbm>>
        %dma_wait3A_309 = arith.constant 0 : i32
        %dma_wait3A_310 = tpu.memref_slice %arg2[%run_scoped3A_291, %add3A_290, %dma_wait3A_309] : memref<2x2500x128xi32, #tpu.memory_space<hbm>> -> memref<1x1x128xi32, #tpu.memory_space<hbm>>
        %dma_wait3A_311 = tpu.memref_squeeze %dma_wait3A_310 : memref<1x1x128xi32, #tpu.memory_space<hbm>> -> memref<128xi32, #tpu.memory_space<hbm>>
        tpu.wait_dma2 semaphore(%run_scoped3A_299 : memref<!tpu.dma_semaphore, #tpu.memory_space<semaphore_mem>>) src(%dma_wait3A_311 : memref<128xi32, #tpu.memory_space<hbm>>) dst(%arg8 : memref<128xi32, #tpu.memory_space<vmem>>)
        tpu.yield
      }) : () -> ()
      %run_scoped3A_292 = arith.constant 1 : i32
      "tpu.region"() ({
        %run_scoped3A_299 = tpu.sem_alloc : memref<!tpu.dma_semaphore, #tpu.memory_space<semaphore_mem>>
        %dma_start3A_300 = arith.constant 0 : i32
        %dma_start3A_301 = tpu.memref_slice %arg2[%run_scoped3A_292, %add3A_290, %dma_start3A_300] : memref<2x2500x128xi32, #tpu.memory_space<hbm>> -> memref<1x1x128xi32, #tpu.memory_space<hbm>>
        %dma_start3A_302 = tpu.memref_squeeze %dma_start3A_301 : memref<1x1x128xi32, #tpu.memory_space<hbm>> -> memref<128xi32, #tpu.memory_space<hbm>>
        %dma_start3A_303 = arith.constant 0 : i32
        %dma_start3A_304 = tpu.memref_slice %arg2[%run_scoped3A_292, %add3A_290, %dma_start3A_303] : memref<2x2500x128xi32, #tpu.memory_space<hbm>> -> memref<1x1x128xi32, #tpu.memory_space<hbm>>
        %dma_start3A_305 = tpu.memref_squeeze %dma_start3A_304 : memref<1x1x128xi32, #tpu.memory_space<hbm>> -> memref<128xi32, #tpu.memory_space<hbm>>
        tpu.enqueue_dma source(%dma_start3A_305 : memref<128xi32, #tpu.memory_space<hbm>>) target(%arg9 : memref<128xi32, #tpu.memory_space<vmem>>) target_semaphore(%run_scoped3A_299 : memref<!tpu.dma_semaphore, #tpu.memory_space<semaphore_mem>>)
        %dma_wait3A_306 = arith.constant 0 : i32
        %dma_wait3A_307 = tpu.memref_slice %arg2[%run_scoped3A_292, %add3A_290, %dma_wait3A_306] : memref<2x2500x128xi32, #tpu.memory_space<hbm>> -> memref<1x1x128xi32, #tpu.memory_space<hbm>>
        %dma_wait3A_308 = tpu.memref_squeeze %dma_wait3A_307 : memref<1x1x128xi32, #tpu.memory_space<hbm>> -> memref<128xi32, #tpu.memory_space<hbm>>
        %dma_wait3A_309 = arith.constant 0 : i32
        %dma_wait3A_310 = tpu.memref_slice %arg2[%run_scoped3A_292, %add3A_290, %dma_wait3A_309] : memref<2x2500x128xi32, #tpu.memory_space<hbm>> -> memref<1x1x128xi32, #tpu.memory_space<hbm>>
        %dma_wait3A_311 = tpu.memref_squeeze %dma_wait3A_310 : memref<1x1x128xi32, #tpu.memory_space<hbm>> -> memref<128xi32, #tpu.memory_space<hbm>>
        tpu.wait_dma2 semaphore(%run_scoped3A_299 : memref<!tpu.dma_semaphore, #tpu.memory_space<semaphore_mem>>) src(%dma_wait3A_311 : memref<128xi32, #tpu.memory_space<hbm>>) dst(%arg9 : memref<128xi32, #tpu.memory_space<vmem>>)
        tpu.yield
      }) : () -> ()
      %dma_start3A_293 = arith.constant 0 : i32
      %dma_start3A_294 = arith.constant 0 : i32
      %dma_start3A_295 = tpu.memref_slice %arg3[%dma_start3A_293, %dma_start3A_294] : memref<10000x16xf32, #tpu.memory_space<hbm>> -> memref<10000x16xf32, #tpu.memory_space<hbm>>
      tpu.enqueue_indirect_dma source(%dma_start3A_295 : memref<10000x16xf32, #tpu.memory_space<hbm>>) target(%arg11 : memref<128x16xf32, #tpu.memory_space<vmem>>) offsets(%arg8 : memref<128xi32, #tpu.memory_space<vmem>>) semaphore(%arg13 : memref<!tpu.dma_semaphore, #tpu.memory_space<semaphore_mem>>)
      %dma_wait3A_296 = arith.constant 0 : i32
      %dma_wait3A_297 = arith.constant 0 : i32
      %dma_wait3A_298 = tpu.memref_slice %arg3[%dma_wait3A_296, %dma_wait3A_297] : memref<10000x16xf32, #tpu.memory_space<hbm>> -> memref<10000x16xf32, #tpu.memory_space<hbm>>
      tpu.wait_indirect_dma semaphore(%arg13 : memref<!tpu.dma_semaphore, #tpu.memory_space<semaphore_mem>>) src(%dma_wait3A_298 : memref<10000x16xf32, #tpu.memory_space<hbm>>) dst(%arg11 : memref<128x16xf32, #tpu.memory_space<vmem>>)
      "tpu.region"() ({
        %run_scoped3A_299 = tpu.sem_alloc : memref<!tpu.dma_semaphore, #tpu.memory_space<semaphore_mem>>
        %dma_start3A_300 = arith.constant 0 : i32
        %dma_start3A_301 = arith.constant 0 : i32
        %dma_start3A_302 = tpu.memref_slice %arg12[%dma_start3A_300, %dma_start3A_301] : memref<10000x16xf32, #tpu.memory_space<vmem_shared>> -> memref<10000x16xf32, #tpu.memory_space<vmem_shared>>
        tpu.enqueue_indirect_dma source(%arg11 : memref<128x16xf32, #tpu.memory_space<vmem>>) target(%dma_start3A_302 : memref<10000x16xf32, #tpu.memory_space<vmem_shared>>) offsets(%arg9 : memref<128xi32, #tpu.memory_space<vmem>>) semaphore(%run_scoped3A_299 : memref<!tpu.dma_semaphore, #tpu.memory_space<semaphore_mem>>) {add = true}
        %dma_wait3A_303 = arith.constant 0 : i32
        %dma_wait3A_304 = arith.constant 0 : i32
        %dma_wait3A_305 = tpu.memref_slice %arg12[%dma_wait3A_303, %dma_wait3A_304] : memref<10000x16xf32, #tpu.memory_space<vmem_shared>> -> memref<10000x16xf32, #tpu.memory_space<vmem_shared>>
        tpu.wait_indirect_dma semaphore(%run_scoped3A_299 : memref<!tpu.dma_semaphore, #tpu.memory_space<semaphore_mem>>) src(%arg11 : memref<128x16xf32, #tpu.memory_space<vmem>>) dst(%dma_wait3A_305 : memref<10000x16xf32, #tpu.memory_space<vmem_shared>>)
        tpu.yield
      }) : () -> ()
    } else {
    }
    %barrier3A_288 = arith.constant 0 : index
    tpu.barrier barrier_id(%barrier3A_288)
    "tpu.region"() ({
      %run_scoped3A_289 = tpu.sem_alloc : memref<!tpu.dma_semaphore, #tpu.memory_space<semaphore_mem>>
      %dma_start3A_290 = arith.constant 0 : i32
      %dma_start3A_291 = tpu.memref_slice %arg5[%arg0, %mul3A_2, %dma_start3A_290] : memref<2x10000x16xf32, #tpu.memory_space<hbm>> -> memref<1x625x16xf32, #tpu.memory_space<hbm>>
      %dma_start3A_292 = tpu.memref_squeeze %dma_start3A_291 : memref<1x625x16xf32, #tpu.memory_space<hbm>> -> memref<625x16xf32, #tpu.memory_space<hbm>>
      %dma_start3A_293 = arith.constant 0 : i32
      %dma_start3A_294 = tpu.memref_slice %arg12[%mul3A_2, %dma_start3A_293] : memref<10000x16xf32, #tpu.memory_space<vmem_shared>> -> memref<625x16xf32, #tpu.memory_space<vmem_shared>>
      tpu.enqueue_dma source(%dma_start3A_294 : memref<625x16xf32, #tpu.memory_space<vmem_shared>>) target(%dma_start3A_292 : memref<625x16xf32, #tpu.memory_space<hbm>>) target_semaphore(%run_scoped3A_289 : memref<!tpu.dma_semaphore, #tpu.memory_space<semaphore_mem>>)
      %dma_wait3A_295 = arith.constant 0 : i32
      %dma_wait3A_296 = tpu.memref_slice %arg5[%arg0, %mul3A_2, %dma_wait3A_295] : memref<2x10000x16xf32, #tpu.memory_space<hbm>> -> memref<1x625x16xf32, #tpu.memory_space<hbm>>
      %dma_wait3A_297 = tpu.memref_squeeze %dma_wait3A_296 : memref<1x625x16xf32, #tpu.memory_space<hbm>> -> memref<625x16xf32, #tpu.memory_space<hbm>>
      %dma_wait3A_298 = arith.constant 0 : i32
      %dma_wait3A_299 = tpu.memref_slice %arg12[%mul3A_2, %dma_wait3A_298] : memref<10000x16xf32, #tpu.memory_space<vmem_shared>> -> memref<625x16xf32, #tpu.memory_space<vmem_shared>>
      tpu.wait_dma2 semaphore(%run_scoped3A_289 : memref<!tpu.dma_semaphore, #tpu.memory_space<semaphore_mem>>) src(%dma_wait3A_299 : memref<625x16xf32, #tpu.memory_space<vmem_shared>>) dst(%dma_wait3A_297 : memref<625x16xf32, #tpu.memory_space<hbm>>)
      tpu.yield
    }) : () -> ()
    return
  }
}

module attributes {stable_mosaic.version = 14 : i64} {
  func.func @_mm_body(%arg0: i32, %arg1: memref<2000x128xf32, #tpu.memory_space<vmem>>, %arg2: memref<128x16xf32, #tpu.memory_space<vmem>>, %arg3: memref<2000x16xf32, #tpu.memory_space<vmem>>) attributes {dimension_semantics = [#tpu.dimension_semantics<arbitrary>], iteration_bounds = array<i64: 5>, scalar_prefetch = 0 : i64, scratch_operands = 0 : i64, tpu.core_type = #tpu.core_type<tc>, window_params = [{transform_indices = @transform_0, window_bounds = array<i64: 2000, 128>}, {pipeline_mode = #tpu.pipeline_mode<synchronous>, transform_indices = @transform_1, window_bounds = array<i64: 128, 16>}, {transform_indices = @transform_2, window_bounds = array<i64: 2000, 16>}]} {
    %get3A = arith.constant 0 : index
    %get3A_0 = arith.constant 0 : index
    %get3A_1 = vector.load %arg1[%get3A, %get3A_0] : memref<2000x128xf32, #tpu.memory_space<vmem>>, vector<2000x128xf32>
    %get3A_2 = arith.constant 0 : index
    %get3A_3 = arith.constant 0 : index
    %get3A_4 = vector.load %arg2[%get3A_2, %get3A_3] : memref<128x16xf32, #tpu.memory_space<vmem>>, vector<128x16xf32>
    %dot_general3A = arith.constant dense<0.000000e+00> : vector<2000x16xf32>
    %dot_general3A_5 = tpu.matmul %get3A_1, %get3A_4, %dot_general3A {dimension_numbers = #tpu.dot_dimension_numbers<[1], [0], [0], [1], [0, 0, 1, 1], [], []>, transpose_lhs_hint = false} : vector<2000x128xf32>, vector<128x16xf32>, vector<2000x16xf32> -> vector<2000x16xf32>
    %swap3A = arith.constant 0 : index
    %swap3A_6 = arith.constant 0 : index
    %swap3A_7 = vector.load %arg3[%swap3A, %swap3A_6] : memref<2000x16xf32, #tpu.memory_space<vmem>>, vector<2000x16xf32>
    tpu.vector_store %arg3[%swap3A, %swap3A_6], %dot_general3A_5 {strides = array<i32>} : memref<2000x16xf32, #tpu.memory_space<vmem>>, vector<2000x16xf32>,
    return
  }
  func.func @transform_0(%arg0: i32) -> (i32, i32) {
    %c0_i32 = arith.constant 0 : i32
    %c0_i32_0 = arith.constant 0 : i32
    return %arg0, %c0_i32 : i32, i32
  }
  func.func @transform_1(%arg0: i32) -> (i32, i32) {
    %c0_i32 = arith.constant 0 : i32
    %c0_i32_0 = arith.constant 0 : i32
    %c0_i32_1 = arith.constant 0 : i32
    return %c0_i32, %c0_i32_0 : i32, i32
  }
  func.func @transform_2(%arg0: i32) -> (i32, i32) {
    %c0_i32 = arith.constant 0 : i32
    %c0_i32_0 = arith.constant 0 : i32
    return %arg0, %c0_i32 : i32, i32
  }
}

module attributes {stable_mosaic.version = 14 : i64} {
  func.func @_scale_body(%arg0: memref<10000x16xf32, #tpu.memory_space<vmem>>, %arg1: memref<32x10112xf32, #tpu.memory_space<vmem>>, %arg2: memref<10000x16xf32, #tpu.memory_space<vmem>>, %arg3: memref<10000x16xf32, #tpu.memory_space<vmem>>) attributes {dimension_semantics = [], scalar_prefetch = 0 : i64, scratch_operands = 0 : i64, tpu.core_type = #tpu.core_type<tc>} {
    %get3A = arith.constant 0 : index
    %get3A_0 = arith.constant 0 : index
    %get3A_1 = vector.load %arg1[%get3A, %get3A_0] : memref<32x10112xf32, #tpu.memory_space<vmem>>, vector<32x10112xf32>
    %reduce_sum3A = arith.constant dense<0.000000e+00> : vector<10112xf32>
    %reduce_sum3A_2 = vector.multi_reduction <add>, %get3A_1, %reduce_sum3A [0] : vector<32x10112xf32> to vector<10112xf32>
    %slice3A = vector.extract_strided_slice %reduce_sum3A_2 {offsets = [0], sizes = [10000], strides = [1]} : vector<10112xf32> to vector<10000xf32>
    %add3A = arith.constant 1.000000e+00 : f32
    %add3A_3 = vector.broadcast %add3A : f32 to vector<10000xf32>
    %add3A_4 = arith.addf %slice3A, %add3A_3 : vector<10000xf32>
    %rsqrt3A = math.rsqrt %add3A_4 : vector<10000xf32>
    %broadcast_in_dim3A = vector.shape_cast %rsqrt3A : vector<10000xf32> to vector<10000x1xf32>
    %broadcast_in_dim3A_5 = vector.shape_cast %broadcast_in_dim3A : vector<10000x1xf32> to vector<10000x1xf32>
    %broadcast_in_dim3A_6 = vector.broadcast %broadcast_in_dim3A_5 : vector<10000x1xf32> to vector<10000x16xf32>
    %swap3A = arith.constant 0 : index
    %swap3A_7 = arith.constant 0 : index
    %swap3A_8 = vector.load %arg3[%swap3A, %swap3A_7] : memref<10000x16xf32, #tpu.memory_space<vmem>>, vector<10000x16xf32>
    tpu.vector_store %arg3[%swap3A, %swap3A_7], %broadcast_in_dim3A_6 {strides = array<i32>} : memref<10000x16xf32, #tpu.memory_space<vmem>>, vector<10000x16xf32>,
    %get3A_9 = arith.constant 0 : index
    %get3A_10 = arith.constant 0 : index
    %get3A_11 = vector.load %arg0[%get3A_9, %get3A_10] : memref<10000x16xf32, #tpu.memory_space<vmem>>, vector<10000x16xf32>
    %mul3A = vector.broadcast %broadcast_in_dim3A : vector<10000x1xf32> to vector<10000x16xf32>
    %mul3A_12 = arith.mulf %get3A_11, %mul3A : vector<10000x16xf32>
    %swap3A_13 = arith.constant 0 : index
    %swap3A_14 = arith.constant 0 : index
    %swap3A_15 = vector.load %arg2[%swap3A_13, %swap3A_14] : memref<10000x16xf32, #tpu.memory_space<vmem>>, vector<10000x16xf32>
    tpu.vector_store %arg2[%swap3A_13, %swap3A_14], %mul3A_12 {strides = array<i32>} : memref<10000x16xf32, #tpu.memory_space<vmem>>, vector<10000x16xf32>,
    return
  }
}

module attributes {stable_mosaic.version = 14 : i64} {
  func.func @_final_body(%arg0: memref<2x1250x128xf32, #tpu.memory_space<vmem>>, %arg1: memref<1250x128xf32, #tpu.memory_space<vmem>>, %arg2: memref<1250x128xf32, #tpu.memory_space<vmem>>, %arg3: memref<1x128xf32, #tpu.memory_space<vmem>>, %arg4: memref<128x512xf32, #tpu.memory_space<vmem>>, %arg5: memref<1x512xf32, #tpu.memory_space<vmem>>, %arg6: memref<1250x512xf32, #tpu.memory_space<vmem>>) attributes {dimension_semantics = [], scalar_prefetch = 0 : i64, scratch_operands = 0 : i64, tpu.core_type = #tpu.core_type<tc>} {
    %get3A = arith.constant 0 : index
    %get3A_0 = arith.constant 0 : index
    %get3A_1 = vector.load %arg2[%get3A, %get3A_0] : memref<1250x128xf32, #tpu.memory_space<vmem>>, vector<1250x128xf32>
    %get3A_2 = arith.constant 0 : index
    %get3A_3 = arith.constant 0 : index
    %get3A_4 = arith.constant 0 : index
    %get3A_5 = vector.load %arg0[%get3A_2, %get3A_3, %get3A_4] : memref<2x1250x128xf32, #tpu.memory_space<vmem>>, vector<1x1250x128xf32>
    %get3A_6 = vector.shape_cast %get3A_5 : vector<1x1250x128xf32> to vector<1250x128xf32>
    %get3A_7 = arith.constant 1 : index
    %get3A_8 = arith.constant 0 : index
    %get3A_9 = arith.constant 0 : index
    %get3A_10 = vector.load %arg0[%get3A_7, %get3A_8, %get3A_9] : memref<2x1250x128xf32, #tpu.memory_space<vmem>>, vector<1x1250x128xf32>
    %get3A_11 = vector.shape_cast %get3A_10 : vector<1x1250x128xf32> to vector<1250x128xf32>
    %add3A = arith.addf %get3A_6, %get3A_11 : vector<1250x128xf32>
    %get3A_12 = arith.constant 0 : index
    %get3A_13 = arith.constant 0 : index
    %get3A_14 = vector.load %arg1[%get3A_12, %get3A_13] : memref<1250x128xf32, #tpu.memory_space<vmem>>, vector<1250x128xf32>
    %add3A_15 = arith.addf %add3A, %get3A_14 : vector<1250x128xf32>
    %mul3A = arith.mulf %get3A_1, %add3A_15 : vector<1250x128xf32>
    %get3A_16 = arith.constant 0 : index
    %get3A_17 = arith.constant 0 : index
    %get3A_18 = vector.load %arg3[%get3A_16, %get3A_17] : memref<1x128xf32, #tpu.memory_space<vmem>>, vector<1x128xf32>
    %add3A_19 = vector.broadcast %get3A_18 : vector<1x128xf32> to vector<1250x128xf32>
    %add3A_20 = arith.addf %mul3A, %add3A_19 : vector<1250x128xf32>
    %max3A = arith.constant 0.000000e+00 : f32
    %max3A_21 = vector.broadcast %max3A : f32 to vector<1250x128xf32>
    %max3A_22 = arith.maximumf %add3A_20, %max3A_21 : vector<1250x128xf32>
    %get3A_23 = arith.constant 0 : index
    %get3A_24 = arith.constant 0 : index
    %get3A_25 = vector.load %arg4[%get3A_23, %get3A_24] : memref<128x512xf32, #tpu.memory_space<vmem>>, vector<128x512xf32>
    %dot_general3A = arith.constant dense<0.000000e+00> : vector<1250x512xf32>
    %dot_general3A_26 = tpu.matmul %max3A_22, %get3A_25, %dot_general3A {dimension_numbers = #tpu.dot_dimension_numbers<[1], [0], [0], [1], [0, 0, 1, 1], [], []>, transpose_lhs_hint = false} : vector<1250x128xf32>, vector<128x512xf32>, vector<1250x512xf32> -> vector<1250x512xf32>
    %get3A_27 = arith.constant 0 : index
    %get3A_28 = arith.constant 0 : index
    %get3A_29 = vector.load %arg5[%get3A_27, %get3A_28] : memref<1x512xf32, #tpu.memory_space<vmem>>, vector<1x512xf32>
    %add3A_30 = vector.broadcast %get3A_29 : vector<1x512xf32> to vector<1250x512xf32>
    %add3A_31 = arith.addf %dot_general3A_26, %add3A_30 : vector<1250x512xf32>
    %swap3A = arith.constant 0 : index
    %swap3A_32 = arith.constant 0 : index
    %swap3A_33 = vector.load %arg6[%swap3A, %swap3A_32] : memref<1250x512xf32, #tpu.memory_space<vmem>>, vector<1250x512xf32>
    tpu.vector_store %arg6[%swap3A, %swap3A_32], %add3A_31 {strides = array<i32>} : memref<1250x512xf32, #tpu.memory_space<vmem>>, vector<1250x512xf32>,
    return
  }
}

</mosaic_0001>

<sc_bundles>
// kernel: kernel.10.cloned.1.call-start
scs
__scs_entry_jumppad:
0x0: {  	(pc) =	sbr.rel $0x88, $3  }
0x1: {  	(tag) =	ssettag $0x0;
	lr =	simm.s32 $0x1  }
0x2: {  	[smem:$0x3F9B] =	sst lr;
	_ =	strace $0xD0000000  }
0x3: {  	_ = 	snop  }
0x4: {  	_ = 	snop  }
0x5: {  	_ = 	snop  }
0x6: {  	_ = 	snop  }
0x7: {  	_ = 	snop  }
__scs_overlays_trampoline_lowered:
0x8: {  	[smem:$0x3FAA] =	sst s0  }
0x9: {  	[smem:$0x3FAB] =	sst s1  }
0xa: {  	[smem:$0x3FAC] =	sst s2  }
0xb: {  	[smem:$0x3FAD] =	sst s3  }
0xc: {  	[smem:$0x3FAE] =	sst s4  }
0xd: {  	[smem:$0x3FAF] =	sst s5  }
0xe: {  	[smem:$0x3FB0] =	sst s6  }
0xf: {  	[smem:$0x3FB1] =	sst s7  }
0x10: {  	[smem:$0x3FB2] =	sst s8  }
0x11: {  	[smem:$0x3FB3] =	sst s9;
	s0 =	simm.s32 @!p0 $0x0  }
0x12: {  	s1 =	sld [smem:$0x3F99];
	s0 =	simm.s32 @p0 $0x1  }
0x13: {  	[smem:$0x3FB4] =	sst s0;
	s0 =	simm.s32 @!p1 $0x0  }
0x14: {  	s2 =	sld [smem:$0x3F98];
	s0 =	simm.s32 @p1 $0x1  }
0x15: {  	[smem:$0x3FB5] =	sst s0;
	s0 =	simm.s32 @!p2 $0x0  }
0x16: {  	s3 =	sld [smem:$0x3FDB];
	s0 =	simm.s32 @p2 $0x1  }
0x17: {  	s4 =	simm.s32 $0x1BF5;
	[smem:$0x3FB7] =	sst s0  }
0x18: {  	s0 =	sld [smem:$0x3F9A];
	_ =	swait.ge [sflag:s4], $0x0  }
0x19: {  	s7 =	sld [smem:$0x3F9B]  }
0x1a: {  	s8 =	sadd.s32 $0xFFFFE003, lr  }
0x1b: {  	s9 =	sadd.s32 $0xFFFFFEF7, lr;
	s5 =	simm.s32 $0xFFFFFFFF;
	p2 =	slt.u32 s8, $0xFFFFF086  }
0x1c: {  	p1 =	slt.u32 s9, $0xF7A;
	s5 =	simm.s32 @!p2 $0x0  }
0x1d: {  	s5 =	simm.s32 @p1 $0x1;
	p0 =	seq.s32 s7, s2  }
0x1e: {  	s7 =	smul.u32 @!p0 $0xF7A, s2;
	p2 =	seq.s32 @!p0 s5, $0x0  }
0x1f: {  	s9 =	smul.u32 $0xF7A, s1;
	s8 =	simm.s32 @!p0 $0x1BF5;
	p2 =	por !p2, p0  }
0x20: {  	[sflag:s8] =	ssyncset.s32 @!p0 $0xFFFFF086;
	s6 =	sadd.s32 @!p0 s3, s7;
	s7 =	simm.s32 @!p0 $0x108  }
0x21: {  	s3 =	sadd.s32 s3, s9;
	s6 =	sadd.s32 @!p0 $0x88, s6;
	s7 =	simm.s32 @p2 $0x1082  }
0x22: {  	[simem:s7], [sflag:s8] =	dma.local @!p0 [hbm:s6], $0xF7A  }
0x23: {  	s9 =	sor.u32 $0xD0000000, s2;
	s6 =	simm.s32 $0x108;
	_ =	swait.ge @!p0 [sflag:s8], $0x0  }
0x24: {  	s3 =	sadd.s32 $0x88, s3;
	s6 =	simm.s32 @!p1 $0x1082;
	[sflag:s4] =	ssyncset.s32 $0xFFFFF086  }
0x25: {  	[simem:s6], [sflag:s4] =	dma.local [hbm:s3], $0xF7A  }
0x26: {  	[smem:$0x3F9B] =	sst s1;
	(tag) =	ssettag s2;
	_ =	strace s9  }
0x27: {  	s1 =	sld [smem:$0x3FAB]  }
0x28: {  	s2 =	sld [smem:$0x3FAC]  }
0x29: {  	s4 =	sld [smem:$0x3FAE]  }
0x2a: {  	p0 =	seq.s32 s5, $0x0;
	s5 =	sld [smem:$0x3FAF]  }
0x2b: {  	s6 =	sld [smem:$0x3FB0]  }
0x2c: {  	s7 =	sld [smem:$0x3FB1]  }
0x2d: {  	s3 =	simm.s32 $0x108;
	s8 =	sld [smem:$0x3FB2]  }
0x2e: {  	s3 =	simm.s32 @!p0 $0x1082;
	s9 =	sld [smem:$0x3FB3]  }
0x2f: {  	lr =	sadd.s32 s0, s3;
	s0 =	sld [smem:$0x3FAA]  }
0x30: {  	s3 =	sld [smem:$0x3FAD]  }
0x31: {  	[smem:$0x3FB6] =	sst s10  }
0x32: {  	s10 =	sld [smem:$0x3FB4];
	_ =	sdelay $0x3  }
0x33: {  	p0 =	seq.s32 s10, $0x1;
	s10 =	sld [smem:$0x3FB6];
	_ =	sdelay $0x3  }
0x34: {  	[smem:$0x3FB6] =	sst s10  }
0x35: {  	s10 =	sld [smem:$0x3FB5];
	_ =	sdelay $0x3  }
0x36: {  	p1 =	seq.s32 s10, $0x1;
	s10 =	sld [smem:$0x3FB6];
	_ =	sdelay $0x3  }
0x37: {  	[smem:$0x3FB6] =	sst s10  }
0x38: {  	s10 =	sld [smem:$0x3FB7]  }
0x39: {  	_ = 	snop;
	(pc) =	sbr.ind lr, $3  }
0x3a: {  	_ = 	snop  }
0x3b: {  	_ = 	snop  }
0x3c: {  	p2 =	seq.s32 s10, $0x1;
	s10 =	sld [smem:$0x3FB6]  }
0x3d: {  	_ =	shalt  }
0x3e: {  	_ =	shalt  }
0x3f: {  	_ =	shalt  }
0x40: {  	_ =	shalt  }
0x41: {  	_ =	shalt  }
0x42: {  	_ =	shalt  }
0x43: {  	_ =	shalt  }
0x44: {  	_ =	shalt  }
0x45: {  	_ =	shalt  }
0x46: {  	_ =	shalt  }
0x47: {  	_ =	shalt  }
0x48: {  	_ =	shalt  }
0x49: {  	_ =	shalt  }
0x4a: {  	_ =	shalt  }
0x4b: {  	_ =	shalt  }
0x4c: {  	_ =	shalt  }
0x4d: {  	_ =	shalt  }
0x4e: {  	_ =	shalt  }
0x4f: {  	_ =	shalt  }
0x50: {  	_ =	shalt  }
0x51: {  	_ =	shalt  }
0x52: {  	_ =	shalt  }
0x53: {  	_ =	shalt  }
0x54: {  	_ =	shalt  }
0x55: {  	_ =	shalt  }
0x56: {  	_ =	shalt  }
0x57: {  	_ =	shalt  }
0x58: {  	_ =	shalt  }
0x59: {  	_ =	shalt  }
0x5a: {  	_ =	shalt  }
0x5b: {  	_ =	shalt  }
0x5c: {  	_ =	shalt  }
0x5d: {  	_ =	shalt  }
0x5e: {  	_ =	shalt  }
0x5f: {  	_ =	shalt  }
0x60: {  	_ =	shalt  }
0x61: {  	_ =	shalt  }
0x62: {  	_ =	shalt  }
0x63: {  	_ =	shalt  }
0x64: {  	_ =	shalt  }
0x65: {  	_ =	shalt  }
0x66: {  	_ =	shalt  }
0x67: {  	_ =	shalt  }
0x68: {  	_ =	shalt  }
0x69: {  	_ =	shalt  }
0x6a: {  	_ =	shalt  }
0x6b: {  	_ =	shalt  }
0x6c: {  	_ =	shalt  }
0x6d: {  	_ =	shalt  }
0x6e: {  	_ =	shalt  }
0x6f: {  	_ =	shalt  }
0x70: {  	_ =	shalt  }
0x71: {  	_ =	shalt  }
0x72: {  	_ =	shalt  }
0x73: {  	_ =	shalt  }
0x74: {  	_ =	shalt  }
0x75: {  	_ =	shalt  }
0x76: {  	_ =	shalt  }
0x77: {  	_ =	shalt  }
0x78: {  	_ =	shalt  }
0x79: {  	_ =	shalt  }
0x7a: {  	_ =	shalt  }
0x7b: {  	_ =	shalt  }
0x7c: {  	_ =	shalt  }
0x7d: {  	_ =	shalt  }
0x7e: {  	_ =	shalt  }
0x7f: {  	_ =	shalt  }
0x80: {  	_ =	shalt  }
0x81: {  	_ =	shalt  }
0x82: {  	_ =	shalt  }
0x83: {  	_ =	shalt  }
0x84: {  	_ =	shalt  }
0x85: {  	_ =	shalt  }
0x86: {  	_ =	shalt  }
0x87: {  	_ =	shalt  }
.Lfunc_end0:
.L_simem_size_0:
called_computation.1_lowered:
.L_overlay_start_0:
0x88: {  	s2 =	sld [smem:$0x3FD9]  }
0x89: {  	s3 =	sld [smem:$0x3FFE];
	_ =	sdelay $0x1  }
0x8a: {  	s1 =	srdreg.scid  }
0x8b: {  	s0 =	sand.u32 $0x1, s1  }
0x8c: {  	s17 =	sshll.u32 s0, $0xA;
	s2 =	sadd.s32 s3, s2  }
0x8d: {  	s2 =	sadd.s32 s2, s17  }
0x8e: {  	[smem:$0x3FC2] =	sst s2  }
0x8f: {  	_ = 	snop  }
0x90: {  	s2 =	sld [smem:$0x3FD0];
	(tm) =	ssettm $0x1  }
0x91: {  	s18 =	sld [smem:$0x3FFB];
	_ =	sdelay $0x3  }
0x92: {  	_ =	strace s18  }
0x93: {  	s3 =	sld [smem:$0x3FFC];
	_ =	sdelay $0x3  }
0x94: {  	_ =	strace s3  }
0x95: {  	s3 =	sld [smem:$0x3FFD];
	_ =	sdelay $0x3  }
0x96: {  	_ =	strace s3  }
0x97: {  	_ =	strace $0x8FFFFFFF  }
0x98: {  	s19 =	sld [smem:$0x3FDB];
	_ =	sdelay $0x1  }
0x99: {  	s4 =	simm.s32 $_scs_section_size  }
0x9a: {  	s5 =	simm.s32 $_size__tile_overlayer_lowered;
	s6 =	simm.s32 $_tile_overlayer_lowered  }
0x9b: {  	s22 =	simm.s32 $0x1BFF;
	s21 =	sshll.u32 s6, $0x1;
	s3 =	sadd.s32 s4, s19  }
0x9c: {  	s7 =	simm.s32 $0x0;
	s20 =	sshll.u32 s5, $0x1;
	s5 =	sadd.s32 s21, s3  }
0x9d: {  	[timem:s7], [sflag:s22] =	dma.local [hbm:s5], s20  }
0x9e: {  	_ =	swait.ge [sflag:s22], s20  }
0x9f: {  	s4 =	ssub.s32 $0x0, s20;
	[sflag:s22] =	ssyncset.done $0x0  }
0xa0: {  	[sflag:s22] =	ssyncadd.s32 s4;
	_ =	sdelay $0x1  }
0xa1: {  	s23 =	simm.s32 $0x1B8B  }
0xa2: {  	_ =	swait.ge [sflag:s23], $0x1  }
0xa3: {  	[sflag:s23] =	ssyncset.done $0x0  }
0xa4: {  	s25 =	simm.s32 $0x1B8E;
	s24 =	sld [smem:$0x3FFE];
	[sflag:s23] =	ssyncadd.s32 $0xFFFFFFFF  }
0xa5: {  	s26 =	simm.s32 $execute0_lowered;
	[smem:$0x3FD2] =	sst s25  }
0xa6: {  	s5 =	sshll.u32 s26, $0x1;
	_ =	strace $0x80000049;
	[dreg:$0x1] =	wrdreg $0xFFFFFFFF  }
0xa7: {  	s28 =	simm.s32 $_size_execute0_lowered;
	s3 =	sadd.s32 s3, s5;
	[dreg:$0x0] =	wrdreg $0x0  }
0xa8: {  	s5 =	sshll.u32 s28, $0x1;
	[dreg:$0x2] =	wrdreg s3  }
0xa9: {  	[dreg:$0x3] =	wrdreg s5  }
0xaa: {  	[dreg:$0x4] =	wrdreg $0xC0  }
0xab: {  	_ =	task [dreg:s7], $0x5FFFF  }
0xac: {  	[dreg:$0x1] =	wrdreg $0xFFFFFFFF  }
0xad: {  	[dreg:$0x0] =	wrdreg $0x60  }
0xae: {  	[dreg:$0x2] =	wrdreg s2  }
0xaf: {  	[dreg:$0x3] =	wrdreg s24  }
0xb0: {  	[dreg:$0x4] =	wrdreg $0xBF000  }
0xb1: {  	[dreg:$0x5] =	wrdreg $0x9  }
0xb2: {  	_ =	task.clear_ibuf [dreg:s7], $0x6FFFF;
	_ =	strace $0x90000049  }
0xb3: {  	s29 =	simm.s32 $0x9;
	_ =	strace $0x8000004B  }
0xb4: {  	_ =	swait.ge [sflag:s29], $0x1  }
0xb5: {  	[sflag:s29] =	ssyncadd.s32 $0xFFFFFFFF  }
0xb6: {  	_ =	strace $0x9000004B  }
0xb7: {  	_ =	sfence  }
0xb8: {  	s30 =	sld [smem:$0x0];
	_ =	sdelay $0x2  }
0xb9: {  	s31 =	sshll.u32 s1, $0xD;
	s1 =	sshrl.u32 s1, $0x2  }
0xba: {  	s3 =	sand.u32 $0x4000, s31;
	s1 =	sadd.s32 s1, s30  }
0xbb: {  	s0 =	sor.u32 s3, s0;
	s1 =	sshll.u32 s1, $0x11  }
0xbc: {  	s0 =	sor.u32 s1, s0  }
0xbd: {  	s0 =	sadd.s32 $0x8F2B, s0  }
0xbe: {  	[sflag:s0] =	ssyncadd.remote.s32 $0x1  }
0xbf: {  	_ =	sfence.sel $0xFFFF  }
0xc0: {  	[dreg:$0x0] =	wrdreg $0xFFFFFFFF;
	(pc) =	sbr.abs _section_cstart, $3  }
0xc1: {  	[dreg:$0x1] =	wrdreg $0xFFFFFFFF  }
0xc2: {  	_ =	task.clear_ibuf [dreg:s7], $0x2FFFF;
	_ =	strace $0x9FFFFFFF  }
0xc3: {  	(tm) =	ssettm $0x7FFFFFFF  }
tec
execute0_lowered:
.L_overlay_start_1:
0x0: {  	(tag) =	ssettag $0x1  }
0x1: {  	s0 =	rddreg [dreg:$0x0]  }
0x2: {  	s1 =	rddreg [dreg:$0x1]  }
0x3: {  	s2 =	rddreg [dreg:$0x2];
	s5 =	simm.s32 $0x0  }
0x4: {  	s3 =	stileid.u32;
	s4 =	srdreg.scid;
	s14 =	simm.s32 $0x3  }
0x5: {  	s16 =	simm.s32 $0x80;
	s17 =	simm.s32 $0x4F00;
	s18 =	simm.s32 $0x5700  }
0x6: {  	s31 =	simm.s32 $0x8700;
	s19 =	simm.s32 $0x9700;
	s28 =	simm.s32 $0x2  }
0x7: {  	s29 =	simm.s32 $0x0;
	[smem:$0x7FF] =	sst s5;
	s20 =	smul.u32 $0x2710, s3  }
0x8: {  	s6 =	sand.u32 $0x1, s4;
	s4 =	sadd.s32 $0x1A00, s1;
	s23 =	sshll.u32 s3, $0x6  }
0x9: {  	s24 =	sshll.u32 s3, $0x4;
	_ =	strace $0x8000004A;
	s7 =	smul.u32 $0x27100, s6  }
0xa: {  	s9 =	sshll.u32 s6, $0x4;
	s6 =	ssub.s32 $0x2, s6;
	s8 =	sshrl.u32 s20, $0x3  }
0xb: {  	s9 =	sor.u32 s3, s9;
	s10 =	sshrl.u32 s6, $0x1;
	s5 =	sadd.s32 s20, s2  }
0xc: {  	s3 =	sor.u32 $0x1C03, s23;
	s23 =	simm.s32 $0x9F00;
	s7 =	sadd.s32 s20, s7  }
0xd: {  	s11 =	smul.u32 $0x2700, s9;
	s8 =	sadd.s32 s8, s1;
	s10 =	ssub.s32 s6, s10  }
0xe: {  	s5 =	sshrl.u32 s5, $0x3;
	s20 =	simm.s32 $0x5F00;
	[dreg:$0x6] =	wrdreg s3  }
0xf: {  	p0 =	sgt.u32 s9, $0x3;
	s21 =	sadd.s32 $0x6A00, s8;
	[dreg:$0xc] =	wrdreg s5  }
0x10: {  	s7 =	sshrl.u32 s7, $0x3;
	s30 =	smax.u32 s10, $0x1;
	[dreg:$0x4] =	wrdreg s21  }
0x11: {  	s1 =	sadd.s32 s7, s1;
	s22 =	sshrl.u32 s11, $0x3;
	[dreg:$0xb] =	wrdreg s30  }
0x12: {  	s21 =	simm.s32 $0x1;
	s6 =	sadd.s32 s0, s22;
	s0 =	sadd.s32 s24, s0  }
.Ltmp0:
0x13: {  	s26 =	sadd.s32 $0xBA00, s1;
	[dreg:$0x5] =	wrdreg s6;
	(pc) =	sbr.rel .LBB2_1-.Ltmp0, $4  }
0x14: {  	s22 =	simm.s32 $0x6700;
	s6 =	sadd.s32 $0x9C40, s6;
	[dreg:$0xa] =	wrdreg s26  }
0x15: {  	s1 =	simm.s32 $0x8F00;
	s25 =	sadd.s32 $0x9C00, s0;
	[dreg:$0x7] =	wrdreg s6  }
0x16: {  	s24 =	simm.s32 $0xA700;
	s0 =	sadd.s32 $0x13840, s0;
	[dreg:$0x8] =	wrdreg s25  }
0x17: {  	s26 =	simm.s32 $0x7700;
	[dreg:$0x9] =	wrdreg s0;
	s25 =	simm.s32 $0xAF00  }
.LBB2_4:
0x18: {  	_ =	swait.ge [sflag:s21], $0x800  }
0x19: {  	[sflag:s21] =	ssyncset.done $0x0  }
0x1a: {  	[sflag:s21] =	ssyncadd.s32 $0xFFFFF800  }
0x1b: {  	[spmem:s2] =	stream.indirect.scatter.add.f32 [tilespmem:s25], [sflag:$0x2], $0x10, s5, s16, $0xb8;
	[tilespmem:$0xE610] =	vst v63  }
0x1c: {  	_ =	swait.ge [sflag:s28], $0x800  }
0x1d: {  	[sflag:s28] =	ssyncset.done $0x0  }
0x1e: {  	[sflag:s28] =	ssyncadd.s32 $0xFFFFF800  }
0x1f: {  	_ =	swait.ge [sflag:s28], $0x800  }
0x20: {  	[sflag:s28] =	ssyncset.done $0x0  }
0x21: {  	[sflag:s28] =	ssyncadd.s32 $0xFFFFF800  }
0x22: {  	_ =	swait.ge [sflag:s28], $0x800  }
0x23: {  	[sflag:s28] =	ssyncset.done $0x0  }
0x24: {  	[sflag:s28] =	ssyncadd.s32 $0xFFFFF800  }
0x25: {  	_ =	swait.ge [sflag:s28], $0x800  }
0x26: {  	[sflag:s28] =	ssyncset.done $0x0  }
0x27: {  	[sflag:s28] =	ssyncadd.s32 $0xFFFFF800  }
0x28: {  	_ =	swait.ge [sflag:s28], $0x800  }
0x29: {  	[sflag:s28] =	ssyncset.done $0x0  }
0x2a: {  	[sflag:s28] =	ssyncadd.s32 $0xFFFFF800  }
0x2b: {  	_ =	swait.ge [sflag:s28], $0x800  }
0x2c: {  	[sflag:s28] =	ssyncset.done $0x0  }
0x2d: {  	[sflag:s28] =	ssyncadd.s32 $0xFFFFF800  }
0x2e: {  	_ =	swait.ge [sflag:s28], $0x800  }
0x2f: {  	[sflag:s28] =	ssyncset.done $0x0  }
0x30: {  	[sflag:s28] =	ssyncadd.s32 $0xFFFFF800  }
0x31: {  	_ =	swait.ge [sflag:s28], $0x800  }
0x32: {  	[sflag:s28] =	ssyncset.done $0x0  }
0x33: {  	[sflag:s28] =	ssyncadd.s32 $0xFFFFF800  }
0x34: {  	_ =	swait.ge [sflag:s28], $0x800  }
0x35: {  	[sflag:s28] =	ssyncset.done $0x0  }
0x36: {  	[sflag:s28] =	ssyncadd.s32 $0xFFFFF800  }
0x37: {  	_ =	swait.ge [sflag:s28], $0x800  }
0x38: {  	[sflag:s28] =	ssyncset.done $0x0  }
0x39: {  	[sflag:s28] =	ssyncadd.s32 $0xFFFFF800  }
0x3a: {  	_ =	swait.ge [sflag:s28], $0x800  }
0x3b: {  	[sflag:s28] =	ssyncset.done $0x0  }
0x3c: {  	[sflag:s28] =	ssyncadd.s32 $0xFFFFF800  }
0x3d: {  	_ =	swait.ge [sflag:s28], $0x800  }
0x3e: {  	[sflag:s28] =	ssyncset.done $0x0  }
0x3f: {  	[sflag:s28] =	ssyncadd.s32 $0xFFFFF800  }
0x40: {  	_ =	swait.ge [sflag:s28], $0x800  }
0x41: {  	s0 =	simm.s32 @!p0 $0x0;
	[sflag:s28] =	ssyncset.done $0x0  }
0x42: {  	s3 =	simm.s32 @!p0 $0x4E00;
	s5 =	rddreg [dreg:$0x8];
	[sflag:s28] =	ssyncadd.s32 $0xFFFFF800  }
0x43: {  	[tilespmem:s3], [sflag:$0x3] =	stream.linear.gather @!p0 [hbm4b:s5+s0], $0x80, $0x38;
	[tilespmem:$0xE610] =	vst v63  }
0x44: {  	s5 =	simm.s32 @!p0 $0x3  }
0x45: {  	_ =	swait.ge @!p0 [sflag:s5], $0x80  }
0x46: {  	[sflag:s5] =	ssyncset.done @!p0 $0x0  }
0x47: {  	s6 =	simm.s32 @!p0 $0x4E80;
	s7 =	rddreg [dreg:$0x9];
	[sflag:s5] =	ssyncadd.s32 @!p0 $0xFFFFFF80  }
0x48: {  	[tilespmem:s6], [sflag:$0x3] =	stream.linear.gather @!p0 [hbm4b:s7+s0], $0x80, $0x38;
	[tilespmem:$0xE610] =	vst v63  }
0x49: {  	_ =	swait.ge @!p0 [sflag:s5], $0x80  }
0x4a: {  	[sflag:s5] =	ssyncset.done @!p0 $0x0  }
0x4b: {  	s0 =	simm.s32 @!p0 $0x80;
	s7 =	simm.s32 @!p0 $0xB700;
	[sflag:s5] =	ssyncadd.s32 @!p0 $0xFFFFFF80  }
0x4c: {  	[tilespmem:s7], [sflag:$0x1] =	stream.indirect.gather @!p0 [hbm4b:s4+s0], $0x10, s3, s0, $0xb8;
	[tilespmem:$0xE610] =	vst v63  }
0x4d: {  	s3 =	simm.s32 @!p0 $0x1  }
0x4e: {  	_ =	swait.ge @!p0 [sflag:s3], $0x800  }
0x4f: {  	[sflag:s3] =	ssyncset.done @!p0 $0x0  }
0x50: {  	[sflag:s3] =	ssyncadd.s32 @!p0 $0xFFFFF800  }
0x51: {  	[spmem:s2] =	stream.indirect.scatter.add.f32 @!p0 [tilespmem:s7], [sflag:$0x3], $0x10, s6, s0, $0xb8;
	[tilespmem:$0xE610] =	vst v63  }
0x52: {  	_ =	swait.ge @!p0 [sflag:s5], $0x800  }
0x53: {  	[sflag:s5] =	ssyncset.done @!p0 $0x0  }
0x54: {  	[sflag:s5] =	ssyncadd.s32 @!p0 $0xFFFFF800  }
0x55: {  	[bflag:$0x0] =	sbarrier.arrive $0xFFFF  }
0x56: {  	s3 =	rddreg [dreg:$0x6]  }
0x57: {  	s15 =	rddreg [dreg:$0xa]  }
0x58: {  	s5 =	rddreg [dreg:$0xc]  }
0x59: {  	[hbm:s15], [sflag:s3] =	dma.local [spmem:s5], $0x4E2  }
0x5a: {  	_ =	swait.ge [sflag:s14], $0x4E2  }
0x5b: {  	s29 =	sadd.s32 $0x1, s29;
	s30 =	rddreg [dreg:$0xb]  }
0x5c: {  	p1 =	sne.s32 s29, s30  }
.Ltmp1:
0x5d: {  	_ = 	snop;
	(pc) =	sbr.rel @!p1 .LBB2_5-.Ltmp1, $3  }
0x5e: {  	_ =	sdelay $0x1  }
0x5f: {  	[sflag:s14] =	ssyncset.done $0x0  }
0x60: {  	[sflag:s14] =	ssyncadd.s32 $0xFFFFFB1E  }
.LBB2_1:
0x61: {  	s0 =	rddreg [dreg:$0x4]  }
0x62: {  	[spmem:s5], [sflag:s3] =	dma.local [hbm:s0], $0x4E2  }
0x63: {  	_ =	swait.ge [sflag:s14], $0x4E2  }
0x64: {  	[sflag:s14] =	ssyncset.done $0x0  }
0x65: {  	s11 =	simm.s32 $0x0;
	s12 =	rddreg [dreg:$0x5];
	[sflag:s14] =	ssyncadd.s32 $0xFFFFFB1E  }
0x66: {  	[tilespmem:s11], [sflag:$0x3] =	stream.linear.gather [hbm4b:s12+s11], $0x2700, $0x38;
	[tilespmem:$0xE610] =	vst v63  }
0x67: {  	_ =	swait.ge [sflag:s14], $0x2700  }
0x68: {  	[sflag:s14] =	ssyncset.done $0x0  }
0x69: {  	s15 =	simm.s32 $0x2700;
	s13 =	rddreg [dreg:$0x7];
	[sflag:s14] =	ssyncadd.s32 $0xFFFFD900  }
0x6a: {  	[tilespmem:s15], [sflag:$0x3] =	stream.linear.gather [hbm4b:s13+s11], $0x2700, $0x38;
	[tilespmem:$0xE610] =	vst v63  }
0x6b: {  	_ =	swait.ge [sflag:s14], $0x2700  }
0x6c: {  	[sflag:s14] =	ssyncset.done $0x0  }
0x6d: {  	[sflag:s14] =	ssyncadd.s32 $0xFFFFD900  }
0x6e: {  	[bflag:$0x0] =	sbarrier.arrive $0xFFFF  }
0x6f: {  	[tilespmem:s17], [sflag:$0x1] =	stream.indirect.gather [hbm4b:s4+s16], $0x10, s11, s16, $0xb8;
	[tilespmem:$0xE610] =	vst v63  }
0x70: {  	_ = 	snop  }
0x71: {  	[tilespmem:s18], [sflag:$0x1] =	stream.indirect.gather [hbm4b:s4+s16], $0x10, s16, s16, $0xb8;
	[tilespmem:$0xE610] =	vst v63  }
0x72: {  	s5 =	simm.s32 $0x100  }
0x73: {  	[tilespmem:s20], [sflag:$0x1] =	stream.indirect.gather [hbm4b:s4+s16], $0x10, s5, s16, $0xb8;
	[tilespmem:$0xE610] =	vst v63  }
0x74: {  	s6 =	simm.s32 $0x180  }
0x75: {  	[tilespmem:s22], [sflag:$0x1] =	stream.indirect.gather [hbm4b:s4+s16], $0x10, s6, s16, $0xb8;
	[tilespmem:$0xE610] =	vst v63  }
0x76: {  	s7 =	simm.s32 $0x200;
	s8 =	simm.s32 $0x6F00  }
0x77: {  	[tilespmem:s8], [sflag:$0x1] =	stream.indirect.gather [hbm4b:s4+s16], $0x10, s7, s16, $0xb8;
	[tilespmem:$0xE610] =	vst v63  }
0x78: {  	s9 =	simm.s32 $0x280  }
0x79: {  	[tilespmem:s26], [sflag:$0x1] =	stream.indirect.gather [hbm4b:s4+s16], $0x10, s9, s16, $0xb8;
	[tilespmem:$0xE610] =	vst v63  }
0x7a: {  	s10 =	simm.s32 $0x300;
	s11 =	simm.s32 $0x7F00  }
0x7b: {  	[tilespmem:s11], [sflag:$0x1] =	stream.indirect.gather [hbm4b:s4+s16], $0x10, s10, s16, $0xb8;
	[tilespmem:$0xE610] =	vst v63  }
0x7c: {  	s12 =	simm.s32 $0x380  }
0x7d: {  	[tilespmem:s31], [sflag:$0x1] =	stream.indirect.gather [hbm4b:s4+s16], $0x10, s12, s16, $0xb8;
	[tilespmem:$0xE610] =	vst v63  }
0x7e: {  	s13 =	simm.s32 $0x400  }
0x7f: {  	[tilespmem:s1], [sflag:$0x1] =	stream.indirect.gather [hbm4b:s4+s16], $0x10, s13, s16, $0xb8;
	[tilespmem:$0xE610] =	vst v63  }
0x80: {  	s30 =	simm.s32 $0x0;
	s15 =	simm.s32 $0x480  }
0x81: {  	[tilespmem:s19], [sflag:$0x1] =	stream.indirect.gather [hbm4b:s4+s16], $0x10, s15, s16, $0xb8;
	[tilespmem:$0xE610] =	vst v63  }
.LBB2_2:
0x82: {  	_ =	swait.ge [sflag:s21], $0x800  }
0x83: {  	s0 =	sshra.s32 s30, $0x2;
	[sflag:s21] =	ssyncset.done $0x0  }
0x84: {  	p1 =	seq.s32 s30, $0x0;
	s5 =	sadd.s32 $0x2700, s0;
	[sflag:s21] =	ssyncadd.s32 $0xFFFFF800  }
0x85: {  	[spmem:s2] =	stream.indirect.scatter.add.f32 [tilespmem:s17], [sflag:$0x2], $0x10, s5, s16, $0xb8;
	[tilespmem:$0xE610] =	vst v63  }
0x86: {  	s5 =	simm.s32 @!p1 $0x2  }
0x87: {  	_ =	swait.ge @!p1 [sflag:s5], $0x800  }
0x88: {  	[sflag:s5] =	ssyncset.done @!p1 $0x0  }
0x89: {  	s8 =	sadd.s32 $0x500, s0;
	[sflag:s5] =	ssyncadd.s32 @!p1 $0xFFFFF800  }
0x8a: {  	[tilespmem:s23], [sflag:$0x1] =	stream.indirect.gather [hbm4b:s4+s16], $0x10, s8, s16, $0xb8;
	[tilespmem:$0xE610] =	vst v63  }
0x8b: {  	_ =	swait.ge [sflag:s21], $0x800  }
0x8c: {  	[sflag:s21] =	ssyncset.done $0x0  }
0x8d: {  	s12 =	sadd.s32 $0x2780, s0;
	[sflag:s21] =	ssyncadd.s32 $0xFFFFF800  }
0x8e: {  	[spmem:s2] =	stream.indirect.scatter.add.f32 [tilespmem:s18], [sflag:$0x2], $0x10, s12, s16, $0xb8;
	[tilespmem:$0xE610] =	vst v63  }
0x8f: {  	_ =	swait.ge @!p1 [sflag:s5], $0x800  }
0x90: {  	[sflag:s5] =	ssyncset.done @!p1 $0x0  }
0x91: {  	s13 =	sadd.s32 $0x580, s0;
	[sflag:s5] =	ssyncadd.s32 @!p1 $0xFFFFF800  }
0x92: {  	[tilespmem:s24], [sflag:$0x1] =	stream.indirect.gather [hbm4b:s4+s16], $0x10, s13, s16, $0xb8;
	[tilespmem:$0xE610] =	vst v63  }
0x93: {  	_ =	swait.ge [sflag:s21], $0x800  }
0x94: {  	[sflag:s21] =	ssyncset.done $0x0  }
0x95: {  	s15 =	sadd.s32 $0x2800, s0;
	[sflag:s21] =	ssyncadd.s32 $0xFFFFF800  }
0x96: {  	[spmem:s2] =	stream.indirect.scatter.add.f32 [tilespmem:s20], [sflag:$0x2], $0x10, s15, s16, $0xb8;
	[tilespmem:$0xE610] =	vst v63  }
0x97: {  	_ =	swait.ge @!p1 [sflag:s5], $0x800  }
0x98: {  	[sflag:s5] =	ssyncset.done @!p1 $0x0  }
0x99: {  	s3 =	sadd.s32 $0x600, s0;
	[sflag:s5] =	ssyncadd.s32 @!p1 $0xFFFFF800  }
0x9a: {  	[tilespmem:s25], [sflag:$0x1] =	stream.indirect.gather [hbm4b:s4+s16], $0x10, s3, s16, $0xb8;
	[tilespmem:$0xE610] =	vst v63  }
0x9b: {  	_ =	swait.ge [sflag:s21], $0x800  }
0x9c: {  	p1 =	seq.s32 s30, $0x8200;
	[sflag:s21] =	ssyncset.done $0x0  }
0x9d: {  	s6 =	sadd.s32 $0x2880, s0;
	s9 =	simm.s32 @p1 $0x1;
	[sflag:s21] =	ssyncadd.s32 $0xFFFFF800  }
0x9e: {  	[spmem:s2] =	stream.indirect.scatter.add.f32 [tilespmem:s22], [sflag:$0x2], $0x10, s6, s16, $0xb8;
	[tilespmem:$0xE610] =	vst v63  }
0x9f: {  	s10 =	sshra.s32 @p1 s30, $0x2;
	_ =	swait.ge @p1 [sflag:s9], $0x800  }
0xa0: {  	s11 =	simm.s32 @p1 $0x80;
	s8 =	simm.s32 @p1 $0x6F00;
	[sflag:s9] =	ssyncset.done @p1 $0x0  }
0xa1: {  	s15 =	simm.s32 @!p1 $0x2;
	s5 =	sadd.s32 @p1 $0x2900, s10;
	[sflag:s9] =	ssyncadd.s32 @p1 $0xFFFFF800  }
0xa2: {  	[spmem:s2] =	stream.indirect.scatter.add.f32 @p1 [tilespmem:s8], [sflag:$0x2], $0x10, s5, s11, $0xb8;
	[tilespmem:$0xE610] =	vst v63  }
0xa3: {  	_ =	swait.ge @!p1 [sflag:s15], $0x800  }
0xa4: {  	s6 =	simm.s32 @!p1 $0x4F00;
	s5 =	sshra.s32 @!p1 s30, $0x2;
	[sflag:s15] =	ssyncset.done @!p1 $0x0  }
0xa5: {  	s8 =	simm.s32 @!p1 $0x80;
	s12 =	sadd.s32 @!p1 $0x680, s5;
	[sflag:s15] =	ssyncadd.s32 @!p1 $0xFFFFF800  }
0xa6: {  	[tilespmem:s6], [sflag:$0x1] =	stream.indirect.gather @!p1 [hbm4b:s4+s8], $0x10, s12, s8, $0xb8;
	[tilespmem:$0xE610] =	vst v63  }
0xa7: {  	s12 =	simm.s32 @!p1 $0x1  }
0xa8: {  	_ =	swait.ge @!p1 [sflag:s12], $0x800  }
0xa9: {  	[sflag:s12] =	ssyncset.done @!p1 $0x0  }
0xaa: {  	s3 =	simm.s32 @!p1 $0x6F00;
	s6 =	sadd.s32 @!p1 $0x2900, s5;
	[sflag:s12] =	ssyncadd.s32 @!p1 $0xFFFFF800  }
0xab: {  	[spmem:s2] =	stream.indirect.scatter.add.f32 @!p1 [tilespmem:s3], [sflag:$0x2], $0x10, s6, s8, $0xb8;
	[tilespmem:$0xE610] =	vst v63  }
0xac: {  	_ =	swait.ge @!p1 [sflag:s15], $0x800  }
0xad: {  	[sflag:s15] =	ssyncset.done @!p1 $0x0  }
0xae: {  	s7 =	simm.s32 @!p1 $0x5700;
	s6 =	sadd.s32 @!p1 $0x700, s5;
	[sflag:s15] =	ssyncadd.s32 @!p1 $0xFFFFF800  }
0xaf: {  	[tilespmem:s7], [sflag:$0x1] =	stream.indirect.gather @!p1 [hbm4b:s4+s8], $0x10, s6, s8, $0xb8;
	[tilespmem:$0xE610] =	vst v63  }
0xb0: {  	_ =	swait.ge [sflag:s21], $0x800  }
0xb1: {  	[sflag:s21] =	ssyncset.done $0x0  }
0xb2: {  	s7 =	sadd.s32 $0x2980, s0;
	[sflag:s21] =	ssyncadd.s32 $0xFFFFF800  }
0xb3: {  	[spmem:s2] =	stream.indirect.scatter.add.f32 [tilespmem:s26], [sflag:$0x2], $0x10, s7, s16, $0xb8;
	[tilespmem:$0xE610] =	vst v63  }
0xb4: {  	_ =	swait.ge @p1 [sflag:s9], $0x800  }
0xb5: {  	[sflag:s9] =	ssyncset.done @p1 $0x0  }
0xb6: {  	s6 =	sadd.s32 @p1 $0x2A00, s10;
	s7 =	simm.s32 @p1 $0x7F00;
	[sflag:s9] =	ssyncadd.s32 @p1 $0xFFFFF800  }
0xb7: {  	[spmem:s2] =	stream.indirect.scatter.add.f32 @p1 [tilespmem:s7], [sflag:$0x2], $0x10, s6, s11, $0xb8;
	[tilespmem:$0xE610] =	vst v63  }
0xb8: {  	_ =	swait.ge @!p1 [sflag:s15], $0x800  }
0xb9: {  	[sflag:s15] =	ssyncset.done @!p1 $0x0  }
0xba: {  	s6 =	sadd.s32 @!p1 $0x780, s5;
	s7 =	simm.s32 @!p1 $0x5F00;
	[sflag:s15] =	ssyncadd.s32 @!p1 $0xFFFFF800  }
0xbb: {  	[tilespmem:s7], [sflag:$0x1] =	stream.indirect.gather @!p1 [hbm4b:s4+s8], $0x10, s6, s8, $0xb8;
	[tilespmem:$0xE610] =	vst v63  }
0xbc: {  	_ =	swait.ge @!p1 [sflag:s12], $0x800  }
0xbd: {  	[sflag:s12] =	ssyncset.done @!p1 $0x0  }
0xbe: {  	s6 =	sadd.s32 @!p1 $0x2A00, s5;
	s7 =	simm.s32 @!p1 $0x7F00;
	[sflag:s12] =	ssyncadd.s32 @!p1 $0xFFFFF800  }
0xbf: {  	[spmem:s2] =	stream.indirect.scatter.add.f32 @!p1 [tilespmem:s7], [sflag:$0x2], $0x10, s6, s8, $0xb8;
	[tilespmem:$0xE610] =	vst v63  }
0xc0: {  	_ =	swait.ge @!p1 [sflag:s15], $0x800  }
0xc1: {  	[sflag:s15] =	ssyncset.done @!p1 $0x0  }
0xc2: {  	s13 =	simm.s32 @!p1 $0x6700;
	s6 =	sadd.s32 @!p1 $0x800, s5;
	[sflag:s15] =	ssyncadd.s32 @!p1 $0xFFFFF800  }
0xc3: {  	[tilespmem:s13], [sflag:$0x1] =	stream.indirect.gather @!p1 [hbm4b:s4+s8], $0x10, s6, s8, $0xb8;
	[tilespmem:$0xE610] =	vst v63  }
0xc4: {  	_ =	swait.ge [sflag:s21], $0x800  }
0xc5: {  	[sflag:s21] =	ssyncset.done $0x0  }
0xc6: {  	s13 =	sadd.s32 $0x2A80, s0;
	[sflag:s21] =	ssyncadd.s32 $0xFFFFF800  }
0xc7: {  	[spmem:s2] =	stream.indirect.scatter.add.f32 [tilespmem:s31], [sflag:$0x2], $0x10, s13, s16, $0xb8;
	[tilespmem:$0xE610] =	vst v63  }
0xc8: {  	_ =	swait.ge @p1 [sflag:s9], $0x800  }
0xc9: {  	[sflag:s9] =	ssyncset.done @p1 $0x0  }
0xca: {  	s6 =	sadd.s32 @p1 $0x2B00, s10;
	s13 =	simm.s32 @p1 $0x8F00;
	[sflag:s9] =	ssyncadd.s32 @p1 $0xFFFFF800  }
0xcb: {  	[spmem:s2] =	stream.indirect.scatter.add.f32 @p1 [tilespmem:s13], [sflag:$0x2], $0x10, s6, s11, $0xb8;
	[tilespmem:$0xE610] =	vst v63  }
0xcc: {  	_ =	swait.ge @!p1 [sflag:s15], $0x800  }
0xcd: {  	[sflag:s15] =	ssyncset.done @!p1 $0x0  }
0xce: {  	s6 =	sadd.s32 @!p1 $0x880, s5;
	[sflag:s15] =	ssyncadd.s32 @!p1 $0xFFFFF800  }
0xcf: {  	[tilespmem:s3], [sflag:$0x1] =	stream.indirect.gather @!p1 [hbm4b:s4+s8], $0x10, s6, s8, $0xb8;
	[tilespmem:$0xE610] =	vst v63  }
0xd0: {  	_ =	swait.ge @!p1 [sflag:s12], $0x800  }
0xd1: {  	[sflag:s12] =	ssyncset.done @!p1 $0x0  }
0xd2: {  	s3 =	sadd.s32 @!p1 $0x2B00, s5;
	s6 =	simm.s32 @!p1 $0x8F00;
	[sflag:s12] =	ssyncadd.s32 @!p1 $0xFFFFF800  }
0xd3: {  	[spmem:s2] =	stream.indirect.scatter.add.f32 @!p1 [tilespmem:s6], [sflag:$0x2], $0x10, s3, s8, $0xb8;
	[tilespmem:$0xE610] =	vst v63  }
0xd4: {  	_ =	swait.ge @!p1 [sflag:s15], $0x800  }
0xd5: {  	[sflag:s15] =	ssyncset.done @!p1 $0x0  }
0xd6: {  	s3 =	sadd.s32 @!p1 $0x900, s5;
	s6 =	simm.s32 @!p1 $0x7700;
	[sflag:s15] =	ssyncadd.s32 @!p1 $0xFFFFF800  }
0xd7: {  	[tilespmem:s6], [sflag:$0x1] =	stream.indirect.gather @!p1 [hbm4b:s4+s8], $0x10, s3, s8, $0xb8;
	[tilespmem:$0xE610] =	vst v63  }
0xd8: {  	_ =	swait.ge [sflag:s21], $0x800  }
0xd9: {  	[sflag:s21] =	ssyncset.done $0x0  }
0xda: {  	s13 =	sadd.s32 $0x2B80, s0;
	[sflag:s21] =	ssyncadd.s32 $0xFFFFF800  }
0xdb: {  	[spmem:s2] =	stream.indirect.scatter.add.f32 [tilespmem:s19], [sflag:$0x2], $0x10, s13, s16, $0xb8;
	[tilespmem:$0xE610] =	vst v63  }
0xdc: {  	_ =	swait.ge @p1 [sflag:s9], $0x800  }
0xdd: {  	[sflag:s9] =	ssyncset.done @p1 $0x0  }
0xde: {  	s3 =	sadd.s32 @p1 $0x2C00, s10;
	s6 =	simm.s32 @p1 $0x9F00;
	[sflag:s9] =	ssyncadd.s32 @p1 $0xFFFFF800  }
0xdf: {  	[spmem:s2] =	stream.indirect.scatter.add.f32 @p1 [tilespmem:s6], [sflag:$0x2], $0x10, s3, s11, $0xb8;
	[tilespmem:$0xE610] =	vst v63  }
0xe0: {  	_ =	swait.ge @!p1 [sflag:s15], $0x800  }
0xe1: {  	[sflag:s15] =	ssyncset.done @!p1 $0x0  }
0xe2: {  	s3 =	sadd.s32 @!p1 $0x980, s5;
	[sflag:s15] =	ssyncadd.s32 @!p1 $0xFFFFF800  }
0xe3: {  	[tilespmem:s7], [sflag:$0x1] =	stream.indirect.gather @!p1 [hbm4b:s4+s8], $0x10, s3, s8, $0xb8;
	[tilespmem:$0xE610] =	vst v63  }
0xe4: {  	_ =	swait.ge @!p1 [sflag:s12], $0x800  }
0xe5: {  	[sflag:s12] =	ssyncset.done @!p1 $0x0  }
0xe6: {  	s6 =	simm.s32 @!p1 $0x9F00;
	s3 =	sadd.s32 @!p1 $0x2C00, s5;
	[sflag:s12] =	ssyncadd.s32 @!p1 $0xFFFFF800  }
0xe7: {  	[spmem:s2] =	stream.indirect.scatter.add.f32 @!p1 [tilespmem:s6], [sflag:$0x2], $0x10, s3, s8, $0xb8;
	[tilespmem:$0xE610] =	vst v63  }
0xe8: {  	_ =	swait.ge @!p1 [sflag:s15], $0x800  }
0xe9: {  	[sflag:s15] =	ssyncset.done @!p1 $0x0  }
0xea: {  	s3 =	sadd.s32 @!p1 $0xA00, s5;
	s5 =	simm.s32 @!p1 $0x8700;
	[sflag:s15] =	ssyncadd.s32 @!p1 $0xFFFFF800  }
0xeb: {  	[tilespmem:s5], [sflag:$0x1] =	stream.indirect.gather @!p1 [hbm4b:s4+s8], $0x10, s3, s8, $0xb8;
	[tilespmem:$0xE610] =	vst v63  }
.Ltmp2:
0xec: {  	_ = 	snop;
	(pc) =	sbr.rel @p1 .LBB2_4-.Ltmp2, $4  }
0xed: {  	_ =	swait.ge [sflag:s21], $0x800  }
0xee: {  	[sflag:s21] =	ssyncset.done $0x0  }
0xef: {  	s15 =	sadd.s32 $0x2C80, s0;
	s5 =	sadd.s32 $0x2D00, s0;
	[sflag:s21] =	ssyncadd.s32 $0xFFFFF800  }
0xf0: {  	[spmem:s2] =	stream.indirect.scatter.add.f32 [tilespmem:s24], [sflag:$0x2], $0x10, s15, s16, $0xb8;
	[tilespmem:$0xE610] =	vst v63  }
0xf1: {  	_ =	swait.ge [sflag:s28], $0x800  }
0xf2: {  	[sflag:s28] =	ssyncset.done $0x0  }
0xf3: {  	s3 =	sadd.s32 $0xA80, s0;
	[sflag:s28] =	ssyncadd.s32 $0xFFFFF800  }
0xf4: {  	[tilespmem:s1], [sflag:$0x1] =	stream.indirect.gather [hbm4b:s4+s16], $0x10, s3, s16, $0xb8;
	[tilespmem:$0xE610] =	vst v63  }
0xf5: {  	_ =	swait.ge [sflag:s21], $0x800  }
0xf6: {  	[sflag:s21] =	ssyncset.done $0x0  }
0xf7: {  	[sflag:s21] =	ssyncadd.s32 $0xFFFFF800  }
0xf8: {  	[spmem:s2] =	stream.indirect.scatter.add.f32 [tilespmem:s25], [sflag:$0x2], $0x10, s5, s16, $0xb8;
	[tilespmem:$0xE610] =	vst v63  }
.Ltmp3:
0xf9: {  	_ = 	snop;
	(pc) =	sbr.rel .LBB2_2-.Ltmp3, $4  }
0xfa: {  	_ =	swait.ge [sflag:s28], $0x800  }
0xfb: {  	[sflag:s28] =	ssyncset.done $0x0  }
0xfc: {  	s15 =	sadd.s32 $0xB00, s0;
	s30 =	sadd.s32 $0x1A00, s30;
	[sflag:s28] =	ssyncadd.s32 $0xFFFFF800  }
0xfd: {  	[tilespmem:s19], [sflag:$0x1] =	stream.indirect.gather [hbm4b:s4+s16], $0x10, s15, s16, $0xb8;
	[tilespmem:$0xE610] =	vst v63  }
.LBB2_5:
0xfe: {  	_ =	sfence.sel $0x180000  }
0xff: {  	[bflag:$0x0] =	sbarrier.arrive $0xFFFF  }
0x100: {  	_ =	strace $0x9000004A  }
0x101: {  	s0 =	stileid.u32;
	[bflag:$0x2] =	sbarrier.arrive $0xFFFF  }
0x102: {  	p0 =	sne.s32 s0, $0x0;
	s0 =	rddreg [dreg:$0x3]  }
0x103: {  	s0 =	sadd.s32 @!p0 $0x100000, s0  }
0x104: {  	[sflag:s0] =	ssyncadd.tile.s32 @!p0 $0x1;
	_ =	shalt  }
.Lfunc_end2:
_tile_overlayer_lowered:
.L_overlay_start_2:
0x105: {  	(tag) =	ssettag $0x2  }
0x106: {  	s0 =	rddreg [dreg:$0x0];
	s2 =	stileid.u32  }
0x107: {  	s1 =	rddreg [dreg:$0x1];
	p0 =	sne.s32 s2, $0x0  }
0x108: {  	s3 =	rddreg [dreg:$0x2];
	[bflag:$0x3] =	sbarrier.arrive $0xFFFF;
	s2 =	simm.s32 @!p0 $0x1C03  }
0x109: {  	[timem:s3], [sflag:s2] =	dma.local @!p0 [hbm:s0], s1  }
0x10a: {  	s0 =	simm.s32 @!p0 $0x3  }
0x10b: {  	_ =	swait.ge @!p0 [sflag:s0], s1  }
0x10c: {  	s1 =	ssub.s32 @!p0 $0x0, s1;
	[sflag:s0] =	ssyncset.done @!p0 $0x0  }
0x10d: {  	[sflag:s0] =	ssyncadd.s32 @!p0 s1  }
0x10e: {  	[bflag:$0x3] =	sbarrier.arrive $0xFFFF  }
0x10f: {  	_ =	shalt  }

// kernel: kernel.7.cloned.1.call-start
scs
__scs_entry_jumppad:
0x0: {  	(pc) =	sbr.rel $0x88, $3  }
0x1: {  	(tag) =	ssettag $0x0;
	lr =	simm.s32 $0x1  }
0x2: {  	[smem:$0x3F9B] =	sst lr;
	_ =	strace $0xD0000000  }
0x3: {  	_ = 	snop  }
0x4: {  	_ = 	snop  }
0x5: {  	_ = 	snop  }
0x6: {  	_ = 	snop  }
0x7: {  	_ = 	snop  }
__scs_overlays_trampoline_lowered:
0x8: {  	[smem:$0x3FAA] =	sst s0  }
0x9: {  	[smem:$0x3FAB] =	sst s1  }
0xa: {  	[smem:$0x3FAC] =	sst s2  }
0xb: {  	[smem:$0x3FAD] =	sst s3  }
0xc: {  	[smem:$0x3FAE] =	sst s4  }
0xd: {  	[smem:$0x3FAF] =	sst s5  }
0xe: {  	[smem:$0x3FB0] =	sst s6  }
0xf: {  	[smem:$0x3FB1] =	sst s7  }
0x10: {  	[smem:$0x3FB2] =	sst s8  }
0x11: {  	[smem:$0x3FB3] =	sst s9;
	s0 =	simm.s32 @!p0 $0x0  }
0x12: {  	s1 =	sld [smem:$0x3F99];
	s0 =	simm.s32 @p0 $0x1  }
0x13: {  	[smem:$0x3FB4] =	sst s0;
	s0 =	simm.s32 @!p1 $0x0  }
0x14: {  	s2 =	sld [smem:$0x3F98];
	s0 =	simm.s32 @p1 $0x1  }
0x15: {  	[smem:$0x3FB5] =	sst s0;
	s0 =	simm.s32 @!p2 $0x0  }
0x16: {  	s3 =	sld [smem:$0x3FDB];
	s0 =	simm.s32 @p2 $0x1  }
0x17: {  	s4 =	simm.s32 $0x1BF5;
	[smem:$0x3FB7] =	sst s0  }
0x18: {  	s0 =	sld [smem:$0x3F9A];
	_ =	swait.ge [sflag:s4], $0x0  }
0x19: {  	s7 =	sld [smem:$0x3F9B]  }
0x1a: {  	s8 =	sadd.s32 $0xFFFFE003, lr  }
0x1b: {  	s9 =	sadd.s32 $0xFFFFFEF7, lr;
	s5 =	simm.s32 $0xFFFFFFFF;
	p2 =	slt.u32 s8, $0xFFFFF086  }
0x1c: {  	p1 =	slt.u32 s9, $0xF7A;
	s5 =	simm.s32 @!p2 $0x0  }
0x1d: {  	s5 =	simm.s32 @p1 $0x1;
	p0 =	seq.s32 s7, s2  }
0x1e: {  	s7 =	smul.u32 @!p0 $0xF7A, s2;
	p2 =	seq.s32 @!p0 s5, $0x0  }
0x1f: {  	s9 =	smul.u32 $0xF7A, s1;
	s8 =	simm.s32 @!p0 $0x1BF5;
	p2 =	por !p2, p0  }
0x20: {  	[sflag:s8] =	ssyncset.s32 @!p0 $0xFFFFF086;
	s6 =	sadd.s32 @!p0 s3, s7;
	s7 =	simm.s32 @!p0 $0x108  }
0x21: {  	s3 =	sadd.s32 s3, s9;
	s6 =	sadd.s32 @!p0 $0x88, s6;
	s7 =	simm.s32 @p2 $0x1082  }
0x22: {  	[simem:s7], [sflag:s8] =	dma.local @!p0 [hbm:s6], $0xF7A  }
0x23: {  	s9 =	sor.u32 $0xD0000000, s2;
	s6 =	simm.s32 $0x108;
	_ =	swait.ge @!p0 [sflag:s8], $0x0  }
0x24: {  	s3 =	sadd.s32 $0x88, s3;
	s6 =	simm.s32 @!p1 $0x1082;
	[sflag:s4] =	ssyncset.s32 $0xFFFFF086  }
0x25: {  	[simem:s6], [sflag:s4] =	dma.local [hbm:s3], $0xF7A  }
0x26: {  	[smem:$0x3F9B] =	sst s1;
	(tag) =	ssettag s2;
	_ =	strace s9  }
0x27: {  	s1 =	sld [smem:$0x3FAB]  }
0x28: {  	s2 =	sld [smem:$0x3FAC]  }
0x29: {  	s4 =	sld [smem:$0x3FAE]  }
0x2a: {  	p0 =	seq.s32 s5, $0x0;
	s5 =	sld [smem:$0x3FAF]  }
0x2b: {  	s6 =	sld [smem:$0x3FB0]  }
0x2c: {  	s7 =	sld [smem:$0x3FB1]  }
0x2d: {  	s3 =	simm.s32 $0x108;
	s8 =	sld [smem:$0x3FB2]  }
0x2e: {  	s3 =	simm.s32 @!p0 $0x1082;
	s9 =	sld [smem:$0x3FB3]  }
0x2f: {  	lr =	sadd.s32 s0, s3;
	s0 =	sld [smem:$0x3FAA]  }
0x30: {  	s3 =	sld [smem:$0x3FAD]  }
0x31: {  	[smem:$0x3FB6] =	sst s10  }
0x32: {  	s10 =	sld [smem:$0x3FB4];
	_ =	sdelay $0x3  }
0x33: {  	p0 =	seq.s32 s10, $0x1;
	s10 =	sld [smem:$0x3FB6];
	_ =	sdelay $0x3  }
0x34: {  	[smem:$0x3FB6] =	sst s10  }
0x35: {  	s10 =	sld [smem:$0x3FB5];
	_ =	sdelay $0x3  }
0x36: {  	p1 =	seq.s32 s10, $0x1;
	s10 =	sld [smem:$0x3FB6];
	_ =	sdelay $0x3  }
0x37: {  	[smem:$0x3FB6] =	sst s10  }
0x38: {  	s10 =	sld [smem:$0x3FB7]  }
0x39: {  	_ = 	snop;
	(pc) =	sbr.ind lr, $3  }
0x3a: {  	_ = 	snop  }
0x3b: {  	_ = 	snop  }
0x3c: {  	p2 =	seq.s32 s10, $0x1;
	s10 =	sld [smem:$0x3FB6]  }
0x3d: {  	_ =	shalt  }
0x3e: {  	_ =	shalt  }
0x3f: {  	_ =	shalt  }
0x40: {  	_ =	shalt  }
0x41: {  	_ =	shalt  }
0x42: {  	_ =	shalt  }
0x43: {  	_ =	shalt  }
0x44: {  	_ =	shalt  }
0x45: {  	_ =	shalt  }
0x46: {  	_ =	shalt  }
0x47: {  	_ =	shalt  }
0x48: {  	_ =	shalt  }
0x49: {  	_ =	shalt  }
0x4a: {  	_ =	shalt  }
0x4b: {  	_ =	shalt  }
0x4c: {  	_ =	shalt  }
0x4d: {  	_ =	shalt  }
0x4e: {  	_ =	shalt  }
0x4f: {  	_ =	shalt  }
0x50: {  	_ =	shalt  }
0x51: {  	_ =	shalt  }
0x52: {  	_ =	shalt  }
0x53: {  	_ =	shalt  }
0x54: {  	_ =	shalt  }
0x55: {  	_ =	shalt  }
0x56: {  	_ =	shalt  }
0x57: {  	_ =	shalt  }
0x58: {  	_ =	shalt  }
0x59: {  	_ =	shalt  }
0x5a: {  	_ =	shalt  }
0x5b: {  	_ =	shalt  }
0x5c: {  	_ =	shalt  }
0x5d: {  	_ =	shalt  }
0x5e: {  	_ =	shalt  }
0x5f: {  	_ =	shalt  }
0x60: {  	_ =	shalt  }
0x61: {  	_ =	shalt  }
0x62: {  	_ =	shalt  }
0x63: {  	_ =	shalt  }
0x64: {  	_ =	shalt  }
0x65: {  	_ =	shalt  }
0x66: {  	_ =	shalt  }
0x67: {  	_ =	shalt  }
0x68: {  	_ =	shalt  }
0x69: {  	_ =	shalt  }
0x6a: {  	_ =	shalt  }
0x6b: {  	_ =	shalt  }
0x6c: {  	_ =	shalt  }
0x6d: {  	_ =	shalt  }
0x6e: {  	_ =	shalt  }
0x6f: {  	_ =	shalt  }
0x70: {  	_ =	shalt  }
0x71: {  	_ =	shalt  }
0x72: {  	_ =	shalt  }
0x73: {  	_ =	shalt  }
0x74: {  	_ =	shalt  }
0x75: {  	_ =	shalt  }
0x76: {  	_ =	shalt  }
0x77: {  	_ =	shalt  }
0x78: {  	_ =	shalt  }
0x79: {  	_ =	shalt  }
0x7a: {  	_ =	shalt  }
0x7b: {  	_ =	shalt  }
0x7c: {  	_ =	shalt  }
0x7d: {  	_ =	shalt  }
0x7e: {  	_ =	shalt  }
0x7f: {  	_ =	shalt  }
0x80: {  	_ =	shalt  }
0x81: {  	_ =	shalt  }
0x82: {  	_ =	shalt  }
0x83: {  	_ =	shalt  }
0x84: {  	_ =	shalt  }
0x85: {  	_ =	shalt  }
0x86: {  	_ =	shalt  }
0x87: {  	_ =	shalt  }
.Lfunc_end0:
.L_simem_size_0:
called_computation_lowered:
.L_overlay_start_0:
0x88: {  	s2 =	sld [smem:$0x3FD9]  }
0x89: {  	s3 =	sld [smem:$0x3FFE];
	_ =	sdelay $0x1  }
0x8a: {  	s1 =	srdreg.scid  }
0x8b: {  	s0 =	sand.u32 $0x1, s1  }
0x8c: {  	s17 =	sshll.u32 s0, $0xA;
	s2 =	sadd.s32 s3, s2  }
0x8d: {  	s2 =	sadd.s32 s2, s17  }
0x8e: {  	[smem:$0x3FC2] =	sst s2  }
0x8f: {  	_ = 	snop  }
0x90: {  	s2 =	sld [smem:$0x3FD0];
	(tm) =	ssettm $0x1  }
0x91: {  	s18 =	sld [smem:$0x3FFB];
	_ =	sdelay $0x3  }
0x92: {  	_ =	strace s18  }
0x93: {  	s3 =	sld [smem:$0x3FFC];
	_ =	sdelay $0x3  }
0x94: {  	_ =	strace s3  }
0x95: {  	s3 =	sld [smem:$0x3FFD];
	_ =	sdelay $0x3  }
0x96: {  	_ =	strace s3  }
0x97: {  	_ =	strace $0x8FFFFFFF  }
0x98: {  	s19 =	sld [smem:$0x3FDB];
	_ =	sdelay $0x1  }
0x99: {  	s4 =	simm.s32 $_scs_section_size  }
0x9a: {  	s5 =	simm.s32 $_size__tile_overlayer_lowered;
	s6 =	simm.s32 $_tile_overlayer_lowered  }
0x9b: {  	s22 =	simm.s32 $0x1BFF;
	s21 =	sshll.u32 s6, $0x1;
	s3 =	sadd.s32 s4, s19  }
0x9c: {  	s7 =	simm.s32 $0x0;
	s20 =	sshll.u32 s5, $0x1;
	s5 =	sadd.s32 s21, s3  }
0x9d: {  	[timem:s7], [sflag:s22] =	dma.local [hbm:s5], s20  }
0x9e: {  	_ =	swait.ge [sflag:s22], s20  }
0x9f: {  	s4 =	ssub.s32 $0x0, s20;
	[sflag:s22] =	ssyncset.done $0x0  }
0xa0: {  	[sflag:s22] =	ssyncadd.s32 s4;
	_ =	sdelay $0x1  }
0xa1: {  	s23 =	simm.s32 $0x1B8B  }
0xa2: {  	_ =	swait.ge [sflag:s23], $0x1  }
0xa3: {  	[sflag:s23] =	ssyncset.done $0x0  }
0xa4: {  	s25 =	simm.s32 $0x1B8E;
	s24 =	sld [smem:$0x3FFE];
	[sflag:s23] =	ssyncadd.s32 $0xFFFFFFFF  }
0xa5: {  	s26 =	simm.s32 $execute0_lowered;
	[smem:$0x3FD2] =	sst s25  }
0xa6: {  	s5 =	sshll.u32 s26, $0x1;
	_ =	strace $0x80000046;
	[dreg:$0x1] =	wrdreg $0xFFFFFFFF  }
0xa7: {  	s28 =	simm.s32 $_size_execute0_lowered;
	s3 =	sadd.s32 s3, s5;
	[dreg:$0x0] =	wrdreg $0x0  }
0xa8: {  	s5 =	sshll.u32 s28, $0x1;
	[dreg:$0x2] =	wrdreg s3  }
0xa9: {  	[dreg:$0x3] =	wrdreg s5  }
0xaa: {  	[dreg:$0x4] =	wrdreg $0xC0  }
0xab: {  	_ =	task [dreg:s7], $0x5FFFF  }
0xac: {  	[dreg:$0x1] =	wrdreg $0xFFFFFFFF  }
0xad: {  	[dreg:$0x0] =	wrdreg $0x60  }
0xae: {  	[dreg:$0x2] =	wrdreg s2  }
0xaf: {  	[dreg:$0x3] =	wrdreg s24  }
0xb0: {  	[dreg:$0x4] =	wrdreg $0x9  }
0xb1: {  	_ =	task.clear_ibuf [dreg:s7], $0x5FFFF;
	_ =	strace $0x90000046  }
0xb2: {  	s29 =	simm.s32 $0x9;
	_ =	strace $0x80000048  }
0xb3: {  	_ =	swait.ge [sflag:s29], $0x1  }
0xb4: {  	[sflag:s29] =	ssyncadd.s32 $0xFFFFFFFF  }
0xb5: {  	_ =	strace $0x90000048  }
0xb6: {  	_ =	sfence  }
0xb7: {  	s30 =	sld [smem:$0x0];
	_ =	sdelay $0x2  }
0xb8: {  	s31 =	sshll.u32 s1, $0xD;
	s1 =	sshrl.u32 s1, $0x2  }
0xb9: {  	s3 =	sand.u32 $0x4000, s31;
	s1 =	sadd.s32 s1, s30  }
0xba: {  	s0 =	sor.u32 s3, s0;
	s1 =	sshll.u32 s1, $0x11  }
0xbb: {  	s0 =	sor.u32 s1, s0  }
0xbc: {  	s0 =	sadd.s32 $0x8F2B, s0  }
0xbd: {  	[sflag:s0] =	ssyncadd.remote.s32 $0x1  }
0xbe: {  	_ =	sfence.sel $0xFFFF  }
0xbf: {  	[dreg:$0x0] =	wrdreg $0xFFFFFFFF;
	(pc) =	sbr.abs _section_cstart, $3  }
0xc0: {  	[dreg:$0x1] =	wrdreg $0xFFFFFFFF  }
0xc1: {  	_ =	task.clear_ibuf [dreg:s7], $0x2FFFF;
	_ =	strace $0x9FFFFFFF  }
0xc2: {  	(tm) =	ssettm $0x7FFFFFFF  }
0xc3: {  	_ =	shalt  }
tec
execute0_lowered:
.L_overlay_start_1:
0x0: {  	(tag) =	ssettag $0x1  }
0x1: {  	s0 =	srdreg.scid;
	s4 =	rddreg [dreg:$0x0]  }
0x2: {  	s5 =	rddreg [dreg:$0x1];
	s2 =	simm.s32 $0x0;
	s3 =	sand.u32 $0x1, s0  }
0x3: {  	s0 =	stileid.u32;
	[smem:$0x7FF] =	sst s2;
	s1 =	sshll.u32 s3, $0x4  }
0x4: {  	s3 =	ssub.s32 $0x2, s3;
	s30 =	sshll.u32 s0, $0x4;
	s9 =	sor.u32 s0, s1  }
0x5: {  	s1 =	rddreg [dreg:$0x2];
	s8 =	sshrl.u32 s3, $0x1;
	s6 =	smul.u32 $0x4F0, s9  }
0x6: {  	_ =	strace $0x80000047;
	s7 =	smul.u32 $0x2700, s9;
	s31 =	ssub.s32 s3, s8  }
0x7: {  	s8 =	simm.s32 $0x2780;
	p0 =	sgt.u32 s9, $0x3;
	s9 =	simm.s32 $0x0  }
0x8: {  	s5 =	sadd.s32 s6, s5;
	s29 =	sshrl.u32 s7, $0x3;
	s7 =	simm.s32 $0x1  }
0x9: {  	s6 =	sadd.s32 s4, s29;
	s4 =	sadd.s32 s30, s4;
	s5 =	sadd.s32 $0x1A00, s5  }
0xa: {  	v0 =	vimm.f32 $0.0e+00;
	v1 =	vimm.f32 $1.000000000e+00;
	s3 =	sadd.s32 $0x9C40, s6;
	s4 =	sadd.s32 $0x13840, s4;
	s6 =	smax.u32 s31, $0x1  }
.LBB2_1:
0xb: {  	s10 =	simm.s32 $0x40;
	s11 =	simm.s32 $0x0  }
.LBB2_2:
0xc: {  	p1 =	sne.s32 s10, $0x9DC0;
	[tilespmem:s11+$0x2780] =	vst v0;
	s11 =	smov.u32 s10;
	s10 =	sadd.s32 $0x40, s10  }
.Ltmp0:
0xd: {  	(pc) =	sbr.rel @p1 .LBB2_2-.Ltmp0, $2  }
0xe: {  	_ =	sdelay $0x2  }
0xf: {  	s11 =	sshra.s32 s11, $0x2  }
0x10: {  	[tilespmem:s11+$0x2780] =	vst v0  }
0x11: {  	[tilespmem:s2], [sflag:$0x1] =	stream.linear.gather [hbm4b:s3+s2], $0x2700, $0x38;
	[tilespmem:$0x4F00] =	vst v63  }
0x12: {  	_ =	swait.ge [sflag:s7], $0x2700  }
0x13: {  	[sflag:s7] =	ssyncset.done $0x0  }
0x14: {  	s10 =	simm.s32 $0x1C0;
	[sflag:s7] =	ssyncadd.s32 $0xFFFFD900  }
.LBB2_4:
0x15: {  	s11 =	sshra.s32 s10, $0x2  }
0x16: {  	v2 =	vld [tilespmem:s11+$0xFFFFFF90];
	_ =	sdelay $0x7  }
0x17: {  	[tilespmem:v2+s8+$0x0] =	vst.idx.add.f32.msk $0xffff, v1  }
0x18: {  	v2 =	vld [tilespmem:s11+$0xFFFFFFA0];
	_ =	sdelay $0x7  }
0x19: {  	[tilespmem:v2+s8+$0x0] =	vst.idx.add.f32.msk $0xffff, v1  }
0x1a: {  	v2 =	vld [tilespmem:s11+$0xFFFFFFB0];
	_ =	sdelay $0x7  }
0x1b: {  	[tilespmem:v2+s8+$0x0] =	vst.idx.add.f32.msk $0xffff, v1  }
0x1c: {  	v2 =	vld [tilespmem:s11+$0xFFFFFFC0];
	_ =	sdelay $0x7  }
0x1d: {  	[tilespmem:v2+s8+$0x0] =	vst.idx.add.f32.msk $0xffff, v1  }
0x1e: {  	v2 =	vld [tilespmem:s11+$0xFFFFFFD0];
	_ =	sdelay $0x7  }
0x1f: {  	[tilespmem:v2+s8+$0x0] =	vst.idx.add.f32.msk $0xffff, v1  }
0x20: {  	v2 =	vld [tilespmem:s11+$0xFFFFFFE0];
	_ =	sdelay $0x7  }
0x21: {  	[tilespmem:v2+s8+$0x0] =	vst.idx.add.f32.msk $0xffff, v1  }
0x22: {  	v2 =	vld [tilespmem:s11+$0xFFFFFFF0];
	_ =	sdelay $0x7  }
0x23: {  	[tilespmem:v2+s8+$0x0] =	vst.idx.add.f32.msk $0xffff, v1  }
0x24: {  	v2 =	vld [tilespmem:s11+$0x0];
	_ =	sdelay $0x2  }
0x25: {  	p1 =	sne.s32 s10, $0x9BC0  }
.Ltmp1:
0x26: {  	_ = 	snop;
	(pc) =	sbr.rel @p1 .LBB2_4-.Ltmp1, $2  }
0x27: {  	_ =	sdelay $0x2  }
0x28: {  	s10 =	sadd.s32 $0x200, s10;
	[tilespmem:v2+s8+$0x0] =	vst.idx.add.f32.msk $0xffff, v1  }
0x29: {  	s10 =	simm.s32 @!p0 $0x0;
	s11 =	simm.s32 @!p0 $0x2700  }
0x2a: {  	[tilespmem:s11], [sflag:$0x1] =	stream.linear.gather @!p0 [hbm4b:s4+s10], $0x80, $0x38;
	[tilespmem:$0x4F00] =	vst v63  }
0x2b: {  	s10 =	simm.s32 @!p0 $0x1  }
0x2c: {  	_ =	swait.ge @!p0 [sflag:s10], $0x80  }
0x2d: {  	[sflag:s10] =	ssyncset.done @!p0 $0x0  }
0x2e: {  	[sflag:s10] =	ssyncadd.s32 @!p0 $0xFFFFFF80  }
0x2f: {  	v2 =	vld @!p0 [tilespmem:$0x2700];
	_ =	sdelay $0x6  }
0x30: {  	v3 =	vimm.f32 @!p0 $1.000000000e+00;
	s10 =	simm.s32 @!p0 $0x2780  }
0x31: {  	[tilespmem:v2+s10+$0x0] =	vst.idx.add.f32.msk @!p0 $0xffff, v3  }
0x32: {  	v2 =	vld @!p0 [tilespmem:$0x2710];
	_ =	sdelay $0x7  }
0x33: {  	[tilespmem:v2+s10+$0x0] =	vst.idx.add.f32.msk @!p0 $0xffff, v3  }
0x34: {  	v2 =	vld @!p0 [tilespmem:$0x2720];
	_ =	sdelay $0x7  }
0x35: {  	[tilespmem:v2+s10+$0x0] =	vst.idx.add.f32.msk @!p0 $0xffff, v3  }
0x36: {  	v2 =	vld @!p0 [tilespmem:$0x2730];
	_ =	sdelay $0x7  }
0x37: {  	[tilespmem:v2+s10+$0x0] =	vst.idx.add.f32.msk @!p0 $0xffff, v3  }
0x38: {  	v2 =	vld @!p0 [tilespmem:$0x2740];
	_ =	sdelay $0x7  }
0x39: {  	[tilespmem:v2+s10+$0x0] =	vst.idx.add.f32.msk @!p0 $0xffff, v3  }
0x3a: {  	v2 =	vld @!p0 [tilespmem:$0x2750];
	_ =	sdelay $0x7  }
0x3b: {  	[tilespmem:v2+s10+$0x0] =	vst.idx.add.f32.msk @!p0 $0xffff, v3  }
0x3c: {  	v2 =	vld @!p0 [tilespmem:$0x2760];
	_ =	sdelay $0x7  }
0x3d: {  	[tilespmem:v2+s10+$0x0] =	vst.idx.add.f32.msk @!p0 $0xffff, v3  }
0x3e: {  	v2 =	vld @!p0 [tilespmem:$0x2770];
	_ =	sdelay $0x5  }
0x3f: {  	s9 =	sadd.s32 $0x1, s9  }
0x40: {  	p1 =	sne.s32 s9, s6  }
.Ltmp2:
0x41: {  	[tilespmem:v2+s10+$0x0] =	vst.idx.add.f32.msk @!p0 $0xffff, v3;
	(pc) =	sbr.rel @p1 .LBB2_1-.Ltmp2, $4  }
0x42: {  	[hbm4b:s5+s2] =	stream.linear.scatter [tilespmem:s8], [sflag:$0x1], $0x2780, $0x38;
	[tilespmem:$0x4F00] =	vst v63  }
0x43: {  	_ =	swait.ge [sflag:s7], $0x2780  }
0x44: {  	[sflag:s7] =	ssyncset.done $0x0  }
0x45: {  	[sflag:s7] =	ssyncadd.s32 $0xFFFFD880  }
0x46: {  	_ =	sfence.sel $0x180000  }
0x47: {  	[bflag:$0x0] =	sbarrier.arrive $0xFFFF  }
0x48: {  	p0 =	sne.s32 s0, $0x0;
	_ =	strace $0x90000047  }
0x49: {  	s0 =	sadd.s32 @!p0 $0x100000, s1;
	[bflag:$0x2] =	sbarrier.arrive $0xFFFF  }
0x4a: {  	[sflag:s0] =	ssyncadd.tile.s32 @!p0 $0x1;
	_ =	shalt  }
.Lfunc_end2:
_tile_overlayer_lowered:
.L_overlay_start_2:
0x4b: {  	(tag) =	ssettag $0x2  }
0x4c: {  	s0 =	rddreg [dreg:$0x0];
	s2 =	stileid.u32  }
0x4d: {  	s1 =	rddreg [dreg:$0x1];
	p0 =	sne.s32 s2, $0x0  }
0x4e: {  	s3 =	rddreg [dreg:$0x2];
	[bflag:$0x3] =	sbarrier.arrive $0xFFFF;
	s2 =	simm.s32 @!p0 $0x1C01  }
0x4f: {  	[timem:s3], [sflag:s2] =	dma.local @!p0 [hbm:s0], s1  }
0x50: {  	s0 =	simm.s32 @!p0 $0x1  }
0x51: {  	_ =	swait.ge @!p0 [sflag:s0], s1  }
0x52: {  	s1 =	ssub.s32 @!p0 $0x0, s1;
	[sflag:s0] =	ssyncset.done @!p0 $0x0  }
0x53: {  	[sflag:s0] =	ssyncadd.s32 @!p0 s1  }
0x54: {  	[bflag:$0x3] =	sbarrier.arrive $0xFFFF  }
0x55: {  	_ =	shalt  }

</sc_bundles>
